<compile_context>
chip_gen: v7x
topology: tpu7x:2x2x1
jax: 0.10.2.dev20260603
libtpu: 0.0.44.dev20260713+nightly
codegen_flags: <defaults>
</compile_context>

<pallas_src>
import functools

import jax
import jax.numpy as jnp
from jax import lax
from jax.experimental import pallas as pl
from jax.experimental.pallas import tpu as pltpu
from jax.experimental.pallas import tpu_sc as plsc

N = 16384
C = 26
CARD = 100
D = C * CARD
NW = 32
SAMPLES_PER_W = N // NW
FB = 2 * CARD
SB = 128
NH = SAMPLES_PER_W // SB
NSUB = SB // 16
NCHUNK = (C // 2) * NH
NBUF = 4

_OUT_DTYPE = jax.dtypes.canonicalize_dtype(jnp.int64)

_mesh = plsc.VectorSubcoreMesh(core_axis_name="c", subcore_axis_name="s")


@functools.partial(
    pl.kernel,
    mesh=_mesh,
    compiler_params=pltpu.CompilerParams(needs_layout_passes=False),
    out_type=jax.ShapeDtypeStruct((D, N), _OUT_DTYPE),
    scratch_types=[
        pltpu.VMEM((C, SAMPLES_PER_W), jnp.int32),
        pltpu.VMEM((FB, SB), _OUT_DTYPE),
        pltpu.VMEM((FB, SB), _OUT_DTYPE),
        pltpu.VMEM((FB, SB), _OUT_DTYPE),
        pltpu.VMEM((FB, SB), _OUT_DTYPE),
        pltpu.SemaphoreType.DMA,
        pltpu.SemaphoreType.DMA,
        pltpu.SemaphoreType.DMA,
        pltpu.SemaphoreType.DMA,
        pltpu.SemaphoreType.DMA,
    ],
)
def _one_hot_sc(xt_hbm, out_hbm, xv, buf0, buf1, buf2, buf3,
                sem0, sem1, sem2, sem3, semx):
    wid = lax.axis_index("s") * 2 + lax.axis_index("c")
    base = wid * SAMPLES_PER_W

    pltpu.async_copy(xt_hbm.at[:, pl.ds(base, SAMPLES_PER_W)], xv, semx)

    lanes = lax.iota(jnp.int32, 16)
    ones = jnp.full((16,), 1, _OUT_DTYPE)
    zeros = jnp.zeros((16,), _OUT_DTYPE)
    zvec = jnp.zeros((16,), _OUT_DTYPE)

    bufs = (buf0, buf1, buf2, buf3)
    sems = (sem0, sem1, sem2, sem3)

    def _memset(buf):
        def _zero(r, _):
            for k in range(NSUB):
                buf[r, pl.ds(k * 16, 16)] = zvec
            return _
        lax.fori_loop(0, FB, _zero, 0)

    _memset(bufs[0])
    pltpu.make_async_copy(
        xt_hbm.at[:, pl.ds(base, SAMPLES_PER_W)], xv, semx).wait()

    def _scatter_chunk(buf, q, data):
        c2 = q // NH
        h = q - c2 * NH
        for c_off in range(2):
            c = 2 * c2 + c_off
            for k in range(NSUB):
                s = k * 16
                vals = xv[c, pl.ds(h * SB + s, 16)]
                feat = vals + (c_off * CARD)
                col = lanes + s
                plsc.store_scatter(buf, [feat, col], data)

    def _dma_out(buf, sem, q):
        c2 = q // NH
        h = q - c2 * NH
        dst = out_hbm.at[pl.ds(c2 * FB, FB), pl.ds(base + h * SB, SB)]
        pltpu.async_copy(buf, dst, sem)

    def _dma_wait(buf, sem):
        dst = out_hbm.at[pl.ds(0, FB), pl.ds(base, SB)]
        pltpu.make_async_copy(buf, dst, sem).wait()

    for b in range(NBUF):
        if b > 0:
            _memset(bufs[b])
        _scatter_chunk(bufs[b], b, ones)
        _dma_out(bufs[b], sems[b], b)

    def _body(i, _):
        for b in range(NBUF):
            q = i * NBUF + NBUF + b
            _dma_wait(bufs[b], sems[b])
            _scatter_chunk(bufs[b], q - NBUF, zeros)
            _scatter_chunk(bufs[b], q, ones)
            _dma_out(bufs[b], sems[b], q)
        return _
    lax.fori_loop(0, (NCHUNK - NBUF) // NBUF, _body, 0)

    for b in range(NBUF):
        _dma_wait(bufs[b], sems[b])


def kernel(x):
    out_t = _one_hot_sc(jnp.asarray(x, jnp.int32).T)
    return out_t.T

# --- scband reference (transcript-rebuilt; emitter-appended) ---
"""Pipeline reference for scband-one-hot-encoder-26774826123301 (READ-ONLY COPY).

The authoritative reference and input builder live on the scoring server;
editing this copy changes nothing except your own understanding.
"""

import jax, jax.numpy as jnp
import numpy as np

CARDINALITIES = [100] * 26

def setup_inputs(seed: int = 0) -> dict:
    key = jax.random.key(seed)
    x = jax.random.randint(key, (16384, 26), 0, 100, dtype=jnp.int64)
    return {"x": x}

def reference(x) -> jnp.ndarray:
    # Faithful translation of OneHotEncoder.forward:
    # one-hot each column with its cardinality, concat along last dim.
    encoded_columns = [
        jax.nn.one_hot(x[..., col], card, dtype=jnp.int64)
        for col, card in zip(range(x.shape[-1]), CARDINALITIES)
    ]
    return jnp.concatenate(encoded_columns, axis=-1)

if __name__ == "__main__":
    import jax
    _d = setup_inputs()
    print(jax.jit(kernel)(*tuple(_d.values())))

</pallas_src>

<mosaic_0001>
#map = affine_map<(d0, d1) -> (0, 0)>
module attributes {stable_mosaic.version = 14 : i64} {
  func.func @_one_hot_sc(%arg0: i32, %arg1: i32, %arg2: memref<26x16384xi32, #tpu.memory_space<hbm>>, %arg3: memref<2600x16384xi32, #tpu.memory_space<hbm>>, %arg4: memref<26x512xi32, #tpu.memory_space<vmem>>, %arg5: memref<200x128xi32, #tpu.memory_space<vmem>>, %arg6: memref<200x128xi32, #tpu.memory_space<vmem>>, %arg7: memref<200x128xi32, #tpu.memory_space<vmem>>, %arg8: memref<200x128xi32, #tpu.memory_space<vmem>>, %arg9: memref<!tpu.dma_semaphore, #tpu.memory_space<semaphore_mem>>, %arg10: memref<!tpu.dma_semaphore, #tpu.memory_space<semaphore_mem>>, %arg11: memref<!tpu.dma_semaphore, #tpu.memory_space<semaphore_mem>>, %arg12: memref<!tpu.dma_semaphore, #tpu.memory_space<semaphore_mem>>, %arg13: memref<!tpu.dma_semaphore, #tpu.memory_space<semaphore_mem>>) attributes {dimension_semantics = [#tpu.dimension_semantics<core_parallel>, #tpu.dimension_semantics<subcore_parallel>], iteration_bounds = array<i64: 2, 16>, scalar_prefetch = 0 : i64, scratch_operands = 10 : i64, tpu.core_type = #tpu.core_type<sc_vector_subcore>, window_params = [{transform_indices = #map}, {transform_indices = #map}]} {
    %mul3A = arith.constant 2 : i32
    %mul3A_0 = arith.muli %arg1, %mul3A : i32
    %add3A = arith.addi %mul3A_0, %arg0 : i32
    %mul3A_1 = arith.constant 512 : i32
    %mul3A_2 = arith.muli %add3A, %mul3A_1 : i32
    %dma_start3A = arith.constant 0 : i32
    %dma_start3A_3 = tpu.memref_slice %arg2[%dma_start3A, %mul3A_2] : memref<26x16384xi32, #tpu.memory_space<hbm>> -> memref<26x512xi32, #tpu.memory_space<hbm>>
    %dma_start3A_4 = arith.constant 0 : i32
    %dma_start3A_5 = tpu.memref_slice %arg2[%dma_start3A_4, %mul3A_2] : memref<26x16384xi32, #tpu.memory_space<hbm>> -> memref<26x512xi32, #tpu.memory_space<hbm>>
    tpu.enqueue_dma source(%dma_start3A_5 : memref<26x512xi32, #tpu.memory_space<hbm>>) target(%arg4 : memref<26x512xi32, #tpu.memory_space<vmem>>) target_semaphore(%arg13 : memref<!tpu.dma_semaphore, #tpu.memory_space<semaphore_mem>>)
    %iota3A = tpu.iota {dimensions = array<i32: 0>} : vector<16xi32>
    %broadcast_in_dim3A = arith.constant 1 : i32
    %broadcast_in_dim3A_6 = vector.broadcast %broadcast_in_dim3A : i32 to vector<16xi32>
    %broadcast_in_dim3A_7 = arith.constant 0 : i32
    %broadcast_in_dim3A_8 = vector.broadcast %broadcast_in_dim3A_7 : i32 to vector<16xi32>
    %broadcast_in_dim3A_9 = arith.constant 0 : i32
    %broadcast_in_dim3A_10 = vector.broadcast %broadcast_in_dim3A_9 : i32 to vector<16xi32>
    %scan3A = arith.constant 0 : i32
    %scan3A_11 = arith.constant 0 : i32
    %scan3A_12 = arith.constant 200 : i32
    %scan3A_13 = arith.addi %scan3A_11, %scan3A_12 : i32
    %scan3A_14 = arith.constant 1 : i32
    scf.for %scan3A_722 = %scan3A_11 to %scan3A_13 step %scan3A_14  : i32 {
      %swap3A = arith.index_cast %scan3A_722 : i32 to index
      %swap3A_723 = arith.constant 0 : index
      %swap3A_724 = tpu.vector_load %arg5[%swap3A, %swap3A_723] {strides = array<i32>} : memref<200x128xi32, #tpu.memory_space<vmem>>, vector<16xi32>,
      tpu.vector_store %arg5[%swap3A, %swap3A_723], %broadcast_in_dim3A_10 {strides = array<i32>} : memref<200x128xi32, #tpu.memory_space<vmem>>, vector<16xi32>,
      %swap3A_725 = arith.index_cast %scan3A_722 : i32 to index
      %swap3A_726 = arith.constant 16 : index
      %swap3A_727 = tpu.vector_load %arg5[%swap3A_725, %swap3A_726] {strides = array<i32>} : memref<200x128xi32, #tpu.memory_space<vmem>>, vector<16xi32>,
      tpu.vector_store %arg5[%swap3A_725, %swap3A_726], %broadcast_in_dim3A_10 {strides = array<i32>} : memref<200x128xi32, #tpu.memory_space<vmem>>, vector<16xi32>,
      %swap3A_728 = arith.index_cast %scan3A_722 : i32 to index
      %swap3A_729 = arith.constant 32 : index
      %swap3A_730 = tpu.vector_load %arg5[%swap3A_728, %swap3A_729] {strides = array<i32>} : memref<200x128xi32, #tpu.memory_space<vmem>>, vector<16xi32>,
      tpu.vector_store %arg5[%swap3A_728, %swap3A_729], %broadcast_in_dim3A_10 {strides = array<i32>} : memref<200x128xi32, #tpu.memory_space<vmem>>, vector<16xi32>,
      %swap3A_731 = arith.index_cast %scan3A_722 : i32 to index
      %swap3A_732 = arith.constant 48 : index
      %swap3A_733 = tpu.vector_load %arg5[%swap3A_731, %swap3A_732] {strides = array<i32>} : memref<200x128xi32, #tpu.memory_space<vmem>>, vector<16xi32>,
      tpu.vector_store %arg5[%swap3A_731, %swap3A_732], %broadcast_in_dim3A_10 {strides = array<i32>} : memref<200x128xi32, #tpu.memory_space<vmem>>, vector<16xi32>,
      %swap3A_734 = arith.index_cast %scan3A_722 : i32 to index
      %swap3A_735 = arith.constant 64 : index
      %swap3A_736 = tpu.vector_load %arg5[%swap3A_734, %swap3A_735] {strides = array<i32>} : memref<200x128xi32, #tpu.memory_space<vmem>>, vector<16xi32>,
      tpu.vector_store %arg5[%swap3A_734, %swap3A_735], %broadcast_in_dim3A_10 {strides = array<i32>} : memref<200x128xi32, #tpu.memory_space<vmem>>, vector<16xi32>,
      %swap3A_737 = arith.index_cast %scan3A_722 : i32 to index
      %swap3A_738 = arith.constant 80 : index
      %swap3A_739 = tpu.vector_load %arg5[%swap3A_737, %swap3A_738] {strides = array<i32>} : memref<200x128xi32, #tpu.memory_space<vmem>>, vector<16xi32>,
      tpu.vector_store %arg5[%swap3A_737, %swap3A_738], %broadcast_in_dim3A_10 {strides = array<i32>} : memref<200x128xi32, #tpu.memory_space<vmem>>, vector<16xi32>,
      %swap3A_740 = arith.index_cast %scan3A_722 : i32 to index
      %swap3A_741 = arith.constant 96 : index
      %swap3A_742 = tpu.vector_load %arg5[%swap3A_740, %swap3A_741] {strides = array<i32>} : memref<200x128xi32, #tpu.memory_space<vmem>>, vector<16xi32>,
      tpu.vector_store %arg5[%swap3A_740, %swap3A_741], %broadcast_in_dim3A_10 {strides = array<i32>} : memref<200x128xi32, #tpu.memory_space<vmem>>, vector<16xi32>,
      %swap3A_743 = arith.index_cast %scan3A_722 : i32 to index
      %swap3A_744 = arith.constant 112 : index
      %swap3A_745 = tpu.vector_load %arg5[%swap3A_743, %swap3A_744] {strides = array<i32>} : memref<200x128xi32, #tpu.memory_space<vmem>>, vector<16xi32>,
      tpu.vector_store %arg5[%swap3A_743, %swap3A_744], %broadcast_in_dim3A_10 {strides = array<i32>} : memref<200x128xi32, #tpu.memory_space<vmem>>, vector<16xi32>,
    }
    %scan3A_15 = arith.constant 200 : i32
    %dma_wait3A = arith.constant 0 : i32
    %dma_wait3A_16 = tpu.memref_slice %arg2[%dma_wait3A, %mul3A_2] : memref<26x16384xi32, #tpu.memory_space<hbm>> -> memref<26x512xi32, #tpu.memory_space<hbm>>
    %dma_wait3A_17 = arith.constant 0 : i32
    %dma_wait3A_18 = tpu.memref_slice %arg2[%dma_wait3A_17, %mul3A_2] : memref<26x16384xi32, #tpu.memory_space<hbm>> -> memref<26x512xi32, #tpu.memory_space<hbm>>
    tpu.wait_dma2 semaphore(%arg13 : memref<!tpu.dma_semaphore, #tpu.memory_space<semaphore_mem>>) src(%dma_wait3A_18 : memref<26x512xi32, #tpu.memory_space<hbm>>) dst(%arg4 : memref<26x512xi32, #tpu.memory_space<vmem>>)
    %get3A = arith.constant 0 : i32
    %get3A_19 = arith.index_cast %get3A : i32 to index
    %get3A_20 = arith.constant 0 : index
    %get3A_21 = tpu.vector_load %arg4[%get3A_19, %get3A_20] {strides = array<i32>} : memref<26x512xi32, #tpu.memory_space<vmem>>, vector<16xi32>,
    %add3A_22 = arith.constant 0 : i32
    %add3A_23 = vector.broadcast %add3A_22 : i32 to vector<16xi32>
    %add3A_24 = arith.addi %get3A_21, %add3A_23 : vector<16xi32>
    %add3A_25 = arith.constant 0 : i32
    %add3A_26 = vector.broadcast %add3A_25 : i32 to vector<16xi32>
    %add3A_27 = arith.addi %iota3A, %add3A_26 : vector<16xi32>
    tpu.vector_store_idx %arg5[%add3A_24, %add3A_27], %broadcast_in_dim3A_6 : memref<200x128xi32, #tpu.memory_space<vmem>>[vector<16xi32>, vector<16xi32>], vector<16xi32>,
    %get3A_28 = arith.constant 0 : i32
    %get3A_29 = arith.index_cast %get3A_28 : i32 to index
    %get3A_30 = arith.constant 16 : index
    %get3A_31 = tpu.vector_load %arg4[%get3A_29, %get3A_30] {strides = array<i32>} : memref<26x512xi32, #tpu.memory_space<vmem>>, vector<16xi32>,
    %add3A_32 = arith.constant 0 : i32
    %add3A_33 = vector.broadcast %add3A_32 : i32 to vector<16xi32>
    %add3A_34 = arith.addi %get3A_31, %add3A_33 : vector<16xi32>
    %add3A_35 = arith.constant 16 : i32
    %add3A_36 = vector.broadcast %add3A_35 : i32 to vector<16xi32>
    %add3A_37 = arith.addi %iota3A, %add3A_36 : vector<16xi32>
    tpu.vector_store_idx %arg5[%add3A_34, %add3A_37], %broadcast_in_dim3A_6 : memref<200x128xi32, #tpu.memory_space<vmem>>[vector<16xi32>, vector<16xi32>], vector<16xi32>,
    %get3A_38 = arith.constant 0 : i32
    %get3A_39 = arith.index_cast %get3A_38 : i32 to index
    %get3A_40 = arith.constant 32 : index
    %get3A_41 = tpu.vector_load %arg4[%get3A_39, %get3A_40] {strides = array<i32>} : memref<26x512xi32, #tpu.memory_space<vmem>>, vector<16xi32>,
    %add3A_42 = arith.constant 0 : i32
    %add3A_43 = vector.broadcast %add3A_42 : i32 to vector<16xi32>
    %add3A_44 = arith.addi %get3A_41, %add3A_43 : vector<16xi32>
    %add3A_45 = arith.constant 32 : i32
    %add3A_46 = vector.broadcast %add3A_45 : i32 to vector<16xi32>
    %add3A_47 = arith.addi %iota3A, %add3A_46 : vector<16xi32>
    tpu.vector_store_idx %arg5[%add3A_44, %add3A_47], %broadcast_in_dim3A_6 : memref<200x128xi32, #tpu.memory_space<vmem>>[vector<16xi32>, vector<16xi32>], vector<16xi32>,
    %get3A_48 = arith.constant 0 : i32
    %get3A_49 = arith.index_cast %get3A_48 : i32 to index
    %get3A_50 = arith.constant 48 : index
    %get3A_51 = tpu.vector_load %arg4[%get3A_49, %get3A_50] {strides = array<i32>} : memref<26x512xi32, #tpu.memory_space<vmem>>, vector<16xi32>,
    %add3A_52 = arith.constant 0 : i32
    %add3A_53 = vector.broadcast %add3A_52 : i32 to vector<16xi32>
    %add3A_54 = arith.addi %get3A_51, %add3A_53 : vector<16xi32>
    %add3A_55 = arith.constant 48 : i32
    %add3A_56 = vector.broadcast %add3A_55 : i32 to vector<16xi32>
    %add3A_57 = arith.addi %iota3A, %add3A_56 : vector<16xi32>
    tpu.vector_store_idx %arg5[%add3A_54, %add3A_57], %broadcast_in_dim3A_6 : memref<200x128xi32, #tpu.memory_space<vmem>>[vector<16xi32>, vector<16xi32>], vector<16xi32>,
    %get3A_58 = arith.constant 0 : i32
    %get3A_59 = arith.index_cast %get3A_58 : i32 to index
    %get3A_60 = arith.constant 64 : index
    %get3A_61 = tpu.vector_load %arg4[%get3A_59, %get3A_60] {strides = array<i32>} : memref<26x512xi32, #tpu.memory_space<vmem>>, vector<16xi32>,
    %add3A_62 = arith.constant 0 : i32
    %add3A_63 = vector.broadcast %add3A_62 : i32 to vector<16xi32>
    %add3A_64 = arith.addi %get3A_61, %add3A_63 : vector<16xi32>
    %add3A_65 = arith.constant 64 : i32
    %add3A_66 = vector.broadcast %add3A_65 : i32 to vector<16xi32>
    %add3A_67 = arith.addi %iota3A, %add3A_66 : vector<16xi32>
    tpu.vector_store_idx %arg5[%add3A_64, %add3A_67], %broadcast_in_dim3A_6 : memref<200x128xi32, #tpu.memory_space<vmem>>[vector<16xi32>, vector<16xi32>], vector<16xi32>,
    %get3A_68 = arith.constant 0 : i32
    %get3A_69 = arith.index_cast %get3A_68 : i32 to index
    %get3A_70 = arith.constant 80 : index
    %get3A_71 = tpu.vector_load %arg4[%get3A_69, %get3A_70] {strides = array<i32>} : memref<26x512xi32, #tpu.memory_space<vmem>>, vector<16xi32>,
    %add3A_72 = arith.constant 0 : i32
    %add3A_73 = vector.broadcast %add3A_72 : i32 to vector<16xi32>
    %add3A_74 = arith.addi %get3A_71, %add3A_73 : vector<16xi32>
    %add3A_75 = arith.constant 80 : i32
    %add3A_76 = vector.broadcast %add3A_75 : i32 to vector<16xi32>
    %add3A_77 = arith.addi %iota3A, %add3A_76 : vector<16xi32>
    tpu.vector_store_idx %arg5[%add3A_74, %add3A_77], %broadcast_in_dim3A_6 : memref<200x128xi32, #tpu.memory_space<vmem>>[vector<16xi32>, vector<16xi32>], vector<16xi32>,
    %get3A_78 = arith.constant 0 : i32
    %get3A_79 = arith.index_cast %get3A_78 : i32 to index
    %get3A_80 = arith.constant 96 : index
    %get3A_81 = tpu.vector_load %arg4[%get3A_79, %get3A_80] {strides = array<i32>} : memref<26x512xi32, #tpu.memory_space<vmem>>, vector<16xi32>,
    %add3A_82 = arith.constant 0 : i32
    %add3A_83 = vector.broadcast %add3A_82 : i32 to vector<16xi32>
    %add3A_84 = arith.addi %get3A_81, %add3A_83 : vector<16xi32>
    %add3A_85 = arith.constant 96 : i32
    %add3A_86 = vector.broadcast %add3A_85 : i32 to vector<16xi32>
    %add3A_87 = arith.addi %iota3A, %add3A_86 : vector<16xi32>
    tpu.vector_store_idx %arg5[%add3A_84, %add3A_87], %broadcast_in_dim3A_6 : memref<200x128xi32, #tpu.memory_space<vmem>>[vector<16xi32>, vector<16xi32>], vector<16xi32>,
    %get3A_88 = arith.constant 0 : i32
    %get3A_89 = arith.index_cast %get3A_88 : i32 to index
    %get3A_90 = arith.constant 112 : index
    %get3A_91 = tpu.vector_load %arg4[%get3A_89, %get3A_90] {strides = array<i32>} : memref<26x512xi32, #tpu.memory_space<vmem>>, vector<16xi32>,
    %add3A_92 = arith.constant 0 : i32
    %add3A_93 = vector.broadcast %add3A_92 : i32 to vector<16xi32>
    %add3A_94 = arith.addi %get3A_91, %add3A_93 : vector<16xi32>
    %add3A_95 = arith.constant 112 : i32
    %add3A_96 = vector.broadcast %add3A_95 : i32 to vector<16xi32>
    %add3A_97 = arith.addi %iota3A, %add3A_96 : vector<16xi32>
    tpu.vector_store_idx %arg5[%add3A_94, %add3A_97], %broadcast_in_dim3A_6 : memref<200x128xi32, #tpu.memory_space<vmem>>[vector<16xi32>, vector<16xi32>], vector<16xi32>,
    %get3A_98 = arith.constant 1 : i32
    %get3A_99 = arith.index_cast %get3A_98 : i32 to index
    %get3A_100 = arith.constant 0 : index
    %get3A_101 = tpu.vector_load %arg4[%get3A_99, %get3A_100] {strides = array<i32>} : memref<26x512xi32, #tpu.memory_space<vmem>>, vector<16xi32>,
    %add3A_102 = arith.constant 100 : i32
    %add3A_103 = vector.broadcast %add3A_102 : i32 to vector<16xi32>
    %add3A_104 = arith.addi %get3A_101, %add3A_103 : vector<16xi32>
    %add3A_105 = arith.constant 0 : i32
    %add3A_106 = vector.broadcast %add3A_105 : i32 to vector<16xi32>
    %add3A_107 = arith.addi %iota3A, %add3A_106 : vector<16xi32>
    tpu.vector_store_idx %arg5[%add3A_104, %add3A_107], %broadcast_in_dim3A_6 : memref<200x128xi32, #tpu.memory_space<vmem>>[vector<16xi32>, vector<16xi32>], vector<16xi32>,
    %get3A_108 = arith.constant 1 : i32
    %get3A_109 = arith.index_cast %get3A_108 : i32 to index
    %get3A_110 = arith.constant 16 : index
    %get3A_111 = tpu.vector_load %arg4[%get3A_109, %get3A_110] {strides = array<i32>} : memref<26x512xi32, #tpu.memory_space<vmem>>, vector<16xi32>,
    %add3A_112 = arith.constant 100 : i32
    %add3A_113 = vector.broadcast %add3A_112 : i32 to vector<16xi32>
    %add3A_114 = arith.addi %get3A_111, %add3A_113 : vector<16xi32>
    %add3A_115 = arith.constant 16 : i32
    %add3A_116 = vector.broadcast %add3A_115 : i32 to vector<16xi32>
    %add3A_117 = arith.addi %iota3A, %add3A_116 : vector<16xi32>
    tpu.vector_store_idx %arg5[%add3A_114, %add3A_117], %broadcast_in_dim3A_6 : memref<200x128xi32, #tpu.memory_space<vmem>>[vector<16xi32>, vector<16xi32>], vector<16xi32>,
    %get3A_118 = arith.constant 1 : i32
    %get3A_119 = arith.index_cast %get3A_118 : i32 to index
    %get3A_120 = arith.constant 32 : index
    %get3A_121 = tpu.vector_load %arg4[%get3A_119, %get3A_120] {strides = array<i32>} : memref<26x512xi32, #tpu.memory_space<vmem>>, vector<16xi32>,
    %add3A_122 = arith.constant 100 : i32
    %add3A_123 = vector.broadcast %add3A_122 : i32 to vector<16xi32>
    %add3A_124 = arith.addi %get3A_121, %add3A_123 : vector<16xi32>
    %add3A_125 = arith.constant 32 : i32
    %add3A_126 = vector.broadcast %add3A_125 : i32 to vector<16xi32>
    %add3A_127 = arith.addi %iota3A, %add3A_126 : vector<16xi32>
    tpu.vector_store_idx %arg5[%add3A_124, %add3A_127], %broadcast_in_dim3A_6 : memref<200x128xi32, #tpu.memory_space<vmem>>[vector<16xi32>, vector<16xi32>], vector<16xi32>,
    %get3A_128 = arith.constant 1 : i32
    %get3A_129 = arith.index_cast %get3A_128 : i32 to index
    %get3A_130 = arith.constant 48 : index
    %get3A_131 = tpu.vector_load %arg4[%get3A_129, %get3A_130] {strides = array<i32>} : memref<26x512xi32, #tpu.memory_space<vmem>>, vector<16xi32>,
    %add3A_132 = arith.constant 100 : i32
    %add3A_133 = vector.broadcast %add3A_132 : i32 to vector<16xi32>
    %add3A_134 = arith.addi %get3A_131, %add3A_133 : vector<16xi32>
    %add3A_135 = arith.constant 48 : i32
    %add3A_136 = vector.broadcast %add3A_135 : i32 to vector<16xi32>
    %add3A_137 = arith.addi %iota3A, %add3A_136 : vector<16xi32>
    tpu.vector_store_idx %arg5[%add3A_134, %add3A_137], %broadcast_in_dim3A_6 : memref<200x128xi32, #tpu.memory_space<vmem>>[vector<16xi32>, vector<16xi32>], vector<16xi32>,
    %get3A_138 = arith.constant 1 : i32
    %get3A_139 = arith.index_cast %get3A_138 : i32 to index
    %get3A_140 = arith.constant 64 : index
    %get3A_141 = tpu.vector_load %arg4[%get3A_139, %get3A_140] {strides = array<i32>} : memref<26x512xi32, #tpu.memory_space<vmem>>, vector<16xi32>,
    %add3A_142 = arith.constant 100 : i32
    %add3A_143 = vector.broadcast %add3A_142 : i32 to vector<16xi32>
    %add3A_144 = arith.addi %get3A_141, %add3A_143 : vector<16xi32>
    %add3A_145 = arith.constant 64 : i32
    %add3A_146 = vector.broadcast %add3A_145 : i32 to vector<16xi32>
    %add3A_147 = arith.addi %iota3A, %add3A_146 : vector<16xi32>
    tpu.vector_store_idx %arg5[%add3A_144, %add3A_147], %broadcast_in_dim3A_6 : memref<200x128xi32, #tpu.memory_space<vmem>>[vector<16xi32>, vector<16xi32>], vector<16xi32>,
    %get3A_148 = arith.constant 1 : i32
    %get3A_149 = arith.index_cast %get3A_148 : i32 to index
    %get3A_150 = arith.constant 80 : index
    %get3A_151 = tpu.vector_load %arg4[%get3A_149, %get3A_150] {strides = array<i32>} : memref<26x512xi32, #tpu.memory_space<vmem>>, vector<16xi32>,
    %add3A_152 = arith.constant 100 : i32
    %add3A_153 = vector.broadcast %add3A_152 : i32 to vector<16xi32>
    %add3A_154 = arith.addi %get3A_151, %add3A_153 : vector<16xi32>
    %add3A_155 = arith.constant 80 : i32
    %add3A_156 = vector.broadcast %add3A_155 : i32 to vector<16xi32>
    %add3A_157 = arith.addi %iota3A, %add3A_156 : vector<16xi32>
    tpu.vector_store_idx %arg5[%add3A_154, %add3A_157], %broadcast_in_dim3A_6 : memref<200x128xi32, #tpu.memory_space<vmem>>[vector<16xi32>, vector<16xi32>], vector<16xi32>,
    %get3A_158 = arith.constant 1 : i32
    %get3A_159 = arith.index_cast %get3A_158 : i32 to index
    %get3A_160 = arith.constant 96 : index
    %get3A_161 = tpu.vector_load %arg4[%get3A_159, %get3A_160] {strides = array<i32>} : memref<26x512xi32, #tpu.memory_space<vmem>>, vector<16xi32>,
    %add3A_162 = arith.constant 100 : i32
    %add3A_163 = vector.broadcast %add3A_162 : i32 to vector<16xi32>
    %add3A_164 = arith.addi %get3A_161, %add3A_163 : vector<16xi32>
    %add3A_165 = arith.constant 96 : i32
    %add3A_166 = vector.broadcast %add3A_165 : i32 to vector<16xi32>
    %add3A_167 = arith.addi %iota3A, %add3A_166 : vector<16xi32>
    tpu.vector_store_idx %arg5[%add3A_164, %add3A_167], %broadcast_in_dim3A_6 : memref<200x128xi32, #tpu.memory_space<vmem>>[vector<16xi32>, vector<16xi32>], vector<16xi32>,
    %get3A_168 = arith.constant 1 : i32
    %get3A_169 = arith.index_cast %get3A_168 : i32 to index
    %get3A_170 = arith.constant 112 : index
    %get3A_171 = tpu.vector_load %arg4[%get3A_169, %get3A_170] {strides = array<i32>} : memref<26x512xi32, #tpu.memory_space<vmem>>, vector<16xi32>,
    %add3A_172 = arith.constant 100 : i32
    %add3A_173 = vector.broadcast %add3A_172 : i32 to vector<16xi32>
    %add3A_174 = arith.addi %get3A_171, %add3A_173 : vector<16xi32>
    %add3A_175 = arith.constant 112 : i32
    %add3A_176 = vector.broadcast %add3A_175 : i32 to vector<16xi32>
    %add3A_177 = arith.addi %iota3A, %add3A_176 : vector<16xi32>
    tpu.vector_store_idx %arg5[%add3A_174, %add3A_177], %broadcast_in_dim3A_6 : memref<200x128xi32, #tpu.memory_space<vmem>>[vector<16xi32>, vector<16xi32>], vector<16xi32>,
    %add3A_178 = arith.constant 0 : i32
    %add3A_179 = arith.addi %mul3A_2, %add3A_178 : i32
    %dma_start3A_180 = arith.constant 0 : i32
    %dma_start3A_181 = tpu.memref_slice %arg3[%dma_start3A_180, %add3A_179] : memref<2600x16384xi32, #tpu.memory_space<hbm>> -> memref<200x128xi32, #tpu.memory_space<hbm>>
    %dma_start3A_182 = arith.constant 0 : i32
    %dma_start3A_183 = tpu.memref_slice %arg3[%dma_start3A_182, %add3A_179] : memref<2600x16384xi32, #tpu.memory_space<hbm>> -> memref<200x128xi32, #tpu.memory_space<hbm>>
    tpu.enqueue_dma source(%arg5 : memref<200x128xi32, #tpu.memory_space<vmem>>) target(%dma_start3A_183 : memref<200x128xi32, #tpu.memory_space<hbm>>) target_semaphore(%arg9 : memref<!tpu.dma_semaphore, #tpu.memory_space<semaphore_mem>>)
    %scan3A_184 = arith.constant 0 : i32
    %scan3A_185 = arith.constant 0 : i32
    %scan3A_186 = arith.constant 200 : i32
    %scan3A_187 = arith.addi %scan3A_185, %scan3A_186 : i32
    %scan3A_188 = arith.constant 1 : i32
    scf.for %scan3A_722 = %scan3A_185 to %scan3A_187 step %scan3A_188  : i32 {
      %swap3A = arith.index_cast %scan3A_722 : i32 to index
      %swap3A_723 = arith.constant 0 : index
      %swap3A_724 = tpu.vector_load %arg6[%swap3A, %swap3A_723] {strides = array<i32>} : memref<200x128xi32, #tpu.memory_space<vmem>>, vector<16xi32>,
      tpu.vector_store %arg6[%swap3A, %swap3A_723], %broadcast_in_dim3A_10 {strides = array<i32>} : memref<200x128xi32, #tpu.memory_space<vmem>>, vector<16xi32>,
      %swap3A_725 = arith.index_cast %scan3A_722 : i32 to index
      %swap3A_726 = arith.constant 16 : index
      %swap3A_727 = tpu.vector_load %arg6[%swap3A_725, %swap3A_726] {strides = array<i32>} : memref<200x128xi32, #tpu.memory_space<vmem>>, vector<16xi32>,
      tpu.vector_store %arg6[%swap3A_725, %swap3A_726], %broadcast_in_dim3A_10 {strides = array<i32>} : memref<200x128xi32, #tpu.memory_space<vmem>>, vector<16xi32>,
      %swap3A_728 = arith.index_cast %scan3A_722 : i32 to index
      %swap3A_729 = arith.constant 32 : index
      %swap3A_730 = tpu.vector_load %arg6[%swap3A_728, %swap3A_729] {strides = array<i32>} : memref<200x128xi32, #tpu.memory_space<vmem>>, vector<16xi32>,
      tpu.vector_store %arg6[%swap3A_728, %swap3A_729], %broadcast_in_dim3A_10 {strides = array<i32>} : memref<200x128xi32, #tpu.memory_space<vmem>>, vector<16xi32>,
      %swap3A_731 = arith.index_cast %scan3A_722 : i32 to index
      %swap3A_732 = arith.constant 48 : index
      %swap3A_733 = tpu.vector_load %arg6[%swap3A_731, %swap3A_732] {strides = array<i32>} : memref<200x128xi32, #tpu.memory_space<vmem>>, vector<16xi32>,
      tpu.vector_store %arg6[%swap3A_731, %swap3A_732], %broadcast_in_dim3A_10 {strides = array<i32>} : memref<200x128xi32, #tpu.memory_space<vmem>>, vector<16xi32>,
      %swap3A_734 = arith.index_cast %scan3A_722 : i32 to index
      %swap3A_735 = arith.constant 64 : index
      %swap3A_736 = tpu.vector_load %arg6[%swap3A_734, %swap3A_735] {strides = array<i32>} : memref<200x128xi32, #tpu.memory_space<vmem>>, vector<16xi32>,
      tpu.vector_store %arg6[%swap3A_734, %swap3A_735], %broadcast_in_dim3A_10 {strides = array<i32>} : memref<200x128xi32, #tpu.memory_space<vmem>>, vector<16xi32>,
      %swap3A_737 = arith.index_cast %scan3A_722 : i32 to index
      %swap3A_738 = arith.constant 80 : index
      %swap3A_739 = tpu.vector_load %arg6[%swap3A_737, %swap3A_738] {strides = array<i32>} : memref<200x128xi32, #tpu.memory_space<vmem>>, vector<16xi32>,
      tpu.vector_store %arg6[%swap3A_737, %swap3A_738], %broadcast_in_dim3A_10 {strides = array<i32>} : memref<200x128xi32, #tpu.memory_space<vmem>>, vector<16xi32>,
      %swap3A_740 = arith.index_cast %scan3A_722 : i32 to index
      %swap3A_741 = arith.constant 96 : index
      %swap3A_742 = tpu.vector_load %arg6[%swap3A_740, %swap3A_741] {strides = array<i32>} : memref<200x128xi32, #tpu.memory_space<vmem>>, vector<16xi32>,
      tpu.vector_store %arg6[%swap3A_740, %swap3A_741], %broadcast_in_dim3A_10 {strides = array<i32>} : memref<200x128xi32, #tpu.memory_space<vmem>>, vector<16xi32>,
      %swap3A_743 = arith.index_cast %scan3A_722 : i32 to index
      %swap3A_744 = arith.constant 112 : index
      %swap3A_745 = tpu.vector_load %arg6[%swap3A_743, %swap3A_744] {strides = array<i32>} : memref<200x128xi32, #tpu.memory_space<vmem>>, vector<16xi32>,
      tpu.vector_store %arg6[%swap3A_743, %swap3A_744], %broadcast_in_dim3A_10 {strides = array<i32>} : memref<200x128xi32, #tpu.memory_space<vmem>>, vector<16xi32>,
    }
    %scan3A_189 = arith.constant 200 : i32
    %get3A_190 = arith.constant 0 : i32
    %get3A_191 = arith.index_cast %get3A_190 : i32 to index
    %get3A_192 = arith.constant 128 : index
    %get3A_193 = tpu.vector_load %arg4[%get3A_191, %get3A_192] {strides = array<i32>} : memref<26x512xi32, #tpu.memory_space<vmem>>, vector<16xi32>,
    %add3A_194 = arith.constant 0 : i32
    %add3A_195 = vector.broadcast %add3A_194 : i32 to vector<16xi32>
    %add3A_196 = arith.addi %get3A_193, %add3A_195 : vector<16xi32>
    %add3A_197 = arith.constant 0 : i32
    %add3A_198 = vector.broadcast %add3A_197 : i32 to vector<16xi32>
    %add3A_199 = arith.addi %iota3A, %add3A_198 : vector<16xi32>
    tpu.vector_store_idx %arg6[%add3A_196, %add3A_199], %broadcast_in_dim3A_6 : memref<200x128xi32, #tpu.memory_space<vmem>>[vector<16xi32>, vector<16xi32>], vector<16xi32>,
    %get3A_200 = arith.constant 0 : i32
    %get3A_201 = arith.index_cast %get3A_200 : i32 to index
    %get3A_202 = arith.constant 144 : index
    %get3A_203 = tpu.vector_load %arg4[%get3A_201, %get3A_202] {strides = array<i32>} : memref<26x512xi32, #tpu.memory_space<vmem>>, vector<16xi32>,
    %add3A_204 = arith.constant 0 : i32
    %add3A_205 = vector.broadcast %add3A_204 : i32 to vector<16xi32>
    %add3A_206 = arith.addi %get3A_203, %add3A_205 : vector<16xi32>
    %add3A_207 = arith.constant 16 : i32
    %add3A_208 = vector.broadcast %add3A_207 : i32 to vector<16xi32>
    %add3A_209 = arith.addi %iota3A, %add3A_208 : vector<16xi32>
    tpu.vector_store_idx %arg6[%add3A_206, %add3A_209], %broadcast_in_dim3A_6 : memref<200x128xi32, #tpu.memory_space<vmem>>[vector<16xi32>, vector<16xi32>], vector<16xi32>,
    %get3A_210 = arith.constant 0 : i32
    %get3A_211 = arith.index_cast %get3A_210 : i32 to index
    %get3A_212 = arith.constant 160 : index
    %get3A_213 = tpu.vector_load %arg4[%get3A_211, %get3A_212] {strides = array<i32>} : memref<26x512xi32, #tpu.memory_space<vmem>>, vector<16xi32>,
    %add3A_214 = arith.constant 0 : i32
    %add3A_215 = vector.broadcast %add3A_214 : i32 to vector<16xi32>
    %add3A_216 = arith.addi %get3A_213, %add3A_215 : vector<16xi32>
    %add3A_217 = arith.constant 32 : i32
    %add3A_218 = vector.broadcast %add3A_217 : i32 to vector<16xi32>
    %add3A_219 = arith.addi %iota3A, %add3A_218 : vector<16xi32>
    tpu.vector_store_idx %arg6[%add3A_216, %add3A_219], %broadcast_in_dim3A_6 : memref<200x128xi32, #tpu.memory_space<vmem>>[vector<16xi32>, vector<16xi32>], vector<16xi32>,
    %get3A_220 = arith.constant 0 : i32
    %get3A_221 = arith.index_cast %get3A_220 : i32 to index
    %get3A_222 = arith.constant 176 : index
    %get3A_223 = tpu.vector_load %arg4[%get3A_221, %get3A_222] {strides = array<i32>} : memref<26x512xi32, #tpu.memory_space<vmem>>, vector<16xi32>,
    %add3A_224 = arith.constant 0 : i32
    %add3A_225 = vector.broadcast %add3A_224 : i32 to vector<16xi32>
    %add3A_226 = arith.addi %get3A_223, %add3A_225 : vector<16xi32>
    %add3A_227 = arith.constant 48 : i32
    %add3A_228 = vector.broadcast %add3A_227 : i32 to vector<16xi32>
    %add3A_229 = arith.addi %iota3A, %add3A_228 : vector<16xi32>
    tpu.vector_store_idx %arg6[%add3A_226, %add3A_229], %broadcast_in_dim3A_6 : memref<200x128xi32, #tpu.memory_space<vmem>>[vector<16xi32>, vector<16xi32>], vector<16xi32>,
    %get3A_230 = arith.constant 0 : i32
    %get3A_231 = arith.index_cast %get3A_230 : i32 to index
    %get3A_232 = arith.constant 192 : index
    %get3A_233 = tpu.vector_load %arg4[%get3A_231, %get3A_232] {strides = array<i32>} : memref<26x512xi32, #tpu.memory_space<vmem>>, vector<16xi32>,
    %add3A_234 = arith.constant 0 : i32
    %add3A_235 = vector.broadcast %add3A_234 : i32 to vector<16xi32>
    %add3A_236 = arith.addi %get3A_233, %add3A_235 : vector<16xi32>
    %add3A_237 = arith.constant 64 : i32
    %add3A_238 = vector.broadcast %add3A_237 : i32 to vector<16xi32>
    %add3A_239 = arith.addi %iota3A, %add3A_238 : vector<16xi32>
    tpu.vector_store_idx %arg6[%add3A_236, %add3A_239], %broadcast_in_dim3A_6 : memref<200x128xi32, #tpu.memory_space<vmem>>[vector<16xi32>, vector<16xi32>], vector<16xi32>,
    %get3A_240 = arith.constant 0 : i32
    %get3A_241 = arith.index_cast %get3A_240 : i32 to index
    %get3A_242 = arith.constant 208 : index
    %get3A_243 = tpu.vector_load %arg4[%get3A_241, %get3A_242] {strides = array<i32>} : memref<26x512xi32, #tpu.memory_space<vmem>>, vector<16xi32>,
    %add3A_244 = arith.constant 0 : i32
    %add3A_245 = vector.broadcast %add3A_244 : i32 to vector<16xi32>
    %add3A_246 = arith.addi %get3A_243, %add3A_245 : vector<16xi32>
    %add3A_247 = arith.constant 80 : i32
    %add3A_248 = vector.broadcast %add3A_247 : i32 to vector<16xi32>
    %add3A_249 = arith.addi %iota3A, %add3A_248 : vector<16xi32>
    tpu.vector_store_idx %arg6[%add3A_246, %add3A_249], %broadcast_in_dim3A_6 : memref<200x128xi32, #tpu.memory_space<vmem>>[vector<16xi32>, vector<16xi32>], vector<16xi32>,
    %get3A_250 = arith.constant 0 : i32
    %get3A_251 = arith.index_cast %get3A_250 : i32 to index
    %get3A_252 = arith.constant 224 : index
    %get3A_253 = tpu.vector_load %arg4[%get3A_251, %get3A_252] {strides = array<i32>} : memref<26x512xi32, #tpu.memory_space<vmem>>, vector<16xi32>,
    %add3A_254 = arith.constant 0 : i32
    %add3A_255 = vector.broadcast %add3A_254 : i32 to vector<16xi32>
    %add3A_256 = arith.addi %get3A_253, %add3A_255 : vector<16xi32>
    %add3A_257 = arith.constant 96 : i32
    %add3A_258 = vector.broadcast %add3A_257 : i32 to vector<16xi32>
    %add3A_259 = arith.addi %iota3A, %add3A_258 : vector<16xi32>
    tpu.vector_store_idx %arg6[%add3A_256, %add3A_259], %broadcast_in_dim3A_6 : memref<200x128xi32, #tpu.memory_space<vmem>>[vector<16xi32>, vector<16xi32>], vector<16xi32>,
    %get3A_260 = arith.constant 0 : i32
    %get3A_261 = arith.index_cast %get3A_260 : i32 to index
    %get3A_262 = arith.constant 240 : index
    %get3A_263 = tpu.vector_load %arg4[%get3A_261, %get3A_262] {strides = array<i32>} : memref<26x512xi32, #tpu.memory_space<vmem>>, vector<16xi32>,
    %add3A_264 = arith.constant 0 : i32
    %add3A_265 = vector.broadcast %add3A_264 : i32 to vector<16xi32>
    %add3A_266 = arith.addi %get3A_263, %add3A_265 : vector<16xi32>
    %add3A_267 = arith.constant 112 : i32
    %add3A_268 = vector.broadcast %add3A_267 : i32 to vector<16xi32>
    %add3A_269 = arith.addi %iota3A, %add3A_268 : vector<16xi32>
    tpu.vector_store_idx %arg6[%add3A_266, %add3A_269], %broadcast_in_dim3A_6 : memref<200x128xi32, #tpu.memory_space<vmem>>[vector<16xi32>, vector<16xi32>], vector<16xi32>,
    %get3A_270 = arith.constant 1 : i32
    %get3A_271 = arith.index_cast %get3A_270 : i32 to index
    %get3A_272 = arith.constant 128 : index
    %get3A_273 = tpu.vector_load %arg4[%get3A_271, %get3A_272] {strides = array<i32>} : memref<26x512xi32, #tpu.memory_space<vmem>>, vector<16xi32>,
    %add3A_274 = arith.constant 100 : i32
    %add3A_275 = vector.broadcast %add3A_274 : i32 to vector<16xi32>
    %add3A_276 = arith.addi %get3A_273, %add3A_275 : vector<16xi32>
    %add3A_277 = arith.constant 0 : i32
    %add3A_278 = vector.broadcast %add3A_277 : i32 to vector<16xi32>
    %add3A_279 = arith.addi %iota3A, %add3A_278 : vector<16xi32>
    tpu.vector_store_idx %arg6[%add3A_276, %add3A_279], %broadcast_in_dim3A_6 : memref<200x128xi32, #tpu.memory_space<vmem>>[vector<16xi32>, vector<16xi32>], vector<16xi32>,
    %get3A_280 = arith.constant 1 : i32
    %get3A_281 = arith.index_cast %get3A_280 : i32 to index
    %get3A_282 = arith.constant 144 : index
    %get3A_283 = tpu.vector_load %arg4[%get3A_281, %get3A_282] {strides = array<i32>} : memref<26x512xi32, #tpu.memory_space<vmem>>, vector<16xi32>,
    %add3A_284 = arith.constant 100 : i32
    %add3A_285 = vector.broadcast %add3A_284 : i32 to vector<16xi32>
    %add3A_286 = arith.addi %get3A_283, %add3A_285 : vector<16xi32>
    %add3A_287 = arith.constant 16 : i32
    %add3A_288 = vector.broadcast %add3A_287 : i32 to vector<16xi32>
    %add3A_289 = arith.addi %iota3A, %add3A_288 : vector<16xi32>
    tpu.vector_store_idx %arg6[%add3A_286, %add3A_289], %broadcast_in_dim3A_6 : memref<200x128xi32, #tpu.memory_space<vmem>>[vector<16xi32>, vector<16xi32>], vector<16xi32>,
    %get3A_290 = arith.constant 1 : i32
    %get3A_291 = arith.index_cast %get3A_290 : i32 to index
    %get3A_292 = arith.constant 160 : index
    %get3A_293 = tpu.vector_load %arg4[%get3A_291, %get3A_292] {strides = array<i32>} : memref<26x512xi32, #tpu.memory_space<vmem>>, vector<16xi32>,
    %add3A_294 = arith.constant 100 : i32
    %add3A_295 = vector.broadcast %add3A_294 : i32 to vector<16xi32>
    %add3A_296 = arith.addi %get3A_293, %add3A_295 : vector<16xi32>
    %add3A_297 = arith.constant 32 : i32
    %add3A_298 = vector.broadcast %add3A_297 : i32 to vector<16xi32>
    %add3A_299 = arith.addi %iota3A, %add3A_298 : vector<16xi32>
    tpu.vector_store_idx %arg6[%add3A_296, %add3A_299], %broadcast_in_dim3A_6 : memref<200x128xi32, #tpu.memory_space<vmem>>[vector<16xi32>, vector<16xi32>], vector<16xi32>,
    %get3A_300 = arith.constant 1 : i32
    %get3A_301 = arith.index_cast %get3A_300 : i32 to index
    %get3A_302 = arith.constant 176 : index
    %get3A_303 = tpu.vector_load %arg4[%get3A_301, %get3A_302] {strides = array<i32>} : memref<26x512xi32, #tpu.memory_space<vmem>>, vector<16xi32>,
    %add3A_304 = arith.constant 100 : i32
    %add3A_305 = vector.broadcast %add3A_304 : i32 to vector<16xi32>
    %add3A_306 = arith.addi %get3A_303, %add3A_305 : vector<16xi32>
    %add3A_307 = arith.constant 48 : i32
    %add3A_308 = vector.broadcast %add3A_307 : i32 to vector<16xi32>
    %add3A_309 = arith.addi %iota3A, %add3A_308 : vector<16xi32>
    tpu.vector_store_idx %arg6[%add3A_306, %add3A_309], %broadcast_in_dim3A_6 : memref<200x128xi32, #tpu.memory_space<vmem>>[vector<16xi32>, vector<16xi32>], vector<16xi32>,
    %get3A_310 = arith.constant 1 : i32
    %get3A_311 = arith.index_cast %get3A_310 : i32 to index
    %get3A_312 = arith.constant 192 : index
    %get3A_313 = tpu.vector_load %arg4[%get3A_311, %get3A_312] {strides = array<i32>} : memref<26x512xi32, #tpu.memory_space<vmem>>, vector<16xi32>,
    %add3A_314 = arith.constant 100 : i32
    %add3A_315 = vector.broadcast %add3A_314 : i32 to vector<16xi32>
    %add3A_316 = arith.addi %get3A_313, %add3A_315 : vector<16xi32>
    %add3A_317 = arith.constant 64 : i32
    %add3A_318 = vector.broadcast %add3A_317 : i32 to vector<16xi32>
    %add3A_319 = arith.addi %iota3A, %add3A_318 : vector<16xi32>
    tpu.vector_store_idx %arg6[%add3A_316, %add3A_319], %broadcast_in_dim3A_6 : memref<200x128xi32, #tpu.memory_space<vmem>>[vector<16xi32>, vector<16xi32>], vector<16xi32>,
    %get3A_320 = arith.constant 1 : i32
    %get3A_321 = arith.index_cast %get3A_320 : i32 to index
    %get3A_322 = arith.constant 208 : index
    %get3A_323 = tpu.vector_load %arg4[%get3A_321, %get3A_322] {strides = array<i32>} : memref<26x512xi32, #tpu.memory_space<vmem>>, vector<16xi32>,
    %add3A_324 = arith.constant 100 : i32
    %add3A_325 = vector.broadcast %add3A_324 : i32 to vector<16xi32>
    %add3A_326 = arith.addi %get3A_323, %add3A_325 : vector<16xi32>
    %add3A_327 = arith.constant 80 : i32
    %add3A_328 = vector.broadcast %add3A_327 : i32 to vector<16xi32>
    %add3A_329 = arith.addi %iota3A, %add3A_328 : vector<16xi32>
    tpu.vector_store_idx %arg6[%add3A_326, %add3A_329], %broadcast_in_dim3A_6 : memref<200x128xi32, #tpu.memory_space<vmem>>[vector<16xi32>, vector<16xi32>], vector<16xi32>,
    %get3A_330 = arith.constant 1 : i32
    %get3A_331 = arith.index_cast %get3A_330 : i32 to index
    %get3A_332 = arith.constant 224 : index
    %get3A_333 = tpu.vector_load %arg4[%get3A_331, %get3A_332] {strides = array<i32>} : memref<26x512xi32, #tpu.memory_space<vmem>>, vector<16xi32>,
    %add3A_334 = arith.constant 100 : i32
    %add3A_335 = vector.broadcast %add3A_334 : i32 to vector<16xi32>
    %add3A_336 = arith.addi %get3A_333, %add3A_335 : vector<16xi32>
    %add3A_337 = arith.constant 96 : i32
    %add3A_338 = vector.broadcast %add3A_337 : i32 to vector<16xi32>
    %add3A_339 = arith.addi %iota3A, %add3A_338 : vector<16xi32>
    tpu.vector_store_idx %arg6[%add3A_336, %add3A_339], %broadcast_in_dim3A_6 : memref<200x128xi32, #tpu.memory_space<vmem>>[vector<16xi32>, vector<16xi32>], vector<16xi32>,
    %get3A_340 = arith.constant 1 : i32
    %get3A_341 = arith.index_cast %get3A_340 : i32 to index
    %get3A_342 = arith.constant 240 : index
    %get3A_343 = tpu.vector_load %arg4[%get3A_341, %get3A_342] {strides = array<i32>} : memref<26x512xi32, #tpu.memory_space<vmem>>, vector<16xi32>,
    %add3A_344 = arith.constant 100 : i32
    %add3A_345 = vector.broadcast %add3A_344 : i32 to vector<16xi32>
    %add3A_346 = arith.addi %get3A_343, %add3A_345 : vector<16xi32>
    %add3A_347 = arith.constant 112 : i32
    %add3A_348 = vector.broadcast %add3A_347 : i32 to vector<16xi32>
    %add3A_349 = arith.addi %iota3A, %add3A_348 : vector<16xi32>
    tpu.vector_store_idx %arg6[%add3A_346, %add3A_349], %broadcast_in_dim3A_6 : memref<200x128xi32, #tpu.memory_space<vmem>>[vector<16xi32>, vector<16xi32>], vector<16xi32>,
    %add3A_350 = arith.constant 128 : i32
    %add3A_351 = arith.addi %mul3A_2, %add3A_350 : i32
    %dma_start3A_352 = arith.constant 0 : i32
    %dma_start3A_353 = tpu.memref_slice %arg3[%dma_start3A_352, %add3A_351] : memref<2600x16384xi32, #tpu.memory_space<hbm>> -> memref<200x128xi32, #tpu.memory_space<hbm>>
    %dma_start3A_354 = arith.constant 0 : i32
    %dma_start3A_355 = tpu.memref_slice %arg3[%dma_start3A_354, %add3A_351] : memref<2600x16384xi32, #tpu.memory_space<hbm>> -> memref<200x128xi32, #tpu.memory_space<hbm>>
    tpu.enqueue_dma source(%arg6 : memref<200x128xi32, #tpu.memory_space<vmem>>) target(%dma_start3A_355 : memref<200x128xi32, #tpu.memory_space<hbm>>) target_semaphore(%arg10 : memref<!tpu.dma_semaphore, #tpu.memory_space<semaphore_mem>>)
    %scan3A_356 = arith.constant 0 : i32
    %scan3A_357 = arith.constant 0 : i32
    %scan3A_358 = arith.constant 200 : i32
    %scan3A_359 = arith.addi %scan3A_357, %scan3A_358 : i32
    %scan3A_360 = arith.constant 1 : i32
    scf.for %scan3A_722 = %scan3A_357 to %scan3A_359 step %scan3A_360  : i32 {
      %swap3A = arith.index_cast %scan3A_722 : i32 to index
      %swap3A_723 = arith.constant 0 : index
      %swap3A_724 = tpu.vector_load %arg7[%swap3A, %swap3A_723] {strides = array<i32>} : memref<200x128xi32, #tpu.memory_space<vmem>>, vector<16xi32>,
      tpu.vector_store %arg7[%swap3A, %swap3A_723], %broadcast_in_dim3A_10 {strides = array<i32>} : memref<200x128xi32, #tpu.memory_space<vmem>>, vector<16xi32>,
      %swap3A_725 = arith.index_cast %scan3A_722 : i32 to index
      %swap3A_726 = arith.constant 16 : index
      %swap3A_727 = tpu.vector_load %arg7[%swap3A_725, %swap3A_726] {strides = array<i32>} : memref<200x128xi32, #tpu.memory_space<vmem>>, vector<16xi32>,
      tpu.vector_store %arg7[%swap3A_725, %swap3A_726], %broadcast_in_dim3A_10 {strides = array<i32>} : memref<200x128xi32, #tpu.memory_space<vmem>>, vector<16xi32>,
      %swap3A_728 = arith.index_cast %scan3A_722 : i32 to index
      %swap3A_729 = arith.constant 32 : index
      %swap3A_730 = tpu.vector_load %arg7[%swap3A_728, %swap3A_729] {strides = array<i32>} : memref<200x128xi32, #tpu.memory_space<vmem>>, vector<16xi32>,
      tpu.vector_store %arg7[%swap3A_728, %swap3A_729], %broadcast_in_dim3A_10 {strides = array<i32>} : memref<200x128xi32, #tpu.memory_space<vmem>>, vector<16xi32>,
      %swap3A_731 = arith.index_cast %scan3A_722 : i32 to index
      %swap3A_732 = arith.constant 48 : index
      %swap3A_733 = tpu.vector_load %arg7[%swap3A_731, %swap3A_732] {strides = array<i32>} : memref<200x128xi32, #tpu.memory_space<vmem>>, vector<16xi32>,
      tpu.vector_store %arg7[%swap3A_731, %swap3A_732], %broadcast_in_dim3A_10 {strides = array<i32>} : memref<200x128xi32, #tpu.memory_space<vmem>>, vector<16xi32>,
      %swap3A_734 = arith.index_cast %scan3A_722 : i32 to index
      %swap3A_735 = arith.constant 64 : index
      %swap3A_736 = tpu.vector_load %arg7[%swap3A_734, %swap3A_735] {strides = array<i32>} : memref<200x128xi32, #tpu.memory_space<vmem>>, vector<16xi32>,
      tpu.vector_store %arg7[%swap3A_734, %swap3A_735], %broadcast_in_dim3A_10 {strides = array<i32>} : memref<200x128xi32, #tpu.memory_space<vmem>>, vector<16xi32>,
      %swap3A_737 = arith.index_cast %scan3A_722 : i32 to index
      %swap3A_738 = arith.constant 80 : index
      %swap3A_739 = tpu.vector_load %arg7[%swap3A_737, %swap3A_738] {strides = array<i32>} : memref<200x128xi32, #tpu.memory_space<vmem>>, vector<16xi32>,
      tpu.vector_store %arg7[%swap3A_737, %swap3A_738], %broadcast_in_dim3A_10 {strides = array<i32>} : memref<200x128xi32, #tpu.memory_space<vmem>>, vector<16xi32>,
      %swap3A_740 = arith.index_cast %scan3A_722 : i32 to index
      %swap3A_741 = arith.constant 96 : index
      %swap3A_742 = tpu.vector_load %arg7[%swap3A_740, %swap3A_741] {strides = array<i32>} : memref<200x128xi32, #tpu.memory_space<vmem>>, vector<16xi32>,
      tpu.vector_store %arg7[%swap3A_740, %swap3A_741], %broadcast_in_dim3A_10 {strides = array<i32>} : memref<200x128xi32, #tpu.memory_space<vmem>>, vector<16xi32>,
      %swap3A_743 = arith.index_cast %scan3A_722 : i32 to index
      %swap3A_744 = arith.constant 112 : index
      %swap3A_745 = tpu.vector_load %arg7[%swap3A_743, %swap3A_744] {strides = array<i32>} : memref<200x128xi32, #tpu.memory_space<vmem>>, vector<16xi32>,
      tpu.vector_store %arg7[%swap3A_743, %swap3A_744], %broadcast_in_dim3A_10 {strides = array<i32>} : memref<200x128xi32, #tpu.memory_space<vmem>>, vector<16xi32>,
    }
    %scan3A_361 = arith.constant 200 : i32
    %get3A_362 = arith.constant 0 : i32
    %get3A_363 = arith.index_cast %get3A_362 : i32 to index
    %get3A_364 = arith.constant 256 : index
    %get3A_365 = tpu.vector_load %arg4[%get3A_363, %get3A_364] {strides = array<i32>} : memref<26x512xi32, #tpu.memory_space<vmem>>, vector<16xi32>,
    %add3A_366 = arith.constant 0 : i32
    %add3A_367 = vector.broadcast %add3A_366 : i32 to vector<16xi32>
    %add3A_368 = arith.addi %get3A_365, %add3A_367 : vector<16xi32>
    %add3A_369 = arith.constant 0 : i32
    %add3A_370 = vector.broadcast %add3A_369 : i32 to vector<16xi32>
    %add3A_371 = arith.addi %iota3A, %add3A_370 : vector<16xi32>
    tpu.vector_store_idx %arg7[%add3A_368, %add3A_371], %broadcast_in_dim3A_6 : memref<200x128xi32, #tpu.memory_space<vmem>>[vector<16xi32>, vector<16xi32>], vector<16xi32>,
    %get3A_372 = arith.constant 0 : i32
    %get3A_373 = arith.index_cast %get3A_372 : i32 to index
    %get3A_374 = arith.constant 272 : index
    %get3A_375 = tpu.vector_load %arg4[%get3A_373, %get3A_374] {strides = array<i32>} : memref<26x512xi32, #tpu.memory_space<vmem>>, vector<16xi32>,
    %add3A_376 = arith.constant 0 : i32
    %add3A_377 = vector.broadcast %add3A_376 : i32 to vector<16xi32>
    %add3A_378 = arith.addi %get3A_375, %add3A_377 : vector<16xi32>
    %add3A_379 = arith.constant 16 : i32
    %add3A_380 = vector.broadcast %add3A_379 : i32 to vector<16xi32>
    %add3A_381 = arith.addi %iota3A, %add3A_380 : vector<16xi32>
    tpu.vector_store_idx %arg7[%add3A_378, %add3A_381], %broadcast_in_dim3A_6 : memref<200x128xi32, #tpu.memory_space<vmem>>[vector<16xi32>, vector<16xi32>], vector<16xi32>,
    %get3A_382 = arith.constant 0 : i32
    %get3A_383 = arith.index_cast %get3A_382 : i32 to index
    %get3A_384 = arith.constant 288 : index
    %get3A_385 = tpu.vector_load %arg4[%get3A_383, %get3A_384] {strides = array<i32>} : memref<26x512xi32, #tpu.memory_space<vmem>>, vector<16xi32>,
    %add3A_386 = arith.constant 0 : i32
    %add3A_387 = vector.broadcast %add3A_386 : i32 to vector<16xi32>
    %add3A_388 = arith.addi %get3A_385, %add3A_387 : vector<16xi32>
    %add3A_389 = arith.constant 32 : i32
    %add3A_390 = vector.broadcast %add3A_389 : i32 to vector<16xi32>
    %add3A_391 = arith.addi %iota3A, %add3A_390 : vector<16xi32>
    tpu.vector_store_idx %arg7[%add3A_388, %add3A_391], %broadcast_in_dim3A_6 : memref<200x128xi32, #tpu.memory_space<vmem>>[vector<16xi32>, vector<16xi32>], vector<16xi32>,
    %get3A_392 = arith.constant 0 : i32
    %get3A_393 = arith.index_cast %get3A_392 : i32 to index
    %get3A_394 = arith.constant 304 : index
    %get3A_395 = tpu.vector_load %arg4[%get3A_393, %get3A_394] {strides = array<i32>} : memref<26x512xi32, #tpu.memory_space<vmem>>, vector<16xi32>,
    %add3A_396 = arith.constant 0 : i32
    %add3A_397 = vector.broadcast %add3A_396 : i32 to vector<16xi32>
    %add3A_398 = arith.addi %get3A_395, %add3A_397 : vector<16xi32>
    %add3A_399 = arith.constant 48 : i32
    %add3A_400 = vector.broadcast %add3A_399 : i32 to vector<16xi32>
    %add3A_401 = arith.addi %iota3A, %add3A_400 : vector<16xi32>
    tpu.vector_store_idx %arg7[%add3A_398, %add3A_401], %broadcast_in_dim3A_6 : memref<200x128xi32, #tpu.memory_space<vmem>>[vector<16xi32>, vector<16xi32>], vector<16xi32>,
    %get3A_402 = arith.constant 0 : i32
    %get3A_403 = arith.index_cast %get3A_402 : i32 to index
    %get3A_404 = arith.constant 320 : index
    %get3A_405 = tpu.vector_load %arg4[%get3A_403, %get3A_404] {strides = array<i32>} : memref<26x512xi32, #tpu.memory_space<vmem>>, vector<16xi32>,
    %add3A_406 = arith.constant 0 : i32
    %add3A_407 = vector.broadcast %add3A_406 : i32 to vector<16xi32>
    %add3A_408 = arith.addi %get3A_405, %add3A_407 : vector<16xi32>
    %add3A_409 = arith.constant 64 : i32
    %add3A_410 = vector.broadcast %add3A_409 : i32 to vector<16xi32>
    %add3A_411 = arith.addi %iota3A, %add3A_410 : vector<16xi32>
    tpu.vector_store_idx %arg7[%add3A_408, %add3A_411], %broadcast_in_dim3A_6 : memref<200x128xi32, #tpu.memory_space<vmem>>[vector<16xi32>, vector<16xi32>], vector<16xi32>,
    %get3A_412 = arith.constant 0 : i32
    %get3A_413 = arith.index_cast %get3A_412 : i32 to index
    %get3A_414 = arith.constant 336 : index
    %get3A_415 = tpu.vector_load %arg4[%get3A_413, %get3A_414] {strides = array<i32>} : memref<26x512xi32, #tpu.memory_space<vmem>>, vector<16xi32>,
    %add3A_416 = arith.constant 0 : i32
    %add3A_417 = vector.broadcast %add3A_416 : i32 to vector<16xi32>
    %add3A_418 = arith.addi %get3A_415, %add3A_417 : vector<16xi32>
    %add3A_419 = arith.constant 80 : i32
    %add3A_420 = vector.broadcast %add3A_419 : i32 to vector<16xi32>
    %add3A_421 = arith.addi %iota3A, %add3A_420 : vector<16xi32>
    tpu.vector_store_idx %arg7[%add3A_418, %add3A_421], %broadcast_in_dim3A_6 : memref<200x128xi32, #tpu.memory_space<vmem>>[vector<16xi32>, vector<16xi32>], vector<16xi32>,
    %get3A_422 = arith.constant 0 : i32
    %get3A_423 = arith.index_cast %get3A_422 : i32 to index
    %get3A_424 = arith.constant 352 : index
    %get3A_425 = tpu.vector_load %arg4[%get3A_423, %get3A_424] {strides = array<i32>} : memref<26x512xi32, #tpu.memory_space<vmem>>, vector<16xi32>,
    %add3A_426 = arith.constant 0 : i32
    %add3A_427 = vector.broadcast %add3A_426 : i32 to vector<16xi32>
    %add3A_428 = arith.addi %get3A_425, %add3A_427 : vector<16xi32>
    %add3A_429 = arith.constant 96 : i32
    %add3A_430 = vector.broadcast %add3A_429 : i32 to vector<16xi32>
    %add3A_431 = arith.addi %iota3A, %add3A_430 : vector<16xi32>
    tpu.vector_store_idx %arg7[%add3A_428, %add3A_431], %broadcast_in_dim3A_6 : memref<200x128xi32, #tpu.memory_space<vmem>>[vector<16xi32>, vector<16xi32>], vector<16xi32>,
    %get3A_432 = arith.constant 0 : i32
    %get3A_433 = arith.index_cast %get3A_432 : i32 to index
    %get3A_434 = arith.constant 368 : index
    %get3A_435 = tpu.vector_load %arg4[%get3A_433, %get3A_434] {strides = array<i32>} : memref<26x512xi32, #tpu.memory_space<vmem>>, vector<16xi32>,
    %add3A_436 = arith.constant 0 : i32
    %add3A_437 = vector.broadcast %add3A_436 : i32 to vector<16xi32>
    %add3A_438 = arith.addi %get3A_435, %add3A_437 : vector<16xi32>
    %add3A_439 = arith.constant 112 : i32
    %add3A_440 = vector.broadcast %add3A_439 : i32 to vector<16xi32>
    %add3A_441 = arith.addi %iota3A, %add3A_440 : vector<16xi32>
    tpu.vector_store_idx %arg7[%add3A_438, %add3A_441], %broadcast_in_dim3A_6 : memref<200x128xi32, #tpu.memory_space<vmem>>[vector<16xi32>, vector<16xi32>], vector<16xi32>,
    %get3A_442 = arith.constant 1 : i32
    %get3A_443 = arith.index_cast %get3A_442 : i32 to index
    %get3A_444 = arith.constant 256 : index
    %get3A_445 = tpu.vector_load %arg4[%get3A_443, %get3A_444] {strides = array<i32>} : memref<26x512xi32, #tpu.memory_space<vmem>>, vector<16xi32>,
    %add3A_446 = arith.constant 100 : i32
    %add3A_447 = vector.broadcast %add3A_446 : i32 to vector<16xi32>
    %add3A_448 = arith.addi %get3A_445, %add3A_447 : vector<16xi32>
    %add3A_449 = arith.constant 0 : i32
    %add3A_450 = vector.broadcast %add3A_449 : i32 to vector<16xi32>
    %add3A_451 = arith.addi %iota3A, %add3A_450 : vector<16xi32>
    tpu.vector_store_idx %arg7[%add3A_448, %add3A_451], %broadcast_in_dim3A_6 : memref<200x128xi32, #tpu.memory_space<vmem>>[vector<16xi32>, vector<16xi32>], vector<16xi32>,
    %get3A_452 = arith.constant 1 : i32
    %get3A_453 = arith.index_cast %get3A_452 : i32 to index
    %get3A_454 = arith.constant 272 : index
    %get3A_455 = tpu.vector_load %arg4[%get3A_453, %get3A_454] {strides = array<i32>} : memref<26x512xi32, #tpu.memory_space<vmem>>, vector<16xi32>,
    %add3A_456 = arith.constant 100 : i32
    %add3A_457 = vector.broadcast %add3A_456 : i32 to vector<16xi32>
    %add3A_458 = arith.addi %get3A_455, %add3A_457 : vector<16xi32>
    %add3A_459 = arith.constant 16 : i32
    %add3A_460 = vector.broadcast %add3A_459 : i32 to vector<16xi32>
    %add3A_461 = arith.addi %iota3A, %add3A_460 : vector<16xi32>
    tpu.vector_store_idx %arg7[%add3A_458, %add3A_461], %broadcast_in_dim3A_6 : memref<200x128xi32, #tpu.memory_space<vmem>>[vector<16xi32>, vector<16xi32>], vector<16xi32>,
    %get3A_462 = arith.constant 1 : i32
    %get3A_463 = arith.index_cast %get3A_462 : i32 to index
    %get3A_464 = arith.constant 288 : index
    %get3A_465 = tpu.vector_load %arg4[%get3A_463, %get3A_464] {strides = array<i32>} : memref<26x512xi32, #tpu.memory_space<vmem>>, vector<16xi32>,
    %add3A_466 = arith.constant 100 : i32
    %add3A_467 = vector.broadcast %add3A_466 : i32 to vector<16xi32>
    %add3A_468 = arith.addi %get3A_465, %add3A_467 : vector<16xi32>
    %add3A_469 = arith.constant 32 : i32
    %add3A_470 = vector.broadcast %add3A_469 : i32 to vector<16xi32>
    %add3A_471 = arith.addi %iota3A, %add3A_470 : vector<16xi32>
    tpu.vector_store_idx %arg7[%add3A_468, %add3A_471], %broadcast_in_dim3A_6 : memref<200x128xi32, #tpu.memory_space<vmem>>[vector<16xi32>, vector<16xi32>], vector<16xi32>,
    %get3A_472 = arith.constant 1 : i32
    %get3A_473 = arith.index_cast %get3A_472 : i32 to index
    %get3A_474 = arith.constant 304 : index
    %get3A_475 = tpu.vector_load %arg4[%get3A_473, %get3A_474] {strides = array<i32>} : memref<26x512xi32, #tpu.memory_space<vmem>>, vector<16xi32>,
    %add3A_476 = arith.constant 100 : i32
    %add3A_477 = vector.broadcast %add3A_476 : i32 to vector<16xi32>
    %add3A_478 = arith.addi %get3A_475, %add3A_477 : vector<16xi32>
    %add3A_479 = arith.constant 48 : i32
    %add3A_480 = vector.broadcast %add3A_479 : i32 to vector<16xi32>
    %add3A_481 = arith.addi %iota3A, %add3A_480 : vector<16xi32>
    tpu.vector_store_idx %arg7[%add3A_478, %add3A_481], %broadcast_in_dim3A_6 : memref<200x128xi32, #tpu.memory_space<vmem>>[vector<16xi32>, vector<16xi32>], vector<16xi32>,
    %get3A_482 = arith.constant 1 : i32
    %get3A_483 = arith.index_cast %get3A_482 : i32 to index
    %get3A_484 = arith.constant 320 : index
    %get3A_485 = tpu.vector_load %arg4[%get3A_483, %get3A_484] {strides = array<i32>} : memref<26x512xi32, #tpu.memory_space<vmem>>, vector<16xi32>,
    %add3A_486 = arith.constant 100 : i32
    %add3A_487 = vector.broadcast %add3A_486 : i32 to vector<16xi32>
    %add3A_488 = arith.addi %get3A_485, %add3A_487 : vector<16xi32>
    %add3A_489 = arith.constant 64 : i32
    %add3A_490 = vector.broadcast %add3A_489 : i32 to vector<16xi32>
    %add3A_491 = arith.addi %iota3A, %add3A_490 : vector<16xi32>
    tpu.vector_store_idx %arg7[%add3A_488, %add3A_491], %broadcast_in_dim3A_6 : memref<200x128xi32, #tpu.memory_space<vmem>>[vector<16xi32>, vector<16xi32>], vector<16xi32>,
    %get3A_492 = arith.constant 1 : i32
    %get3A_493 = arith.index_cast %get3A_492 : i32 to index
    %get3A_494 = arith.constant 336 : index
    %get3A_495 = tpu.vector_load %arg4[%get3A_493, %get3A_494] {strides = array<i32>} : memref<26x512xi32, #tpu.memory_space<vmem>>, vector<16xi32>,
    %add3A_496 = arith.constant 100 : i32
    %add3A_497 = vector.broadcast %add3A_496 : i32 to vector<16xi32>
    %add3A_498 = arith.addi %get3A_495, %add3A_497 : vector<16xi32>
    %add3A_499 = arith.constant 80 : i32
    %add3A_500 = vector.broadcast %add3A_499 : i32 to vector<16xi32>
    %add3A_501 = arith.addi %iota3A, %add3A_500 : vector<16xi32>
    tpu.vector_store_idx %arg7[%add3A_498, %add3A_501], %broadcast_in_dim3A_6 : memref<200x128xi32, #tpu.memory_space<vmem>>[vector<16xi32>, vector<16xi32>], vector<16xi32>,
    %get3A_502 = arith.constant 1 : i32
    %get3A_503 = arith.index_cast %get3A_502 : i32 to index
    %get3A_504 = arith.constant 352 : index
    %get3A_505 = tpu.vector_load %arg4[%get3A_503, %get3A_504] {strides = array<i32>} : memref<26x512xi32, #tpu.memory_space<vmem>>, vector<16xi32>,
    %add3A_506 = arith.constant 100 : i32
    %add3A_507 = vector.broadcast %add3A_506 : i32 to vector<16xi32>
    %add3A_508 = arith.addi %get3A_505, %add3A_507 : vector<16xi32>
    %add3A_509 = arith.constant 96 : i32
    %add3A_510 = vector.broadcast %add3A_509 : i32 to vector<16xi32>
    %add3A_511 = arith.addi %iota3A, %add3A_510 : vector<16xi32>
    tpu.vector_store_idx %arg7[%add3A_508, %add3A_511], %broadcast_in_dim3A_6 : memref<200x128xi32, #tpu.memory_space<vmem>>[vector<16xi32>, vector<16xi32>], vector<16xi32>,
    %get3A_512 = arith.constant 1 : i32
    %get3A_513 = arith.index_cast %get3A_512 : i32 to index
    %get3A_514 = arith.constant 368 : index
    %get3A_515 = tpu.vector_load %arg4[%get3A_513, %get3A_514] {strides = array<i32>} : memref<26x512xi32, #tpu.memory_space<vmem>>, vector<16xi32>,
    %add3A_516 = arith.constant 100 : i32
    %add3A_517 = vector.broadcast %add3A_516 : i32 to vector<16xi32>
    %add3A_518 = arith.addi %get3A_515, %add3A_517 : vector<16xi32>
    %add3A_519 = arith.constant 112 : i32
    %add3A_520 = vector.broadcast %add3A_519 : i32 to vector<16xi32>
    %add3A_521 = arith.addi %iota3A, %add3A_520 : vector<16xi32>
    tpu.vector_store_idx %arg7[%add3A_518, %add3A_521], %broadcast_in_dim3A_6 : memref<200x128xi32, #tpu.memory_space<vmem>>[vector<16xi32>, vector<16xi32>], vector<16xi32>,
    %add3A_522 = arith.constant 256 : i32
    %add3A_523 = arith.addi %mul3A_2, %add3A_522 : i32
    %dma_start3A_524 = arith.constant 0 : i32
    %dma_start3A_525 = tpu.memref_slice %arg3[%dma_start3A_524, %add3A_523] : memref<2600x16384xi32, #tpu.memory_space<hbm>> -> memref<200x128xi32, #tpu.memory_space<hbm>>
    %dma_start3A_526 = arith.constant 0 : i32
    %dma_start3A_527 = tpu.memref_slice %arg3[%dma_start3A_526, %add3A_523] : memref<2600x16384xi32, #tpu.memory_space<hbm>> -> memref<200x128xi32, #tpu.memory_space<hbm>>
    tpu.enqueue_dma source(%arg7 : memref<200x128xi32, #tpu.memory_space<vmem>>) target(%dma_start3A_527 : memref<200x128xi32, #tpu.memory_space<hbm>>) target_semaphore(%arg11 : memref<!tpu.dma_semaphore, #tpu.memory_space<semaphore_mem>>)
    %scan3A_528 = arith.constant 0 : i32
    %scan3A_529 = arith.constant 0 : i32
    %scan3A_530 = arith.constant 200 : i32
    %scan3A_531 = arith.addi %scan3A_529, %scan3A_530 : i32
    %scan3A_532 = arith.constant 1 : i32
    scf.for %scan3A_722 = %scan3A_529 to %scan3A_531 step %scan3A_532  : i32 {
      %swap3A = arith.index_cast %scan3A_722 : i32 to index
      %swap3A_723 = arith.constant 0 : index
      %swap3A_724 = tpu.vector_load %arg8[%swap3A, %swap3A_723] {strides = array<i32>} : memref<200x128xi32, #tpu.memory_space<vmem>>, vector<16xi32>,
      tpu.vector_store %arg8[%swap3A, %swap3A_723], %broadcast_in_dim3A_10 {strides = array<i32>} : memref<200x128xi32, #tpu.memory_space<vmem>>, vector<16xi32>,
      %swap3A_725 = arith.index_cast %scan3A_722 : i32 to index
      %swap3A_726 = arith.constant 16 : index
      %swap3A_727 = tpu.vector_load %arg8[%swap3A_725, %swap3A_726] {strides = array<i32>} : memref<200x128xi32, #tpu.memory_space<vmem>>, vector<16xi32>,
      tpu.vector_store %arg8[%swap3A_725, %swap3A_726], %broadcast_in_dim3A_10 {strides = array<i32>} : memref<200x128xi32, #tpu.memory_space<vmem>>, vector<16xi32>,
      %swap3A_728 = arith.index_cast %scan3A_722 : i32 to index
      %swap3A_729 = arith.constant 32 : index
      %swap3A_730 = tpu.vector_load %arg8[%swap3A_728, %swap3A_729] {strides = array<i32>} : memref<200x128xi32, #tpu.memory_space<vmem>>, vector<16xi32>,
      tpu.vector_store %arg8[%swap3A_728, %swap3A_729], %broadcast_in_dim3A_10 {strides = array<i32>} : memref<200x128xi32, #tpu.memory_space<vmem>>, vector<16xi32>,
      %swap3A_731 = arith.index_cast %scan3A_722 : i32 to index
      %swap3A_732 = arith.constant 48 : index
      %swap3A_733 = tpu.vector_load %arg8[%swap3A_731, %swap3A_732] {strides = array<i32>} : memref<200x128xi32, #tpu.memory_space<vmem>>, vector<16xi32>,
      tpu.vector_store %arg8[%swap3A_731, %swap3A_732], %broadcast_in_dim3A_10 {strides = array<i32>} : memref<200x128xi32, #tpu.memory_space<vmem>>, vector<16xi32>,
      %swap3A_734 = arith.index_cast %scan3A_722 : i32 to index
      %swap3A_735 = arith.constant 64 : index
      %swap3A_736 = tpu.vector_load %arg8[%swap3A_734, %swap3A_735] {strides = array<i32>} : memref<200x128xi32, #tpu.memory_space<vmem>>, vector<16xi32>,
      tpu.vector_store %arg8[%swap3A_734, %swap3A_735], %broadcast_in_dim3A_10 {strides = array<i32>} : memref<200x128xi32, #tpu.memory_space<vmem>>, vector<16xi32>,
      %swap3A_737 = arith.index_cast %scan3A_722 : i32 to index
      %swap3A_738 = arith.constant 80 : index
      %swap3A_739 = tpu.vector_load %arg8[%swap3A_737, %swap3A_738] {strides = array<i32>} : memref<200x128xi32, #tpu.memory_space<vmem>>, vector<16xi32>,
      tpu.vector_store %arg8[%swap3A_737, %swap3A_738], %broadcast_in_dim3A_10 {strides = array<i32>} : memref<200x128xi32, #tpu.memory_space<vmem>>, vector<16xi32>,
      %swap3A_740 = arith.index_cast %scan3A_722 : i32 to index
      %swap3A_741 = arith.constant 96 : index
      %swap3A_742 = tpu.vector_load %arg8[%swap3A_740, %swap3A_741] {strides = array<i32>} : memref<200x128xi32, #tpu.memory_space<vmem>>, vector<16xi32>,
      tpu.vector_store %arg8[%swap3A_740, %swap3A_741], %broadcast_in_dim3A_10 {strides = array<i32>} : memref<200x128xi32, #tpu.memory_space<vmem>>, vector<16xi32>,
      %swap3A_743 = arith.index_cast %scan3A_722 : i32 to index
      %swap3A_744 = arith.constant 112 : index
      %swap3A_745 = tpu.vector_load %arg8[%swap3A_743, %swap3A_744] {strides = array<i32>} : memref<200x128xi32, #tpu.memory_space<vmem>>, vector<16xi32>,
      tpu.vector_store %arg8[%swap3A_743, %swap3A_744], %broadcast_in_dim3A_10 {strides = array<i32>} : memref<200x128xi32, #tpu.memory_space<vmem>>, vector<16xi32>,
    }
    %scan3A_533 = arith.constant 200 : i32
    %get3A_534 = arith.constant 0 : i32
    %get3A_535 = arith.index_cast %get3A_534 : i32 to index
    %get3A_536 = arith.constant 384 : index
    %get3A_537 = tpu.vector_load %arg4[%get3A_535, %get3A_536] {strides = array<i32>} : memref<26x512xi32, #tpu.memory_space<vmem>>, vector<16xi32>,
    %add3A_538 = arith.constant 0 : i32
    %add3A_539 = vector.broadcast %add3A_538 : i32 to vector<16xi32>
    %add3A_540 = arith.addi %get3A_537, %add3A_539 : vector<16xi32>
    %add3A_541 = arith.constant 0 : i32
    %add3A_542 = vector.broadcast %add3A_541 : i32 to vector<16xi32>
    %add3A_543 = arith.addi %iota3A, %add3A_542 : vector<16xi32>
    tpu.vector_store_idx %arg8[%add3A_540, %add3A_543], %broadcast_in_dim3A_6 : memref<200x128xi32, #tpu.memory_space<vmem>>[vector<16xi32>, vector<16xi32>], vector<16xi32>,
    %get3A_544 = arith.constant 0 : i32
    %get3A_545 = arith.index_cast %get3A_544 : i32 to index
    %get3A_546 = arith.constant 400 : index
    %get3A_547 = tpu.vector_load %arg4[%get3A_545, %get3A_546] {strides = array<i32>} : memref<26x512xi32, #tpu.memory_space<vmem>>, vector<16xi32>,
    %add3A_548 = arith.constant 0 : i32
    %add3A_549 = vector.broadcast %add3A_548 : i32 to vector<16xi32>
    %add3A_550 = arith.addi %get3A_547, %add3A_549 : vector<16xi32>
    %add3A_551 = arith.constant 16 : i32
    %add3A_552 = vector.broadcast %add3A_551 : i32 to vector<16xi32>
    %add3A_553 = arith.addi %iota3A, %add3A_552 : vector<16xi32>
    tpu.vector_store_idx %arg8[%add3A_550, %add3A_553], %broadcast_in_dim3A_6 : memref<200x128xi32, #tpu.memory_space<vmem>>[vector<16xi32>, vector<16xi32>], vector<16xi32>,
    %get3A_554 = arith.constant 0 : i32
    %get3A_555 = arith.index_cast %get3A_554 : i32 to index
    %get3A_556 = arith.constant 416 : index
    %get3A_557 = tpu.vector_load %arg4[%get3A_555, %get3A_556] {strides = array<i32>} : memref<26x512xi32, #tpu.memory_space<vmem>>, vector<16xi32>,
    %add3A_558 = arith.constant 0 : i32
    %add3A_559 = vector.broadcast %add3A_558 : i32 to vector<16xi32>
    %add3A_560 = arith.addi %get3A_557, %add3A_559 : vector<16xi32>
    %add3A_561 = arith.constant 32 : i32
    %add3A_562 = vector.broadcast %add3A_561 : i32 to vector<16xi32>
    %add3A_563 = arith.addi %iota3A, %add3A_562 : vector<16xi32>
    tpu.vector_store_idx %arg8[%add3A_560, %add3A_563], %broadcast_in_dim3A_6 : memref<200x128xi32, #tpu.memory_space<vmem>>[vector<16xi32>, vector<16xi32>], vector<16xi32>,
    %get3A_564 = arith.constant 0 : i32
    %get3A_565 = arith.index_cast %get3A_564 : i32 to index
    %get3A_566 = arith.constant 432 : index
    %get3A_567 = tpu.vector_load %arg4[%get3A_565, %get3A_566] {strides = array<i32>} : memref<26x512xi32, #tpu.memory_space<vmem>>, vector<16xi32>,
    %add3A_568 = arith.constant 0 : i32
    %add3A_569 = vector.broadcast %add3A_568 : i32 to vector<16xi32>
    %add3A_570 = arith.addi %get3A_567, %add3A_569 : vector<16xi32>
    %add3A_571 = arith.constant 48 : i32
    %add3A_572 = vector.broadcast %add3A_571 : i32 to vector<16xi32>
    %add3A_573 = arith.addi %iota3A, %add3A_572 : vector<16xi32>
    tpu.vector_store_idx %arg8[%add3A_570, %add3A_573], %broadcast_in_dim3A_6 : memref<200x128xi32, #tpu.memory_space<vmem>>[vector<16xi32>, vector<16xi32>], vector<16xi32>,
    %get3A_574 = arith.constant 0 : i32
    %get3A_575 = arith.index_cast %get3A_574 : i32 to index
    %get3A_576 = arith.constant 448 : index
    %get3A_577 = tpu.vector_load %arg4[%get3A_575, %get3A_576] {strides = array<i32>} : memref<26x512xi32, #tpu.memory_space<vmem>>, vector<16xi32>,
    %add3A_578 = arith.constant 0 : i32
    %add3A_579 = vector.broadcast %add3A_578 : i32 to vector<16xi32>
    %add3A_580 = arith.addi %get3A_577, %add3A_579 : vector<16xi32>
    %add3A_581 = arith.constant 64 : i32
    %add3A_582 = vector.broadcast %add3A_581 : i32 to vector<16xi32>
    %add3A_583 = arith.addi %iota3A, %add3A_582 : vector<16xi32>
    tpu.vector_store_idx %arg8[%add3A_580, %add3A_583], %broadcast_in_dim3A_6 : memref<200x128xi32, #tpu.memory_space<vmem>>[vector<16xi32>, vector<16xi32>], vector<16xi32>,
    %get3A_584 = arith.constant 0 : i32
    %get3A_585 = arith.index_cast %get3A_584 : i32 to index
    %get3A_586 = arith.constant 464 : index
    %get3A_587 = tpu.vector_load %arg4[%get3A_585, %get3A_586] {strides = array<i32>} : memref<26x512xi32, #tpu.memory_space<vmem>>, vector<16xi32>,
    %add3A_588 = arith.constant 0 : i32
    %add3A_589 = vector.broadcast %add3A_588 : i32 to vector<16xi32>
    %add3A_590 = arith.addi %get3A_587, %add3A_589 : vector<16xi32>
    %add3A_591 = arith.constant 80 : i32
    %add3A_592 = vector.broadcast %add3A_591 : i32 to vector<16xi32>
    %add3A_593 = arith.addi %iota3A, %add3A_592 : vector<16xi32>
    tpu.vector_store_idx %arg8[%add3A_590, %add3A_593], %broadcast_in_dim3A_6 : memref<200x128xi32, #tpu.memory_space<vmem>>[vector<16xi32>, vector<16xi32>], vector<16xi32>,
    %get3A_594 = arith.constant 0 : i32
    %get3A_595 = arith.index_cast %get3A_594 : i32 to index
    %get3A_596 = arith.constant 480 : index
    %get3A_597 = tpu.vector_load %arg4[%get3A_595, %get3A_596] {strides = array<i32>} : memref<26x512xi32, #tpu.memory_space<vmem>>, vector<16xi32>,
    %add3A_598 = arith.constant 0 : i32
    %add3A_599 = vector.broadcast %add3A_598 : i32 to vector<16xi32>
    %add3A_600 = arith.addi %get3A_597, %add3A_599 : vector<16xi32>
    %add3A_601 = arith.constant 96 : i32
    %add3A_602 = vector.broadcast %add3A_601 : i32 to vector<16xi32>
    %add3A_603 = arith.addi %iota3A, %add3A_602 : vector<16xi32>
    tpu.vector_store_idx %arg8[%add3A_600, %add3A_603], %broadcast_in_dim3A_6 : memref<200x128xi32, #tpu.memory_space<vmem>>[vector<16xi32>, vector<16xi32>], vector<16xi32>,
    %get3A_604 = arith.constant 0 : i32
    %get3A_605 = arith.index_cast %get3A_604 : i32 to index
    %get3A_606 = arith.constant 496 : index
    %get3A_607 = tpu.vector_load %arg4[%get3A_605, %get3A_606] {strides = array<i32>} : memref<26x512xi32, #tpu.memory_space<vmem>>, vector<16xi32>,
    %add3A_608 = arith.constant 0 : i32
    %add3A_609 = vector.broadcast %add3A_608 : i32 to vector<16xi32>
    %add3A_610 = arith.addi %get3A_607, %add3A_609 : vector<16xi32>
    %add3A_611 = arith.constant 112 : i32
    %add3A_612 = vector.broadcast %add3A_611 : i32 to vector<16xi32>
    %add3A_613 = arith.addi %iota3A, %add3A_612 : vector<16xi32>
    tpu.vector_store_idx %arg8[%add3A_610, %add3A_613], %broadcast_in_dim3A_6 : memref<200x128xi32, #tpu.memory_space<vmem>>[vector<16xi32>, vector<16xi32>], vector<16xi32>,
    %get3A_614 = arith.constant 1 : i32
    %get3A_615 = arith.index_cast %get3A_614 : i32 to index
    %get3A_616 = arith.constant 384 : index
    %get3A_617 = tpu.vector_load %arg4[%get3A_615, %get3A_616] {strides = array<i32>} : memref<26x512xi32, #tpu.memory_space<vmem>>, vector<16xi32>,
    %add3A_618 = arith.constant 100 : i32
    %add3A_619 = vector.broadcast %add3A_618 : i32 to vector<16xi32>
    %add3A_620 = arith.addi %get3A_617, %add3A_619 : vector<16xi32>
    %add3A_621 = arith.constant 0 : i32
    %add3A_622 = vector.broadcast %add3A_621 : i32 to vector<16xi32>
    %add3A_623 = arith.addi %iota3A, %add3A_622 : vector<16xi32>
    tpu.vector_store_idx %arg8[%add3A_620, %add3A_623], %broadcast_in_dim3A_6 : memref<200x128xi32, #tpu.memory_space<vmem>>[vector<16xi32>, vector<16xi32>], vector<16xi32>,
    %get3A_624 = arith.constant 1 : i32
    %get3A_625 = arith.index_cast %get3A_624 : i32 to index
    %get3A_626 = arith.constant 400 : index
    %get3A_627 = tpu.vector_load %arg4[%get3A_625, %get3A_626] {strides = array<i32>} : memref<26x512xi32, #tpu.memory_space<vmem>>, vector<16xi32>,
    %add3A_628 = arith.constant 100 : i32
    %add3A_629 = vector.broadcast %add3A_628 : i32 to vector<16xi32>
    %add3A_630 = arith.addi %get3A_627, %add3A_629 : vector<16xi32>
    %add3A_631 = arith.constant 16 : i32
    %add3A_632 = vector.broadcast %add3A_631 : i32 to vector<16xi32>
    %add3A_633 = arith.addi %iota3A, %add3A_632 : vector<16xi32>
    tpu.vector_store_idx %arg8[%add3A_630, %add3A_633], %broadcast_in_dim3A_6 : memref<200x128xi32, #tpu.memory_space<vmem>>[vector<16xi32>, vector<16xi32>], vector<16xi32>,
    %get3A_634 = arith.constant 1 : i32
    %get3A_635 = arith.index_cast %get3A_634 : i32 to index
    %get3A_636 = arith.constant 416 : index
    %get3A_637 = tpu.vector_load %arg4[%get3A_635, %get3A_636] {strides = array<i32>} : memref<26x512xi32, #tpu.memory_space<vmem>>, vector<16xi32>,
    %add3A_638 = arith.constant 100 : i32
    %add3A_639 = vector.broadcast %add3A_638 : i32 to vector<16xi32>
    %add3A_640 = arith.addi %get3A_637, %add3A_639 : vector<16xi32>
    %add3A_641 = arith.constant 32 : i32
    %add3A_642 = vector.broadcast %add3A_641 : i32 to vector<16xi32>
    %add3A_643 = arith.addi %iota3A, %add3A_642 : vector<16xi32>
    tpu.vector_store_idx %arg8[%add3A_640, %add3A_643], %broadcast_in_dim3A_6 : memref<200x128xi32, #tpu.memory_space<vmem>>[vector<16xi32>, vector<16xi32>], vector<16xi32>,
    %get3A_644 = arith.constant 1 : i32
    %get3A_645 = arith.index_cast %get3A_644 : i32 to index
    %get3A_646 = arith.constant 432 : index
    %get3A_647 = tpu.vector_load %arg4[%get3A_645, %get3A_646] {strides = array<i32>} : memref<26x512xi32, #tpu.memory_space<vmem>>, vector<16xi32>,
    %add3A_648 = arith.constant 100 : i32
    %add3A_649 = vector.broadcast %add3A_648 : i32 to vector<16xi32>
    %add3A_650 = arith.addi %get3A_647, %add3A_649 : vector<16xi32>
    %add3A_651 = arith.constant 48 : i32
    %add3A_652 = vector.broadcast %add3A_651 : i32 to vector<16xi32>
    %add3A_653 = arith.addi %iota3A, %add3A_652 : vector<16xi32>
    tpu.vector_store_idx %arg8[%add3A_650, %add3A_653], %broadcast_in_dim3A_6 : memref<200x128xi32, #tpu.memory_space<vmem>>[vector<16xi32>, vector<16xi32>], vector<16xi32>,
    %get3A_654 = arith.constant 1 : i32
    %get3A_655 = arith.index_cast %get3A_654 : i32 to index
    %get3A_656 = arith.constant 448 : index
    %get3A_657 = tpu.vector_load %arg4[%get3A_655, %get3A_656] {strides = array<i32>} : memref<26x512xi32, #tpu.memory_space<vmem>>, vector<16xi32>,
    %add3A_658 = arith.constant 100 : i32
    %add3A_659 = vector.broadcast %add3A_658 : i32 to vector<16xi32>
    %add3A_660 = arith.addi %get3A_657, %add3A_659 : vector<16xi32>
    %add3A_661 = arith.constant 64 : i32
    %add3A_662 = vector.broadcast %add3A_661 : i32 to vector<16xi32>
    %add3A_663 = arith.addi %iota3A, %add3A_662 : vector<16xi32>
    tpu.vector_store_idx %arg8[%add3A_660, %add3A_663], %broadcast_in_dim3A_6 : memref<200x128xi32, #tpu.memory_space<vmem>>[vector<16xi32>, vector<16xi32>], vector<16xi32>,
    %get3A_664 = arith.constant 1 : i32
    %get3A_665 = arith.index_cast %get3A_664 : i32 to index
    %get3A_666 = arith.constant 464 : index
    %get3A_667 = tpu.vector_load %arg4[%get3A_665, %get3A_666] {strides = array<i32>} : memref<26x512xi32, #tpu.memory_space<vmem>>, vector<16xi32>,
    %add3A_668 = arith.constant 100 : i32
    %add3A_669 = vector.broadcast %add3A_668 : i32 to vector<16xi32>
    %add3A_670 = arith.addi %get3A_667, %add3A_669 : vector<16xi32>
    %add3A_671 = arith.constant 80 : i32
    %add3A_672 = vector.broadcast %add3A_671 : i32 to vector<16xi32>
    %add3A_673 = arith.addi %iota3A, %add3A_672 : vector<16xi32>
    tpu.vector_store_idx %arg8[%add3A_670, %add3A_673], %broadcast_in_dim3A_6 : memref<200x128xi32, #tpu.memory_space<vmem>>[vector<16xi32>, vector<16xi32>], vector<16xi32>,
    %get3A_674 = arith.constant 1 : i32
    %get3A_675 = arith.index_cast %get3A_674 : i32 to index
    %get3A_676 = arith.constant 480 : index
    %get3A_677 = tpu.vector_load %arg4[%get3A_675, %get3A_676] {strides = array<i32>} : memref<26x512xi32, #tpu.memory_space<vmem>>, vector<16xi32>,
    %add3A_678 = arith.constant 100 : i32
    %add3A_679 = vector.broadcast %add3A_678 : i32 to vector<16xi32>
    %add3A_680 = arith.addi %get3A_677, %add3A_679 : vector<16xi32>
    %add3A_681 = arith.constant 96 : i32
    %add3A_682 = vector.broadcast %add3A_681 : i32 to vector<16xi32>
    %add3A_683 = arith.addi %iota3A, %add3A_682 : vector<16xi32>
    tpu.vector_store_idx %arg8[%add3A_680, %add3A_683], %broadcast_in_dim3A_6 : memref<200x128xi32, #tpu.memory_space<vmem>>[vector<16xi32>, vector<16xi32>], vector<16xi32>,
    %get3A_684 = arith.constant 1 : i32
    %get3A_685 = arith.index_cast %get3A_684 : i32 to index
    %get3A_686 = arith.constant 496 : index
    %get3A_687 = tpu.vector_load %arg4[%get3A_685, %get3A_686] {strides = array<i32>} : memref<26x512xi32, #tpu.memory_space<vmem>>, vector<16xi32>,
    %add3A_688 = arith.constant 100 : i32
    %add3A_689 = vector.broadcast %add3A_688 : i32 to vector<16xi32>
    %add3A_690 = arith.addi %get3A_687, %add3A_689 : vector<16xi32>
    %add3A_691 = arith.constant 112 : i32
    %add3A_692 = vector.broadcast %add3A_691 : i32 to vector<16xi32>
    %add3A_693 = arith.addi %iota3A, %add3A_692 : vector<16xi32>
    tpu.vector_store_idx %arg8[%add3A_690, %add3A_693], %broadcast_in_dim3A_6 : memref<200x128xi32, #tpu.memory_space<vmem>>[vector<16xi32>, vector<16xi32>], vector<16xi32>,
    %add3A_694 = arith.constant 384 : i32
    %add3A_695 = arith.addi %mul3A_2, %add3A_694 : i32
    %dma_start3A_696 = arith.constant 0 : i32
    %dma_start3A_697 = tpu.memref_slice %arg3[%dma_start3A_696, %add3A_695] : memref<2600x16384xi32, #tpu.memory_space<hbm>> -> memref<200x128xi32, #tpu.memory_space<hbm>>
    %dma_start3A_698 = arith.constant 0 : i32
    %dma_start3A_699 = tpu.memref_slice %arg3[%dma_start3A_698, %add3A_695] : memref<2600x16384xi32, #tpu.memory_space<hbm>> -> memref<200x128xi32, #tpu.memory_space<hbm>>
    tpu.enqueue_dma source(%arg8 : memref<200x128xi32, #tpu.memory_space<vmem>>) target(%dma_start3A_699 : memref<200x128xi32, #tpu.memory_space<hbm>>) target_semaphore(%arg12 : memref<!tpu.dma_semaphore, #tpu.memory_space<semaphore_mem>>)
    %scan3A_700 = arith.constant 0 : i32
    %scan3A_701 = arith.constant 0 : i32
    %scan3A_702 = arith.constant 12 : i32
    %scan3A_703 = arith.addi %scan3A_701, %scan3A_702 : i32
    %scan3A_704 = arith.constant 1 : i32
    scf.for %scan3A_722 = %scan3A_701 to %scan3A_703 step %scan3A_704  : i32 {
      %mul3A_723 = arith.constant 4 : i32
      %mul3A_724 = arith.muli %scan3A_722, %mul3A_723 : i32
      %add3A_725 = arith.constant 4 : i32
      %add3A_726 = arith.addi %mul3A_724, %add3A_725 : i32
      %add3A_727 = arith.constant 0 : i32
      %add3A_728 = arith.addi %add3A_726, %add3A_727 : i32
      %dma_wait3A_729 = arith.constant 0 : i32
      %dma_wait3A_730 = tpu.memref_slice %arg3[%dma_wait3A_729, %mul3A_2] : memref<2600x16384xi32, #tpu.memory_space<hbm>> -> memref<200x128xi32, #tpu.memory_space<hbm>>
      %dma_wait3A_731 = arith.constant 0 : i32
      %dma_wait3A_732 = tpu.memref_slice %arg3[%dma_wait3A_731, %mul3A_2] : memref<2600x16384xi32, #tpu.memory_space<hbm>> -> memref<200x128xi32, #tpu.memory_space<hbm>>
      tpu.wait_dma2 semaphore(%arg9 : memref<!tpu.dma_semaphore, #tpu.memory_space<semaphore_mem>>) src(%arg5 : memref<200x128xi32, #tpu.memory_space<vmem>>) dst(%dma_wait3A_732 : memref<200x128xi32, #tpu.memory_space<hbm>>)
      %sub3A = arith.constant 4 : i32
      %sub3A_733 = arith.subi %add3A_728, %sub3A : i32
      %jit3A = arith.constant 4 : i32
      %div3A = arith.divsi %sub3A_733, %jit3A : i32
      %sign3A = arith.constant 0 : i32
      %sign3A_734 = arith.cmpi sgt, %sub3A_733, %sign3A : i32
      %sign3A_735 = arith.extui %sign3A_734 : i1 to i32
      %sign3A_736 = arith.constant 0 : i32
      %sign3A_737 = arith.cmpi slt, %sub3A_733, %sign3A_736 : i32
      %sign3A_738 = arith.extui %sign3A_737 : i1 to i32
      %sign3A_739 = arith.subi %sign3A_735, %sign3A_738 : i32
      %sign3A_740 = arith.constant 0 : i32
      %sign3A_741 = arith.cmpi sgt, %jit3A, %sign3A_740 : i32
      %sign3A_742 = arith.extui %sign3A_741 : i1 to i32
      %sign3A_743 = arith.constant 0 : i32
      %sign3A_744 = arith.cmpi slt, %jit3A, %sign3A_743 : i32
      %sign3A_745 = arith.extui %sign3A_744 : i1 to i32
      %sign3A_746 = arith.subi %sign3A_742, %sign3A_745 : i32
      %ne3A = arith.cmpi ne, %sign3A_739, %sign3A_746 : i32
      %rem3A = arith.remsi %sub3A_733, %jit3A : i32
      %ne3A_747 = arith.constant 0 : i32
      %ne3A_748 = arith.cmpi ne, %rem3A, %ne3A_747 : i32
      %and3A = arith.andi %ne3A, %ne3A_748 : i1
      %sub3A_749 = arith.constant 1 : i32
      %sub3A_750 = arith.subi %div3A, %sub3A_749 : i32
      %select_n3A = arith.select %and3A, %sub3A_750, %div3A : i32
      %mul3A_751 = arith.constant 4 : i32
      %mul3A_752 = arith.muli %select_n3A, %mul3A_751 : i32
      %sub3A_753 = arith.subi %sub3A_733, %mul3A_752 : i32
      %mul3A_754 = arith.constant 2 : i32
      %mul3A_755 = arith.muli %mul3A_754, %select_n3A : i32
      %add3A_756 = arith.constant 0 : i32
      %add3A_757 = arith.addi %mul3A_755, %add3A_756 : i32
      %mul3A_758 = arith.constant 128 : i32
      %mul3A_759 = arith.muli %sub3A_753, %mul3A_758 : i32
      %add3A_760 = arith.constant 0 : i32
      %add3A_761 = arith.addi %mul3A_759, %add3A_760 : i32
      %get3A_762 = arith.index_cast %add3A_757 : i32 to index
      %get3A_763 = arith.index_cast %add3A_761 : i32 to index
      %get3A_764 = tpu.vector_load %arg4[%get3A_762, %get3A_763] {strides = array<i32>} : memref<26x512xi32, #tpu.memory_space<vmem>>, vector<16xi32>,
      %add3A_765 = arith.constant 0 : i32
      %add3A_766 = vector.broadcast %add3A_765 : i32 to vector<16xi32>
      %add3A_767 = arith.addi %get3A_764, %add3A_766 : vector<16xi32>
      %add3A_768 = arith.constant 0 : i32
      %add3A_769 = vector.broadcast %add3A_768 : i32 to vector<16xi32>
      %add3A_770 = arith.addi %iota3A, %add3A_769 : vector<16xi32>
      tpu.vector_store_idx %arg5[%add3A_767, %add3A_770], %broadcast_in_dim3A_8 : memref<200x128xi32, #tpu.memory_space<vmem>>[vector<16xi32>, vector<16xi32>], vector<16xi32>,
      %mul3A_771 = arith.constant 128 : i32
      %mul3A_772 = arith.muli %sub3A_753, %mul3A_771 : i32
      %add3A_773 = arith.constant 16 : i32
      %add3A_774 = arith.addi %mul3A_772, %add3A_773 : i32
      %get3A_775 = arith.index_cast %add3A_757 : i32 to index
      %get3A_776 = arith.index_cast %add3A_774 : i32 to index
      %get3A_777 = tpu.vector_load %arg4[%get3A_775, %get3A_776] {strides = array<i32>} : memref<26x512xi32, #tpu.memory_space<vmem>>, vector<16xi32>,
      %add3A_778 = arith.constant 0 : i32
      %add3A_779 = vector.broadcast %add3A_778 : i32 to vector<16xi32>
      %add3A_780 = arith.addi %get3A_777, %add3A_779 : vector<16xi32>
      %add3A_781 = arith.constant 16 : i32
      %add3A_782 = vector.broadcast %add3A_781 : i32 to vector<16xi32>
      %add3A_783 = arith.addi %iota3A, %add3A_782 : vector<16xi32>
      tpu.vector_store_idx %arg5[%add3A_780, %add3A_783], %broadcast_in_dim3A_8 : memref<200x128xi32, #tpu.memory_space<vmem>>[vector<16xi32>, vector<16xi32>], vector<16xi32>,
      %mul3A_784 = arith.constant 128 : i32
      %mul3A_785 = arith.muli %sub3A_753, %mul3A_784 : i32
      %add3A_786 = arith.constant 32 : i32
      %add3A_787 = arith.addi %mul3A_785, %add3A_786 : i32
      %get3A_788 = arith.index_cast %add3A_757 : i32 to index
      %get3A_789 = arith.index_cast %add3A_787 : i32 to index
      %get3A_790 = tpu.vector_load %arg4[%get3A_788, %get3A_789] {strides = array<i32>} : memref<26x512xi32, #tpu.memory_space<vmem>>, vector<16xi32>,
      %add3A_791 = arith.constant 0 : i32
      %add3A_792 = vector.broadcast %add3A_791 : i32 to vector<16xi32>
      %add3A_793 = arith.addi %get3A_790, %add3A_792 : vector<16xi32>
      %add3A_794 = arith.constant 32 : i32
      %add3A_795 = vector.broadcast %add3A_794 : i32 to vector<16xi32>
      %add3A_796 = arith.addi %iota3A, %add3A_795 : vector<16xi32>
      tpu.vector_store_idx %arg5[%add3A_793, %add3A_796], %broadcast_in_dim3A_8 : memref<200x128xi32, #tpu.memory_space<vmem>>[vector<16xi32>, vector<16xi32>], vector<16xi32>,
      %mul3A_797 = arith.constant 128 : i32
      %mul3A_798 = arith.muli %sub3A_753, %mul3A_797 : i32
      %add3A_799 = arith.constant 48 : i32
      %add3A_800 = arith.addi %mul3A_798, %add3A_799 : i32
      %get3A_801 = arith.index_cast %add3A_757 : i32 to index
      %get3A_802 = arith.index_cast %add3A_800 : i32 to index
      %get3A_803 = tpu.vector_load %arg4[%get3A_801, %get3A_802] {strides = array<i32>} : memref<26x512xi32, #tpu.memory_space<vmem>>, vector<16xi32>,
      %add3A_804 = arith.constant 0 : i32
      %add3A_805 = vector.broadcast %add3A_804 : i32 to vector<16xi32>
      %add3A_806 = arith.addi %get3A_803, %add3A_805 : vector<16xi32>
      %add3A_807 = arith.constant 48 : i32
      %add3A_808 = vector.broadcast %add3A_807 : i32 to vector<16xi32>
      %add3A_809 = arith.addi %iota3A, %add3A_808 : vector<16xi32>
      tpu.vector_store_idx %arg5[%add3A_806, %add3A_809], %broadcast_in_dim3A_8 : memref<200x128xi32, #tpu.memory_space<vmem>>[vector<16xi32>, vector<16xi32>], vector<16xi32>,
      %mul3A_810 = arith.constant 128 : i32
      %mul3A_811 = arith.muli %sub3A_753, %mul3A_810 : i32
      %add3A_812 = arith.constant 64 : i32
      %add3A_813 = arith.addi %mul3A_811, %add3A_812 : i32
      %get3A_814 = arith.index_cast %add3A_757 : i32 to index
      %get3A_815 = arith.index_cast %add3A_813 : i32 to index
      %get3A_816 = tpu.vector_load %arg4[%get3A_814, %get3A_815] {strides = array<i32>} : memref<26x512xi32, #tpu.memory_space<vmem>>, vector<16xi32>,
      %add3A_817 = arith.constant 0 : i32
      %add3A_818 = vector.broadcast %add3A_817 : i32 to vector<16xi32>
      %add3A_819 = arith.addi %get3A_816, %add3A_818 : vector<16xi32>
      %add3A_820 = arith.constant 64 : i32
      %add3A_821 = vector.broadcast %add3A_820 : i32 to vector<16xi32>
      %add3A_822 = arith.addi %iota3A, %add3A_821 : vector<16xi32>
      tpu.vector_store_idx %arg5[%add3A_819, %add3A_822], %broadcast_in_dim3A_8 : memref<200x128xi32, #tpu.memory_space<vmem>>[vector<16xi32>, vector<16xi32>], vector<16xi32>,
      %mul3A_823 = arith.constant 128 : i32
      %mul3A_824 = arith.muli %sub3A_753, %mul3A_823 : i32
      %add3A_825 = arith.constant 80 : i32
      %add3A_826 = arith.addi %mul3A_824, %add3A_825 : i32
      %get3A_827 = arith.index_cast %add3A_757 : i32 to index
      %get3A_828 = arith.index_cast %add3A_826 : i32 to index
      %get3A_829 = tpu.vector_load %arg4[%get3A_827, %get3A_828] {strides = array<i32>} : memref<26x512xi32, #tpu.memory_space<vmem>>, vector<16xi32>,
      %add3A_830 = arith.constant 0 : i32
      %add3A_831 = vector.broadcast %add3A_830 : i32 to vector<16xi32>
      %add3A_832 = arith.addi %get3A_829, %add3A_831 : vector<16xi32>
      %add3A_833 = arith.constant 80 : i32
      %add3A_834 = vector.broadcast %add3A_833 : i32 to vector<16xi32>
      %add3A_835 = arith.addi %iota3A, %add3A_834 : vector<16xi32>
      tpu.vector_store_idx %arg5[%add3A_832, %add3A_835], %broadcast_in_dim3A_8 : memref<200x128xi32, #tpu.memory_space<vmem>>[vector<16xi32>, vector<16xi32>], vector<16xi32>,
      %mul3A_836 = arith.constant 128 : i32
      %mul3A_837 = arith.muli %sub3A_753, %mul3A_836 : i32
      %add3A_838 = arith.constant 96 : i32
      %add3A_839 = arith.addi %mul3A_837, %add3A_838 : i32
      %get3A_840 = arith.index_cast %add3A_757 : i32 to index
      %get3A_841 = arith.index_cast %add3A_839 : i32 to index
      %get3A_842 = tpu.vector_load %arg4[%get3A_840, %get3A_841] {strides = array<i32>} : memref<26x512xi32, #tpu.memory_space<vmem>>, vector<16xi32>,
      %add3A_843 = arith.constant 0 : i32
      %add3A_844 = vector.broadcast %add3A_843 : i32 to vector<16xi32>
      %add3A_845 = arith.addi %get3A_842, %add3A_844 : vector<16xi32>
      %add3A_846 = arith.constant 96 : i32
      %add3A_847 = vector.broadcast %add3A_846 : i32 to vector<16xi32>
      %add3A_848 = arith.addi %iota3A, %add3A_847 : vector<16xi32>
      tpu.vector_store_idx %arg5[%add3A_845, %add3A_848], %broadcast_in_dim3A_8 : memref<200x128xi32, #tpu.memory_space<vmem>>[vector<16xi32>, vector<16xi32>], vector<16xi32>,
      %mul3A_849 = arith.constant 128 : i32
      %mul3A_850 = arith.muli %sub3A_753, %mul3A_849 : i32
      %add3A_851 = arith.constant 112 : i32
      %add3A_852 = arith.addi %mul3A_850, %add3A_851 : i32
      %get3A_853 = arith.index_cast %add3A_757 : i32 to index
      %get3A_854 = arith.index_cast %add3A_852 : i32 to index
      %get3A_855 = tpu.vector_load %arg4[%get3A_853, %get3A_854] {strides = array<i32>} : memref<26x512xi32, #tpu.memory_space<vmem>>, vector<16xi32>,
      %add3A_856 = arith.constant 0 : i32
      %add3A_857 = vector.broadcast %add3A_856 : i32 to vector<16xi32>
      %add3A_858 = arith.addi %get3A_855, %add3A_857 : vector<16xi32>
      %add3A_859 = arith.constant 112 : i32
      %add3A_860 = vector.broadcast %add3A_859 : i32 to vector<16xi32>
      %add3A_861 = arith.addi %iota3A, %add3A_860 : vector<16xi32>
      tpu.vector_store_idx %arg5[%add3A_858, %add3A_861], %broadcast_in_dim3A_8 : memref<200x128xi32, #tpu.memory_space<vmem>>[vector<16xi32>, vector<16xi32>], vector<16xi32>,
      %mul3A_862 = arith.constant 2 : i32
      %mul3A_863 = arith.muli %mul3A_862, %select_n3A : i32
      %add3A_864 = arith.constant 1 : i32
      %add3A_865 = arith.addi %mul3A_863, %add3A_864 : i32
      %mul3A_866 = arith.constant 128 : i32
      %mul3A_867 = arith.muli %sub3A_753, %mul3A_866 : i32
      %add3A_868 = arith.constant 0 : i32
      %add3A_869 = arith.addi %mul3A_867, %add3A_868 : i32
      %get3A_870 = arith.index_cast %add3A_865 : i32 to index
      %get3A_871 = arith.index_cast %add3A_869 : i32 to index
      %get3A_872 = tpu.vector_load %arg4[%get3A_870, %get3A_871] {strides = array<i32>} : memref<26x512xi32, #tpu.memory_space<vmem>>, vector<16xi32>,
      %add3A_873 = arith.constant 100 : i32
      %add3A_874 = vector.broadcast %add3A_873 : i32 to vector<16xi32>
      %add3A_875 = arith.addi %get3A_872, %add3A_874 : vector<16xi32>
      %add3A_876 = arith.constant 0 : i32
      %add3A_877 = vector.broadcast %add3A_876 : i32 to vector<16xi32>
      %add3A_878 = arith.addi %iota3A, %add3A_877 : vector<16xi32>
      tpu.vector_store_idx %arg5[%add3A_875, %add3A_878], %broadcast_in_dim3A_8 : memref<200x128xi32, #tpu.memory_space<vmem>>[vector<16xi32>, vector<16xi32>], vector<16xi32>,
      %mul3A_879 = arith.constant 128 : i32
      %mul3A_880 = arith.muli %sub3A_753, %mul3A_879 : i32
      %add3A_881 = arith.constant 16 : i32
      %add3A_882 = arith.addi %mul3A_880, %add3A_881 : i32
      %get3A_883 = arith.index_cast %add3A_865 : i32 to index
      %get3A_884 = arith.index_cast %add3A_882 : i32 to index
      %get3A_885 = tpu.vector_load %arg4[%get3A_883, %get3A_884] {strides = array<i32>} : memref<26x512xi32, #tpu.memory_space<vmem>>, vector<16xi32>,
      %add3A_886 = arith.constant 100 : i32
      %add3A_887 = vector.broadcast %add3A_886 : i32 to vector<16xi32>
      %add3A_888 = arith.addi %get3A_885, %add3A_887 : vector<16xi32>
      %add3A_889 = arith.constant 16 : i32
      %add3A_890 = vector.broadcast %add3A_889 : i32 to vector<16xi32>
      %add3A_891 = arith.addi %iota3A, %add3A_890 : vector<16xi32>
      tpu.vector_store_idx %arg5[%add3A_888, %add3A_891], %broadcast_in_dim3A_8 : memref<200x128xi32, #tpu.memory_space<vmem>>[vector<16xi32>, vector<16xi32>], vector<16xi32>,
      %mul3A_892 = arith.constant 128 : i32
      %mul3A_893 = arith.muli %sub3A_753, %mul3A_892 : i32
      %add3A_894 = arith.constant 32 : i32
      %add3A_895 = arith.addi %mul3A_893, %add3A_894 : i32
      %get3A_896 = arith.index_cast %add3A_865 : i32 to index
      %get3A_897 = arith.index_cast %add3A_895 : i32 to index
      %get3A_898 = tpu.vector_load %arg4[%get3A_896, %get3A_897] {strides = array<i32>} : memref<26x512xi32, #tpu.memory_space<vmem>>, vector<16xi32>,
      %add3A_899 = arith.constant 100 : i32
      %add3A_900 = vector.broadcast %add3A_899 : i32 to vector<16xi32>
      %add3A_901 = arith.addi %get3A_898, %add3A_900 : vector<16xi32>
      %add3A_902 = arith.constant 32 : i32
      %add3A_903 = vector.broadcast %add3A_902 : i32 to vector<16xi32>
      %add3A_904 = arith.addi %iota3A, %add3A_903 : vector<16xi32>
      tpu.vector_store_idx %arg5[%add3A_901, %add3A_904], %broadcast_in_dim3A_8 : memref<200x128xi32, #tpu.memory_space<vmem>>[vector<16xi32>, vector<16xi32>], vector<16xi32>,
      %mul3A_905 = arith.constant 128 : i32
      %mul3A_906 = arith.muli %sub3A_753, %mul3A_905 : i32
      %add3A_907 = arith.constant 48 : i32
      %add3A_908 = arith.addi %mul3A_906, %add3A_907 : i32
      %get3A_909 = arith.index_cast %add3A_865 : i32 to index
      %get3A_910 = arith.index_cast %add3A_908 : i32 to index
      %get3A_911 = tpu.vector_load %arg4[%get3A_909, %get3A_910] {strides = array<i32>} : memref<26x512xi32, #tpu.memory_space<vmem>>, vector<16xi32>,
      %add3A_912 = arith.constant 100 : i32
      %add3A_913 = vector.broadcast %add3A_912 : i32 to vector<16xi32>
      %add3A_914 = arith.addi %get3A_911, %add3A_913 : vector<16xi32>
      %add3A_915 = arith.constant 48 : i32
      %add3A_916 = vector.broadcast %add3A_915 : i32 to vector<16xi32>
      %add3A_917 = arith.addi %iota3A, %add3A_916 : vector<16xi32>
      tpu.vector_store_idx %arg5[%add3A_914, %add3A_917], %broadcast_in_dim3A_8 : memref<200x128xi32, #tpu.memory_space<vmem>>[vector<16xi32>, vector<16xi32>], vector<16xi32>,
      %mul3A_918 = arith.constant 128 : i32
      %mul3A_919 = arith.muli %sub3A_753, %mul3A_918 : i32
      %add3A_920 = arith.constant 64 : i32
      %add3A_921 = arith.addi %mul3A_919, %add3A_920 : i32
      %get3A_922 = arith.index_cast %add3A_865 : i32 to index
      %get3A_923 = arith.index_cast %add3A_921 : i32 to index
      %get3A_924 = tpu.vector_load %arg4[%get3A_922, %get3A_923] {strides = array<i32>} : memref<26x512xi32, #tpu.memory_space<vmem>>, vector<16xi32>,
      %add3A_925 = arith.constant 100 : i32
      %add3A_926 = vector.broadcast %add3A_925 : i32 to vector<16xi32>
      %add3A_927 = arith.addi %get3A_924, %add3A_926 : vector<16xi32>
      %add3A_928 = arith.constant 64 : i32
      %add3A_929 = vector.broadcast %add3A_928 : i32 to vector<16xi32>
      %add3A_930 = arith.addi %iota3A, %add3A_929 : vector<16xi32>
      tpu.vector_store_idx %arg5[%add3A_927, %add3A_930], %broadcast_in_dim3A_8 : memref<200x128xi32, #tpu.memory_space<vmem>>[vector<16xi32>, vector<16xi32>], vector<16xi32>,
      %mul3A_931 = arith.constant 128 : i32
      %mul3A_932 = arith.muli %sub3A_753, %mul3A_931 : i32
      %add3A_933 = arith.constant 80 : i32
      %add3A_934 = arith.addi %mul3A_932, %add3A_933 : i32
      %get3A_935 = arith.index_cast %add3A_865 : i32 to index
      %get3A_936 = arith.index_cast %add3A_934 : i32 to index
      %get3A_937 = tpu.vector_load %arg4[%get3A_935, %get3A_936] {strides = array<i32>} : memref<26x512xi32, #tpu.memory_space<vmem>>, vector<16xi32>,
      %add3A_938 = arith.constant 100 : i32
      %add3A_939 = vector.broadcast %add3A_938 : i32 to vector<16xi32>
      %add3A_940 = arith.addi %get3A_937, %add3A_939 : vector<16xi32>
      %add3A_941 = arith.constant 80 : i32
      %add3A_942 = vector.broadcast %add3A_941 : i32 to vector<16xi32>
      %add3A_943 = arith.addi %iota3A, %add3A_942 : vector<16xi32>
      tpu.vector_store_idx %arg5[%add3A_940, %add3A_943], %broadcast_in_dim3A_8 : memref<200x128xi32, #tpu.memory_space<vmem>>[vector<16xi32>, vector<16xi32>], vector<16xi32>,
      %mul3A_944 = arith.constant 128 : i32
      %mul3A_945 = arith.muli %sub3A_753, %mul3A_944 : i32
      %add3A_946 = arith.constant 96 : i32
      %add3A_947 = arith.addi %mul3A_945, %add3A_946 : i32
      %get3A_948 = arith.index_cast %add3A_865 : i32 to index
      %get3A_949 = arith.index_cast %add3A_947 : i32 to index
      %get3A_950 = tpu.vector_load %arg4[%get3A_948, %get3A_949] {strides = array<i32>} : memref<26x512xi32, #tpu.memory_space<vmem>>, vector<16xi32>,
      %add3A_951 = arith.constant 100 : i32
      %add3A_952 = vector.broadcast %add3A_951 : i32 to vector<16xi32>
      %add3A_953 = arith.addi %get3A_950, %add3A_952 : vector<16xi32>
      %add3A_954 = arith.constant 96 : i32
      %add3A_955 = vector.broadcast %add3A_954 : i32 to vector<16xi32>
      %add3A_956 = arith.addi %iota3A, %add3A_955 : vector<16xi32>
      tpu.vector_store_idx %arg5[%add3A_953, %add3A_956], %broadcast_in_dim3A_8 : memref<200x128xi32, #tpu.memory_space<vmem>>[vector<16xi32>, vector<16xi32>], vector<16xi32>,
      %mul3A_957 = arith.constant 128 : i32
      %mul3A_958 = arith.muli %sub3A_753, %mul3A_957 : i32
      %add3A_959 = arith.constant 112 : i32
      %add3A_960 = arith.addi %mul3A_958, %add3A_959 : i32
      %get3A_961 = arith.index_cast %add3A_865 : i32 to index
      %get3A_962 = arith.index_cast %add3A_960 : i32 to index
      %get3A_963 = tpu.vector_load %arg4[%get3A_961, %get3A_962] {strides = array<i32>} : memref<26x512xi32, #tpu.memory_space<vmem>>, vector<16xi32>,
      %add3A_964 = arith.constant 100 : i32
      %add3A_965 = vector.broadcast %add3A_964 : i32 to vector<16xi32>
      %add3A_966 = arith.addi %get3A_963, %add3A_965 : vector<16xi32>
      %add3A_967 = arith.constant 112 : i32
      %add3A_968 = vector.broadcast %add3A_967 : i32 to vector<16xi32>
      %add3A_969 = arith.addi %iota3A, %add3A_968 : vector<16xi32>
      tpu.vector_store_idx %arg5[%add3A_966, %add3A_969], %broadcast_in_dim3A_8 : memref<200x128xi32, #tpu.memory_space<vmem>>[vector<16xi32>, vector<16xi32>], vector<16xi32>,
      %jit3A_970 = arith.constant 4 : i32
      %div3A_971 = arith.divsi %add3A_728, %jit3A_970 : i32
      %sign3A_972 = arith.constant 0 : i32
      %sign3A_973 = arith.cmpi sgt, %add3A_728, %sign3A_972 : i32
      %sign3A_974 = arith.extui %sign3A_973 : i1 to i32
      %sign3A_975 = arith.constant 0 : i32
      %sign3A_976 = arith.cmpi slt, %add3A_728, %sign3A_975 : i32
      %sign3A_977 = arith.extui %sign3A_976 : i1 to i32
      %sign3A_978 = arith.subi %sign3A_974, %sign3A_977 : i32
      %sign3A_979 = arith.constant 0 : i32
      %sign3A_980 = arith.cmpi sgt, %jit3A_970, %sign3A_979 : i32
      %sign3A_981 = arith.extui %sign3A_980 : i1 to i32
      %sign3A_982 = arith.constant 0 : i32
      %sign3A_983 = arith.cmpi slt, %jit3A_970, %sign3A_982 : i32
      %sign3A_984 = arith.extui %sign3A_983 : i1 to i32
      %sign3A_985 = arith.subi %sign3A_981, %sign3A_984 : i32
      %ne3A_986 = arith.cmpi ne, %sign3A_978, %sign3A_985 : i32
      %rem3A_987 = arith.remsi %add3A_728, %jit3A_970 : i32
      %ne3A_988 = arith.constant 0 : i32
      %ne3A_989 = arith.cmpi ne, %rem3A_987, %ne3A_988 : i32
      %and3A_990 = arith.andi %ne3A_986, %ne3A_989 : i1
      %sub3A_991 = arith.constant 1 : i32
      %sub3A_992 = arith.subi %div3A_971, %sub3A_991 : i32
      %select_n3A_993 = arith.select %and3A_990, %sub3A_992, %div3A_971 : i32
      %mul3A_994 = arith.constant 4 : i32
      %mul3A_995 = arith.muli %select_n3A_993, %mul3A_994 : i32
      %sub3A_996 = arith.subi %add3A_728, %mul3A_995 : i32
      %mul3A_997 = arith.constant 2 : i32
      %mul3A_998 = arith.muli %mul3A_997, %select_n3A_993 : i32
      %add3A_999 = arith.constant 0 : i32
      %add3A_1000 = arith.addi %mul3A_998, %add3A_999 : i32
      %mul3A_1001 = arith.constant 128 : i32
      %mul3A_1002 = arith.muli %sub3A_996, %mul3A_1001 : i32
      %add3A_1003 = arith.constant 0 : i32
      %add3A_1004 = arith.addi %mul3A_1002, %add3A_1003 : i32
      %get3A_1005 = arith.index_cast %add3A_1000 : i32 to index
      %get3A_1006 = arith.index_cast %add3A_1004 : i32 to index
      %get3A_1007 = tpu.vector_load %arg4[%get3A_1005, %get3A_1006] {strides = array<i32>} : memref<26x512xi32, #tpu.memory_space<vmem>>, vector<16xi32>,
      %add3A_1008 = arith.constant 0 : i32
      %add3A_1009 = vector.broadcast %add3A_1008 : i32 to vector<16xi32>
      %add3A_1010 = arith.addi %get3A_1007, %add3A_1009 : vector<16xi32>
      %add3A_1011 = arith.constant 0 : i32
      %add3A_1012 = vector.broadcast %add3A_1011 : i32 to vector<16xi32>
      %add3A_1013 = arith.addi %iota3A, %add3A_1012 : vector<16xi32>
      tpu.vector_store_idx %arg5[%add3A_1010, %add3A_1013], %broadcast_in_dim3A_6 : memref<200x128xi32, #tpu.memory_space<vmem>>[vector<16xi32>, vector<16xi32>], vector<16xi32>,
      %mul3A_1014 = arith.constant 128 : i32
      %mul3A_1015 = arith.muli %sub3A_996, %mul3A_1014 : i32
      %add3A_1016 = arith.constant 16 : i32
      %add3A_1017 = arith.addi %mul3A_1015, %add3A_1016 : i32
      %get3A_1018 = arith.index_cast %add3A_1000 : i32 to index
      %get3A_1019 = arith.index_cast %add3A_1017 : i32 to index
      %get3A_1020 = tpu.vector_load %arg4[%get3A_1018, %get3A_1019] {strides = array<i32>} : memref<26x512xi32, #tpu.memory_space<vmem>>, vector<16xi32>,
      %add3A_1021 = arith.constant 0 : i32
      %add3A_1022 = vector.broadcast %add3A_1021 : i32 to vector<16xi32>
      %add3A_1023 = arith.addi %get3A_1020, %add3A_1022 : vector<16xi32>
      %add3A_1024 = arith.constant 16 : i32
      %add3A_1025 = vector.broadcast %add3A_1024 : i32 to vector<16xi32>
      %add3A_1026 = arith.addi %iota3A, %add3A_1025 : vector<16xi32>
      tpu.vector_store_idx %arg5[%add3A_1023, %add3A_1026], %broadcast_in_dim3A_6 : memref<200x128xi32, #tpu.memory_space<vmem>>[vector<16xi32>, vector<16xi32>], vector<16xi32>,
      %mul3A_1027 = arith.constant 128 : i32
      %mul3A_1028 = arith.muli %sub3A_996, %mul3A_1027 : i32
      %add3A_1029 = arith.constant 32 : i32
      %add3A_1030 = arith.addi %mul3A_1028, %add3A_1029 : i32
      %get3A_1031 = arith.index_cast %add3A_1000 : i32 to index
      %get3A_1032 = arith.index_cast %add3A_1030 : i32 to index
      %get3A_1033 = tpu.vector_load %arg4[%get3A_1031, %get3A_1032] {strides = array<i32>} : memref<26x512xi32, #tpu.memory_space<vmem>>, vector<16xi32>,
      %add3A_1034 = arith.constant 0 : i32
      %add3A_1035 = vector.broadcast %add3A_1034 : i32 to vector<16xi32>
      %add3A_1036 = arith.addi %get3A_1033, %add3A_1035 : vector<16xi32>
      %add3A_1037 = arith.constant 32 : i32
      %add3A_1038 = vector.broadcast %add3A_1037 : i32 to vector<16xi32>
      %add3A_1039 = arith.addi %iota3A, %add3A_1038 : vector<16xi32>
      tpu.vector_store_idx %arg5[%add3A_1036, %add3A_1039], %broadcast_in_dim3A_6 : memref<200x128xi32, #tpu.memory_space<vmem>>[vector<16xi32>, vector<16xi32>], vector<16xi32>,
      %mul3A_1040 = arith.constant 128 : i32
      %mul3A_1041 = arith.muli %sub3A_996, %mul3A_1040 : i32
      %add3A_1042 = arith.constant 48 : i32
      %add3A_1043 = arith.addi %mul3A_1041, %add3A_1042 : i32
      %get3A_1044 = arith.index_cast %add3A_1000 : i32 to index
      %get3A_1045 = arith.index_cast %add3A_1043 : i32 to index
      %get3A_1046 = tpu.vector_load %arg4[%get3A_1044, %get3A_1045] {strides = array<i32>} : memref<26x512xi32, #tpu.memory_space<vmem>>, vector<16xi32>,
      %add3A_1047 = arith.constant 0 : i32
      %add3A_1048 = vector.broadcast %add3A_1047 : i32 to vector<16xi32>
      %add3A_1049 = arith.addi %get3A_1046, %add3A_1048 : vector<16xi32>
      %add3A_1050 = arith.constant 48 : i32
      %add3A_1051 = vector.broadcast %add3A_1050 : i32 to vector<16xi32>
      %add3A_1052 = arith.addi %iota3A, %add3A_1051 : vector<16xi32>
      tpu.vector_store_idx %arg5[%add3A_1049, %add3A_1052], %broadcast_in_dim3A_6 : memref<200x128xi32, #tpu.memory_space<vmem>>[vector<16xi32>, vector<16xi32>], vector<16xi32>,
      %mul3A_1053 = arith.constant 128 : i32
      %mul3A_1054 = arith.muli %sub3A_996, %mul3A_1053 : i32
      %add3A_1055 = arith.constant 64 : i32
      %add3A_1056 = arith.addi %mul3A_1054, %add3A_1055 : i32
      %get3A_1057 = arith.index_cast %add3A_1000 : i32 to index
      %get3A_1058 = arith.index_cast %add3A_1056 : i32 to index
      %get3A_1059 = tpu.vector_load %arg4[%get3A_1057, %get3A_1058] {strides = array<i32>} : memref<26x512xi32, #tpu.memory_space<vmem>>, vector<16xi32>,
      %add3A_1060 = arith.constant 0 : i32
      %add3A_1061 = vector.broadcast %add3A_1060 : i32 to vector<16xi32>
      %add3A_1062 = arith.addi %get3A_1059, %add3A_1061 : vector<16xi32>
      %add3A_1063 = arith.constant 64 : i32
      %add3A_1064 = vector.broadcast %add3A_1063 : i32 to vector<16xi32>
      %add3A_1065 = arith.addi %iota3A, %add3A_1064 : vector<16xi32>
      tpu.vector_store_idx %arg5[%add3A_1062, %add3A_1065], %broadcast_in_dim3A_6 : memref<200x128xi32, #tpu.memory_space<vmem>>[vector<16xi32>, vector<16xi32>], vector<16xi32>,
      %mul3A_1066 = arith.constant 128 : i32
      %mul3A_1067 = arith.muli %sub3A_996, %mul3A_1066 : i32
      %add3A_1068 = arith.constant 80 : i32
      %add3A_1069 = arith.addi %mul3A_1067, %add3A_1068 : i32
      %get3A_1070 = arith.index_cast %add3A_1000 : i32 to index
      %get3A_1071 = arith.index_cast %add3A_1069 : i32 to index
      %get3A_1072 = tpu.vector_load %arg4[%get3A_1070, %get3A_1071] {strides = array<i32>} : memref<26x512xi32, #tpu.memory_space<vmem>>, vector<16xi32>,
      %add3A_1073 = arith.constant 0 : i32
      %add3A_1074 = vector.broadcast %add3A_1073 : i32 to vector<16xi32>
      %add3A_1075 = arith.addi %get3A_1072, %add3A_1074 : vector<16xi32>
      %add3A_1076 = arith.constant 80 : i32
      %add3A_1077 = vector.broadcast %add3A_1076 : i32 to vector<16xi32>
      %add3A_1078 = arith.addi %iota3A, %add3A_1077 : vector<16xi32>
      tpu.vector_store_idx %arg5[%add3A_1075, %add3A_1078], %broadcast_in_dim3A_6 : memref<200x128xi32, #tpu.memory_space<vmem>>[vector<16xi32>, vector<16xi32>], vector<16xi32>,
      %mul3A_1079 = arith.constant 128 : i32
      %mul3A_1080 = arith.muli %sub3A_996, %mul3A_1079 : i32
      %add3A_1081 = arith.constant 96 : i32
      %add3A_1082 = arith.addi %mul3A_1080, %add3A_1081 : i32
      %get3A_1083 = arith.index_cast %add3A_1000 : i32 to index
      %get3A_1084 = arith.index_cast %add3A_1082 : i32 to index
      %get3A_1085 = tpu.vector_load %arg4[%get3A_1083, %get3A_1084] {strides = array<i32>} : memref<26x512xi32, #tpu.memory_space<vmem>>, vector<16xi32>,
      %add3A_1086 = arith.constant 0 : i32
      %add3A_1087 = vector.broadcast %add3A_1086 : i32 to vector<16xi32>
      %add3A_1088 = arith.addi %get3A_1085, %add3A_1087 : vector<16xi32>
      %add3A_1089 = arith.constant 96 : i32
      %add3A_1090 = vector.broadcast %add3A_1089 : i32 to vector<16xi32>
      %add3A_1091 = arith.addi %iota3A, %add3A_1090 : vector<16xi32>
      tpu.vector_store_idx %arg5[%add3A_1088, %add3A_1091], %broadcast_in_dim3A_6 : memref<200x128xi32, #tpu.memory_space<vmem>>[vector<16xi32>, vector<16xi32>], vector<16xi32>,
      %mul3A_1092 = arith.constant 128 : i32
      %mul3A_1093 = arith.muli %sub3A_996, %mul3A_1092 : i32
      %add3A_1094 = arith.constant 112 : i32
      %add3A_1095 = arith.addi %mul3A_1093, %add3A_1094 : i32
      %get3A_1096 = arith.index_cast %add3A_1000 : i32 to index
      %get3A_1097 = arith.index_cast %add3A_1095 : i32 to index
      %get3A_1098 = tpu.vector_load %arg4[%get3A_1096, %get3A_1097] {strides = array<i32>} : memref<26x512xi32, #tpu.memory_space<vmem>>, vector<16xi32>,
      %add3A_1099 = arith.constant 0 : i32
      %add3A_1100 = vector.broadcast %add3A_1099 : i32 to vector<16xi32>
      %add3A_1101 = arith.addi %get3A_1098, %add3A_1100 : vector<16xi32>
      %add3A_1102 = arith.constant 112 : i32
      %add3A_1103 = vector.broadcast %add3A_1102 : i32 to vector<16xi32>
      %add3A_1104 = arith.addi %iota3A, %add3A_1103 : vector<16xi32>
      tpu.vector_store_idx %arg5[%add3A_1101, %add3A_1104], %broadcast_in_dim3A_6 : memref<200x128xi32, #tpu.memory_space<vmem>>[vector<16xi32>, vector<16xi32>], vector<16xi32>,
      %mul3A_1105 = arith.constant 2 : i32
      %mul3A_1106 = arith.muli %mul3A_1105, %select_n3A_993 : i32
      %add3A_1107 = arith.constant 1 : i32
      %add3A_1108 = arith.addi %mul3A_1106, %add3A_1107 : i32
      %mul3A_1109 = arith.constant 128 : i32
      %mul3A_1110 = arith.muli %sub3A_996, %mul3A_1109 : i32
      %add3A_1111 = arith.constant 0 : i32
      %add3A_1112 = arith.addi %mul3A_1110, %add3A_1111 : i32
      %get3A_1113 = arith.index_cast %add3A_1108 : i32 to index
      %get3A_1114 = arith.index_cast %add3A_1112 : i32 to index
      %get3A_1115 = tpu.vector_load %arg4[%get3A_1113, %get3A_1114] {strides = array<i32>} : memref<26x512xi32, #tpu.memory_space<vmem>>, vector<16xi32>,
      %add3A_1116 = arith.constant 100 : i32
      %add3A_1117 = vector.broadcast %add3A_1116 : i32 to vector<16xi32>
      %add3A_1118 = arith.addi %get3A_1115, %add3A_1117 : vector<16xi32>
      %add3A_1119 = arith.constant 0 : i32
      %add3A_1120 = vector.broadcast %add3A_1119 : i32 to vector<16xi32>
      %add3A_1121 = arith.addi %iota3A, %add3A_1120 : vector<16xi32>
      tpu.vector_store_idx %arg5[%add3A_1118, %add3A_1121], %broadcast_in_dim3A_6 : memref<200x128xi32, #tpu.memory_space<vmem>>[vector<16xi32>, vector<16xi32>], vector<16xi32>,
      %mul3A_1122 = arith.constant 128 : i32
      %mul3A_1123 = arith.muli %sub3A_996, %mul3A_1122 : i32
      %add3A_1124 = arith.constant 16 : i32
      %add3A_1125 = arith.addi %mul3A_1123, %add3A_1124 : i32
      %get3A_1126 = arith.index_cast %add3A_1108 : i32 to index
      %get3A_1127 = arith.index_cast %add3A_1125 : i32 to index
      %get3A_1128 = tpu.vector_load %arg4[%get3A_1126, %get3A_1127] {strides = array<i32>} : memref<26x512xi32, #tpu.memory_space<vmem>>, vector<16xi32>,
      %add3A_1129 = arith.constant 100 : i32
      %add3A_1130 = vector.broadcast %add3A_1129 : i32 to vector<16xi32>
      %add3A_1131 = arith.addi %get3A_1128, %add3A_1130 : vector<16xi32>
      %add3A_1132 = arith.constant 16 : i32
      %add3A_1133 = vector.broadcast %add3A_1132 : i32 to vector<16xi32>
      %add3A_1134 = arith.addi %iota3A, %add3A_1133 : vector<16xi32>
      tpu.vector_store_idx %arg5[%add3A_1131, %add3A_1134], %broadcast_in_dim3A_6 : memref<200x128xi32, #tpu.memory_space<vmem>>[vector<16xi32>, vector<16xi32>], vector<16xi32>,
      %mul3A_1135 = arith.constant 128 : i32
      %mul3A_1136 = arith.muli %sub3A_996, %mul3A_1135 : i32
      %add3A_1137 = arith.constant 32 : i32
      %add3A_1138 = arith.addi %mul3A_1136, %add3A_1137 : i32
      %get3A_1139 = arith.index_cast %add3A_1108 : i32 to index
      %get3A_1140 = arith.index_cast %add3A_1138 : i32 to index
      %get3A_1141 = tpu.vector_load %arg4[%get3A_1139, %get3A_1140] {strides = array<i32>} : memref<26x512xi32, #tpu.memory_space<vmem>>, vector<16xi32>,
      %add3A_1142 = arith.constant 100 : i32
      %add3A_1143 = vector.broadcast %add3A_1142 : i32 to vector<16xi32>
      %add3A_1144 = arith.addi %get3A_1141, %add3A_1143 : vector<16xi32>
      %add3A_1145 = arith.constant 32 : i32
      %add3A_1146 = vector.broadcast %add3A_1145 : i32 to vector<16xi32>
      %add3A_1147 = arith.addi %iota3A, %add3A_1146 : vector<16xi32>
      tpu.vector_store_idx %arg5[%add3A_1144, %add3A_1147], %broadcast_in_dim3A_6 : memref<200x128xi32, #tpu.memory_space<vmem>>[vector<16xi32>, vector<16xi32>], vector<16xi32>,
      %mul3A_1148 = arith.constant 128 : i32
      %mul3A_1149 = arith.muli %sub3A_996, %mul3A_1148 : i32
      %add3A_1150 = arith.constant 48 : i32
      %add3A_1151 = arith.addi %mul3A_1149, %add3A_1150 : i32
      %get3A_1152 = arith.index_cast %add3A_1108 : i32 to index
      %get3A_1153 = arith.index_cast %add3A_1151 : i32 to index
      %get3A_1154 = tpu.vector_load %arg4[%get3A_1152, %get3A_1153] {strides = array<i32>} : memref<26x512xi32, #tpu.memory_space<vmem>>, vector<16xi32>,
      %add3A_1155 = arith.constant 100 : i32
      %add3A_1156 = vector.broadcast %add3A_1155 : i32 to vector<16xi32>
      %add3A_1157 = arith.addi %get3A_1154, %add3A_1156 : vector<16xi32>
      %add3A_1158 = arith.constant 48 : i32
      %add3A_1159 = vector.broadcast %add3A_1158 : i32 to vector<16xi32>
      %add3A_1160 = arith.addi %iota3A, %add3A_1159 : vector<16xi32>
      tpu.vector_store_idx %arg5[%add3A_1157, %add3A_1160], %broadcast_in_dim3A_6 : memref<200x128xi32, #tpu.memory_space<vmem>>[vector<16xi32>, vector<16xi32>], vector<16xi32>,
      %mul3A_1161 = arith.constant 128 : i32
      %mul3A_1162 = arith.muli %sub3A_996, %mul3A_1161 : i32
      %add3A_1163 = arith.constant 64 : i32
      %add3A_1164 = arith.addi %mul3A_1162, %add3A_1163 : i32
      %get3A_1165 = arith.index_cast %add3A_1108 : i32 to index
      %get3A_1166 = arith.index_cast %add3A_1164 : i32 to index
      %get3A_1167 = tpu.vector_load %arg4[%get3A_1165, %get3A_1166] {strides = array<i32>} : memref<26x512xi32, #tpu.memory_space<vmem>>, vector<16xi32>,
      %add3A_1168 = arith.constant 100 : i32
      %add3A_1169 = vector.broadcast %add3A_1168 : i32 to vector<16xi32>
      %add3A_1170 = arith.addi %get3A_1167, %add3A_1169 : vector<16xi32>
      %add3A_1171 = arith.constant 64 : i32
      %add3A_1172 = vector.broadcast %add3A_1171 : i32 to vector<16xi32>
      %add3A_1173 = arith.addi %iota3A, %add3A_1172 : vector<16xi32>
      tpu.vector_store_idx %arg5[%add3A_1170, %add3A_1173], %broadcast_in_dim3A_6 : memref<200x128xi32, #tpu.memory_space<vmem>>[vector<16xi32>, vector<16xi32>], vector<16xi32>,
      %mul3A_1174 = arith.constant 128 : i32
      %mul3A_1175 = arith.muli %sub3A_996, %mul3A_1174 : i32
      %add3A_1176 = arith.constant 80 : i32
      %add3A_1177 = arith.addi %mul3A_1175, %add3A_1176 : i32
      %get3A_1178 = arith.index_cast %add3A_1108 : i32 to index
      %get3A_1179 = arith.index_cast %add3A_1177 : i32 to index
      %get3A_1180 = tpu.vector_load %arg4[%get3A_1178, %get3A_1179] {strides = array<i32>} : memref<26x512xi32, #tpu.memory_space<vmem>>, vector<16xi32>,
      %add3A_1181 = arith.constant 100 : i32
      %add3A_1182 = vector.broadcast %add3A_1181 : i32 to vector<16xi32>
      %add3A_1183 = arith.addi %get3A_1180, %add3A_1182 : vector<16xi32>
      %add3A_1184 = arith.constant 80 : i32
      %add3A_1185 = vector.broadcast %add3A_1184 : i32 to vector<16xi32>
      %add3A_1186 = arith.addi %iota3A, %add3A_1185 : vector<16xi32>
      tpu.vector_store_idx %arg5[%add3A_1183, %add3A_1186], %broadcast_in_dim3A_6 : memref<200x128xi32, #tpu.memory_space<vmem>>[vector<16xi32>, vector<16xi32>], vector<16xi32>,
      %mul3A_1187 = arith.constant 128 : i32
      %mul3A_1188 = arith.muli %sub3A_996, %mul3A_1187 : i32
      %add3A_1189 = arith.constant 96 : i32
      %add3A_1190 = arith.addi %mul3A_1188, %add3A_1189 : i32
      %get3A_1191 = arith.index_cast %add3A_1108 : i32 to index
      %get3A_1192 = arith.index_cast %add3A_1190 : i32 to index
      %get3A_1193 = tpu.vector_load %arg4[%get3A_1191, %get3A_1192] {strides = array<i32>} : memref<26x512xi32, #tpu.memory_space<vmem>>, vector<16xi32>,
      %add3A_1194 = arith.constant 100 : i32
      %add3A_1195 = vector.broadcast %add3A_1194 : i32 to vector<16xi32>
      %add3A_1196 = arith.addi %get3A_1193, %add3A_1195 : vector<16xi32>
      %add3A_1197 = arith.constant 96 : i32
      %add3A_1198 = vector.broadcast %add3A_1197 : i32 to vector<16xi32>
      %add3A_1199 = arith.addi %iota3A, %add3A_1198 : vector<16xi32>
      tpu.vector_store_idx %arg5[%add3A_1196, %add3A_1199], %broadcast_in_dim3A_6 : memref<200x128xi32, #tpu.memory_space<vmem>>[vector<16xi32>, vector<16xi32>], vector<16xi32>,
      %mul3A_1200 = arith.constant 128 : i32
      %mul3A_1201 = arith.muli %sub3A_996, %mul3A_1200 : i32
      %add3A_1202 = arith.constant 112 : i32
      %add3A_1203 = arith.addi %mul3A_1201, %add3A_1202 : i32
      %get3A_1204 = arith.index_cast %add3A_1108 : i32 to index
      %get3A_1205 = arith.index_cast %add3A_1203 : i32 to index
      %get3A_1206 = tpu.vector_load %arg4[%get3A_1204, %get3A_1205] {strides = array<i32>} : memref<26x512xi32, #tpu.memory_space<vmem>>, vector<16xi32>,
      %add3A_1207 = arith.constant 100 : i32
      %add3A_1208 = vector.broadcast %add3A_1207 : i32 to vector<16xi32>
      %add3A_1209 = arith.addi %get3A_1206, %add3A_1208 : vector<16xi32>
      %add3A_1210 = arith.constant 112 : i32
      %add3A_1211 = vector.broadcast %add3A_1210 : i32 to vector<16xi32>
      %add3A_1212 = arith.addi %iota3A, %add3A_1211 : vector<16xi32>
      tpu.vector_store_idx %arg5[%add3A_1209, %add3A_1212], %broadcast_in_dim3A_6 : memref<200x128xi32, #tpu.memory_space<vmem>>[vector<16xi32>, vector<16xi32>], vector<16xi32>,
      %jit3A_1213 = arith.constant 4 : i32
      %div3A_1214 = arith.divsi %add3A_728, %jit3A_1213 : i32
      %sign3A_1215 = arith.constant 0 : i32
      %sign3A_1216 = arith.cmpi sgt, %add3A_728, %sign3A_1215 : i32
      %sign3A_1217 = arith.extui %sign3A_1216 : i1 to i32
      %sign3A_1218 = arith.constant 0 : i32
      %sign3A_1219 = arith.cmpi slt, %add3A_728, %sign3A_1218 : i32
      %sign3A_1220 = arith.extui %sign3A_1219 : i1 to i32
      %sign3A_1221 = arith.subi %sign3A_1217, %sign3A_1220 : i32
      %sign3A_1222 = arith.constant 0 : i32
      %sign3A_1223 = arith.cmpi sgt, %jit3A_1213, %sign3A_1222 : i32
      %sign3A_1224 = arith.extui %sign3A_1223 : i1 to i32
      %sign3A_1225 = arith.constant 0 : i32
      %sign3A_1226 = arith.cmpi slt, %jit3A_1213, %sign3A_1225 : i32
      %sign3A_1227 = arith.extui %sign3A_1226 : i1 to i32
      %sign3A_1228 = arith.subi %sign3A_1224, %sign3A_1227 : i32
      %ne3A_1229 = arith.cmpi ne, %sign3A_1221, %sign3A_1228 : i32
      %rem3A_1230 = arith.remsi %add3A_728, %jit3A_1213 : i32
      %ne3A_1231 = arith.constant 0 : i32
      %ne3A_1232 = arith.cmpi ne, %rem3A_1230, %ne3A_1231 : i32
      %and3A_1233 = arith.andi %ne3A_1229, %ne3A_1232 : i1
      %sub3A_1234 = arith.constant 1 : i32
      %sub3A_1235 = arith.subi %div3A_1214, %sub3A_1234 : i32
      %select_n3A_1236 = arith.select %and3A_1233, %sub3A_1235, %div3A_1214 : i32
      %mul3A_1237 = arith.constant 4 : i32
      %mul3A_1238 = arith.muli %select_n3A_1236, %mul3A_1237 : i32
      %sub3A_1239 = arith.subi %add3A_728, %mul3A_1238 : i32
      %mul3A_1240 = arith.constant 200 : i32
      %mul3A_1241 = arith.muli %select_n3A_1236, %mul3A_1240 : i32
      %mul3A_1242 = arith.constant 128 : i32
      %mul3A_1243 = arith.muli %sub3A_1239, %mul3A_1242 : i32
      %add3A_1244 = arith.addi %mul3A_2, %mul3A_1243 : i32
      %dma_start3A_1245 = tpu.memref_slice %arg3[%mul3A_1241, %add3A_1244] : memref<2600x16384xi32, #tpu.memory_space<hbm>> -> memref<200x128xi32, #tpu.memory_space<hbm>>
      %dma_start3A_1246 = tpu.memref_slice %arg3[%mul3A_1241, %add3A_1244] : memref<2600x16384xi32, #tpu.memory_space<hbm>> -> memref<200x128xi32, #tpu.memory_space<hbm>>
      tpu.enqueue_dma source(%arg5 : memref<200x128xi32, #tpu.memory_space<vmem>>) target(%dma_start3A_1246 : memref<200x128xi32, #tpu.memory_space<hbm>>) target_semaphore(%arg9 : memref<!tpu.dma_semaphore, #tpu.memory_space<semaphore_mem>>)
      %mul3A_1247 = arith.constant 4 : i32
      %mul3A_1248 = arith.muli %scan3A_722, %mul3A_1247 : i32
      %add3A_1249 = arith.constant 4 : i32
      %add3A_1250 = arith.addi %mul3A_1248, %add3A_1249 : i32
      %add3A_1251 = arith.constant 1 : i32
      %add3A_1252 = arith.addi %add3A_1250, %add3A_1251 : i32
      %dma_wait3A_1253 = arith.constant 0 : i32
      %dma_wait3A_1254 = tpu.memref_slice %arg3[%dma_wait3A_1253, %mul3A_2] : memref<2600x16384xi32, #tpu.memory_space<hbm>> -> memref<200x128xi32, #tpu.memory_space<hbm>>
      %dma_wait3A_1255 = arith.constant 0 : i32
      %dma_wait3A_1256 = tpu.memref_slice %arg3[%dma_wait3A_1255, %mul3A_2] : memref<2600x16384xi32, #tpu.memory_space<hbm>> -> memref<200x128xi32, #tpu.memory_space<hbm>>
      tpu.wait_dma2 semaphore(%arg10 : memref<!tpu.dma_semaphore, #tpu.memory_space<semaphore_mem>>) src(%arg6 : memref<200x128xi32, #tpu.memory_space<vmem>>) dst(%dma_wait3A_1256 : memref<200x128xi32, #tpu.memory_space<hbm>>)
      %sub3A_1257 = arith.constant 4 : i32
      %sub3A_1258 = arith.subi %add3A_1252, %sub3A_1257 : i32
      %jit3A_1259 = arith.constant 4 : i32
      %div3A_1260 = arith.divsi %sub3A_1258, %jit3A_1259 : i32
      %sign3A_1261 = arith.constant 0 : i32
      %sign3A_1262 = arith.cmpi sgt, %sub3A_1258, %sign3A_1261 : i32
      %sign3A_1263 = arith.extui %sign3A_1262 : i1 to i32
      %sign3A_1264 = arith.constant 0 : i32
      %sign3A_1265 = arith.cmpi slt, %sub3A_1258, %sign3A_1264 : i32
      %sign3A_1266 = arith.extui %sign3A_1265 : i1 to i32
      %sign3A_1267 = arith.subi %sign3A_1263, %sign3A_1266 : i32
      %sign3A_1268 = arith.constant 0 : i32
      %sign3A_1269 = arith.cmpi sgt, %jit3A_1259, %sign3A_1268 : i32
      %sign3A_1270 = arith.extui %sign3A_1269 : i1 to i32
      %sign3A_1271 = arith.constant 0 : i32
      %sign3A_1272 = arith.cmpi slt, %jit3A_1259, %sign3A_1271 : i32
      %sign3A_1273 = arith.extui %sign3A_1272 : i1 to i32
      %sign3A_1274 = arith.subi %sign3A_1270, %sign3A_1273 : i32
      %ne3A_1275 = arith.cmpi ne, %sign3A_1267, %sign3A_1274 : i32
      %rem3A_1276 = arith.remsi %sub3A_1258, %jit3A_1259 : i32
      %ne3A_1277 = arith.constant 0 : i32
      %ne3A_1278 = arith.cmpi ne, %rem3A_1276, %ne3A_1277 : i32
      %and3A_1279 = arith.andi %ne3A_1275, %ne3A_1278 : i1
      %sub3A_1280 = arith.constant 1 : i32
      %sub3A_1281 = arith.subi %div3A_1260, %sub3A_1280 : i32
      %select_n3A_1282 = arith.select %and3A_1279, %sub3A_1281, %div3A_1260 : i32
      %mul3A_1283 = arith.constant 4 : i32
      %mul3A_1284 = arith.muli %select_n3A_1282, %mul3A_1283 : i32
      %sub3A_1285 = arith.subi %sub3A_1258, %mul3A_1284 : i32
      %mul3A_1286 = arith.constant 2 : i32
      %mul3A_1287 = arith.muli %mul3A_1286, %select_n3A_1282 : i32
      %add3A_1288 = arith.constant 0 : i32
      %add3A_1289 = arith.addi %mul3A_1287, %add3A_1288 : i32
      %mul3A_1290 = arith.constant 128 : i32
      %mul3A_1291 = arith.muli %sub3A_1285, %mul3A_1290 : i32
      %add3A_1292 = arith.constant 0 : i32
      %add3A_1293 = arith.addi %mul3A_1291, %add3A_1292 : i32
      %get3A_1294 = arith.index_cast %add3A_1289 : i32 to index
      %get3A_1295 = arith.index_cast %add3A_1293 : i32 to index
      %get3A_1296 = tpu.vector_load %arg4[%get3A_1294, %get3A_1295] {strides = array<i32>} : memref<26x512xi32, #tpu.memory_space<vmem>>, vector<16xi32>,
      %add3A_1297 = arith.constant 0 : i32
      %add3A_1298 = vector.broadcast %add3A_1297 : i32 to vector<16xi32>
      %add3A_1299 = arith.addi %get3A_1296, %add3A_1298 : vector<16xi32>
      %add3A_1300 = arith.constant 0 : i32
      %add3A_1301 = vector.broadcast %add3A_1300 : i32 to vector<16xi32>
      %add3A_1302 = arith.addi %iota3A, %add3A_1301 : vector<16xi32>
      tpu.vector_store_idx %arg6[%add3A_1299, %add3A_1302], %broadcast_in_dim3A_8 : memref<200x128xi32, #tpu.memory_space<vmem>>[vector<16xi32>, vector<16xi32>], vector<16xi32>,
      %mul3A_1303 = arith.constant 128 : i32
      %mul3A_1304 = arith.muli %sub3A_1285, %mul3A_1303 : i32
      %add3A_1305 = arith.constant 16 : i32
      %add3A_1306 = arith.addi %mul3A_1304, %add3A_1305 : i32
      %get3A_1307 = arith.index_cast %add3A_1289 : i32 to index
      %get3A_1308 = arith.index_cast %add3A_1306 : i32 to index
      %get3A_1309 = tpu.vector_load %arg4[%get3A_1307, %get3A_1308] {strides = array<i32>} : memref<26x512xi32, #tpu.memory_space<vmem>>, vector<16xi32>,
      %add3A_1310 = arith.constant 0 : i32
      %add3A_1311 = vector.broadcast %add3A_1310 : i32 to vector<16xi32>
      %add3A_1312 = arith.addi %get3A_1309, %add3A_1311 : vector<16xi32>
      %add3A_1313 = arith.constant 16 : i32
      %add3A_1314 = vector.broadcast %add3A_1313 : i32 to vector<16xi32>
      %add3A_1315 = arith.addi %iota3A, %add3A_1314 : vector<16xi32>
      tpu.vector_store_idx %arg6[%add3A_1312, %add3A_1315], %broadcast_in_dim3A_8 : memref<200x128xi32, #tpu.memory_space<vmem>>[vector<16xi32>, vector<16xi32>], vector<16xi32>,
      %mul3A_1316 = arith.constant 128 : i32
      %mul3A_1317 = arith.muli %sub3A_1285, %mul3A_1316 : i32
      %add3A_1318 = arith.constant 32 : i32
      %add3A_1319 = arith.addi %mul3A_1317, %add3A_1318 : i32
      %get3A_1320 = arith.index_cast %add3A_1289 : i32 to index
      %get3A_1321 = arith.index_cast %add3A_1319 : i32 to index
      %get3A_1322 = tpu.vector_load %arg4[%get3A_1320, %get3A_1321] {strides = array<i32>} : memref<26x512xi32, #tpu.memory_space<vmem>>, vector<16xi32>,
      %add3A_1323 = arith.constant 0 : i32
      %add3A_1324 = vector.broadcast %add3A_1323 : i32 to vector<16xi32>
      %add3A_1325 = arith.addi %get3A_1322, %add3A_1324 : vector<16xi32>
      %add3A_1326 = arith.constant 32 : i32
      %add3A_1327 = vector.broadcast %add3A_1326 : i32 to vector<16xi32>
      %add3A_1328 = arith.addi %iota3A, %add3A_1327 : vector<16xi32>
      tpu.vector_store_idx %arg6[%add3A_1325, %add3A_1328], %broadcast_in_dim3A_8 : memref<200x128xi32, #tpu.memory_space<vmem>>[vector<16xi32>, vector<16xi32>], vector<16xi32>,
      %mul3A_1329 = arith.constant 128 : i32
      %mul3A_1330 = arith.muli %sub3A_1285, %mul3A_1329 : i32
      %add3A_1331 = arith.constant 48 : i32
      %add3A_1332 = arith.addi %mul3A_1330, %add3A_1331 : i32
      %get3A_1333 = arith.index_cast %add3A_1289 : i32 to index
      %get3A_1334 = arith.index_cast %add3A_1332 : i32 to index
      %get3A_1335 = tpu.vector_load %arg4[%get3A_1333, %get3A_1334] {strides = array<i32>} : memref<26x512xi32, #tpu.memory_space<vmem>>, vector<16xi32>,
      %add3A_1336 = arith.constant 0 : i32
      %add3A_1337 = vector.broadcast %add3A_1336 : i32 to vector<16xi32>
      %add3A_1338 = arith.addi %get3A_1335, %add3A_1337 : vector<16xi32>
      %add3A_1339 = arith.constant 48 : i32
      %add3A_1340 = vector.broadcast %add3A_1339 : i32 to vector<16xi32>
      %add3A_1341 = arith.addi %iota3A, %add3A_1340 : vector<16xi32>
      tpu.vector_store_idx %arg6[%add3A_1338, %add3A_1341], %broadcast_in_dim3A_8 : memref<200x128xi32, #tpu.memory_space<vmem>>[vector<16xi32>, vector<16xi32>], vector<16xi32>,
      %mul3A_1342 = arith.constant 128 : i32
      %mul3A_1343 = arith.muli %sub3A_1285, %mul3A_1342 : i32
      %add3A_1344 = arith.constant 64 : i32
      %add3A_1345 = arith.addi %mul3A_1343, %add3A_1344 : i32
      %get3A_1346 = arith.index_cast %add3A_1289 : i32 to index
      %get3A_1347 = arith.index_cast %add3A_1345 : i32 to index
      %get3A_1348 = tpu.vector_load %arg4[%get3A_1346, %get3A_1347] {strides = array<i32>} : memref<26x512xi32, #tpu.memory_space<vmem>>, vector<16xi32>,
      %add3A_1349 = arith.constant 0 : i32
      %add3A_1350 = vector.broadcast %add3A_1349 : i32 to vector<16xi32>
      %add3A_1351 = arith.addi %get3A_1348, %add3A_1350 : vector<16xi32>
      %add3A_1352 = arith.constant 64 : i32
      %add3A_1353 = vector.broadcast %add3A_1352 : i32 to vector<16xi32>
      %add3A_1354 = arith.addi %iota3A, %add3A_1353 : vector<16xi32>
      tpu.vector_store_idx %arg6[%add3A_1351, %add3A_1354], %broadcast_in_dim3A_8 : memref<200x128xi32, #tpu.memory_space<vmem>>[vector<16xi32>, vector<16xi32>], vector<16xi32>,
      %mul3A_1355 = arith.constant 128 : i32
      %mul3A_1356 = arith.muli %sub3A_1285, %mul3A_1355 : i32
      %add3A_1357 = arith.constant 80 : i32
      %add3A_1358 = arith.addi %mul3A_1356, %add3A_1357 : i32
      %get3A_1359 = arith.index_cast %add3A_1289 : i32 to index
      %get3A_1360 = arith.index_cast %add3A_1358 : i32 to index
      %get3A_1361 = tpu.vector_load %arg4[%get3A_1359, %get3A_1360] {strides = array<i32>} : memref<26x512xi32, #tpu.memory_space<vmem>>, vector<16xi32>,
      %add3A_1362 = arith.constant 0 : i32
      %add3A_1363 = vector.broadcast %add3A_1362 : i32 to vector<16xi32>
      %add3A_1364 = arith.addi %get3A_1361, %add3A_1363 : vector<16xi32>
      %add3A_1365 = arith.constant 80 : i32
      %add3A_1366 = vector.broadcast %add3A_1365 : i32 to vector<16xi32>
      %add3A_1367 = arith.addi %iota3A, %add3A_1366 : vector<16xi32>
      tpu.vector_store_idx %arg6[%add3A_1364, %add3A_1367], %broadcast_in_dim3A_8 : memref<200x128xi32, #tpu.memory_space<vmem>>[vector<16xi32>, vector<16xi32>], vector<16xi32>,
      %mul3A_1368 = arith.constant 128 : i32
      %mul3A_1369 = arith.muli %sub3A_1285, %mul3A_1368 : i32
      %add3A_1370 = arith.constant 96 : i32
      %add3A_1371 = arith.addi %mul3A_1369, %add3A_1370 : i32
      %get3A_1372 = arith.index_cast %add3A_1289 : i32 to index
      %get3A_1373 = arith.index_cast %add3A_1371 : i32 to index
      %get3A_1374 = tpu.vector_load %arg4[%get3A_1372, %get3A_1373] {strides = array<i32>} : memref<26x512xi32, #tpu.memory_space<vmem>>, vector<16xi32>,
      %add3A_1375 = arith.constant 0 : i32
      %add3A_1376 = vector.broadcast %add3A_1375 : i32 to vector<16xi32>
      %add3A_1377 = arith.addi %get3A_1374, %add3A_1376 : vector<16xi32>
      %add3A_1378 = arith.constant 96 : i32
      %add3A_1379 = vector.broadcast %add3A_1378 : i32 to vector<16xi32>
      %add3A_1380 = arith.addi %iota3A, %add3A_1379 : vector<16xi32>
      tpu.vector_store_idx %arg6[%add3A_1377, %add3A_1380], %broadcast_in_dim3A_8 : memref<200x128xi32, #tpu.memory_space<vmem>>[vector<16xi32>, vector<16xi32>], vector<16xi32>,
      %mul3A_1381 = arith.constant 128 : i32
      %mul3A_1382 = arith.muli %sub3A_1285, %mul3A_1381 : i32
      %add3A_1383 = arith.constant 112 : i32
      %add3A_1384 = arith.addi %mul3A_1382, %add3A_1383 : i32
      %get3A_1385 = arith.index_cast %add3A_1289 : i32 to index
      %get3A_1386 = arith.index_cast %add3A_1384 : i32 to index
      %get3A_1387 = tpu.vector_load %arg4[%get3A_1385, %get3A_1386] {strides = array<i32>} : memref<26x512xi32, #tpu.memory_space<vmem>>, vector<16xi32>,
      %add3A_1388 = arith.constant 0 : i32
      %add3A_1389 = vector.broadcast %add3A_1388 : i32 to vector<16xi32>
      %add3A_1390 = arith.addi %get3A_1387, %add3A_1389 : vector<16xi32>
      %add3A_1391 = arith.constant 112 : i32
      %add3A_1392 = vector.broadcast %add3A_1391 : i32 to vector<16xi32>
      %add3A_1393 = arith.addi %iota3A, %add3A_1392 : vector<16xi32>
      tpu.vector_store_idx %arg6[%add3A_1390, %add3A_1393], %broadcast_in_dim3A_8 : memref<200x128xi32, #tpu.memory_space<vmem>>[vector<16xi32>, vector<16xi32>], vector<16xi32>,
      %mul3A_1394 = arith.constant 2 : i32
      %mul3A_1395 = arith.muli %mul3A_1394, %select_n3A_1282 : i32
      %add3A_1396 = arith.constant 1 : i32
      %add3A_1397 = arith.addi %mul3A_1395, %add3A_1396 : i32
      %mul3A_1398 = arith.constant 128 : i32
      %mul3A_1399 = arith.muli %sub3A_1285, %mul3A_1398 : i32
      %add3A_1400 = arith.constant 0 : i32
      %add3A_1401 = arith.addi %mul3A_1399, %add3A_1400 : i32
      %get3A_1402 = arith.index_cast %add3A_1397 : i32 to index
      %get3A_1403 = arith.index_cast %add3A_1401 : i32 to index
      %get3A_1404 = tpu.vector_load %arg4[%get3A_1402, %get3A_1403] {strides = array<i32>} : memref<26x512xi32, #tpu.memory_space<vmem>>, vector<16xi32>,
      %add3A_1405 = arith.constant 100 : i32
      %add3A_1406 = vector.broadcast %add3A_1405 : i32 to vector<16xi32>
      %add3A_1407 = arith.addi %get3A_1404, %add3A_1406 : vector<16xi32>
      %add3A_1408 = arith.constant 0 : i32
      %add3A_1409 = vector.broadcast %add3A_1408 : i32 to vector<16xi32>
      %add3A_1410 = arith.addi %iota3A, %add3A_1409 : vector<16xi32>
      tpu.vector_store_idx %arg6[%add3A_1407, %add3A_1410], %broadcast_in_dim3A_8 : memref<200x128xi32, #tpu.memory_space<vmem>>[vector<16xi32>, vector<16xi32>], vector<16xi32>,
      %mul3A_1411 = arith.constant 128 : i32
      %mul3A_1412 = arith.muli %sub3A_1285, %mul3A_1411 : i32
      %add3A_1413 = arith.constant 16 : i32
      %add3A_1414 = arith.addi %mul3A_1412, %add3A_1413 : i32
      %get3A_1415 = arith.index_cast %add3A_1397 : i32 to index
      %get3A_1416 = arith.index_cast %add3A_1414 : i32 to index
      %get3A_1417 = tpu.vector_load %arg4[%get3A_1415, %get3A_1416] {strides = array<i32>} : memref<26x512xi32, #tpu.memory_space<vmem>>, vector<16xi32>,
      %add3A_1418 = arith.constant 100 : i32
      %add3A_1419 = vector.broadcast %add3A_1418 : i32 to vector<16xi32>
      %add3A_1420 = arith.addi %get3A_1417, %add3A_1419 : vector<16xi32>
      %add3A_1421 = arith.constant 16 : i32
      %add3A_1422 = vector.broadcast %add3A_1421 : i32 to vector<16xi32>
      %add3A_1423 = arith.addi %iota3A, %add3A_1422 : vector<16xi32>
      tpu.vector_store_idx %arg6[%add3A_1420, %add3A_1423], %broadcast_in_dim3A_8 : memref<200x128xi32, #tpu.memory_space<vmem>>[vector<16xi32>, vector<16xi32>], vector<16xi32>,
      %mul3A_1424 = arith.constant 128 : i32
      %mul3A_1425 = arith.muli %sub3A_1285, %mul3A_1424 : i32
      %add3A_1426 = arith.constant 32 : i32
      %add3A_1427 = arith.addi %mul3A_1425, %add3A_1426 : i32
      %get3A_1428 = arith.index_cast %add3A_1397 : i32 to index
      %get3A_1429 = arith.index_cast %add3A_1427 : i32 to index
      %get3A_1430 = tpu.vector_load %arg4[%get3A_1428, %get3A_1429] {strides = array<i32>} : memref<26x512xi32, #tpu.memory_space<vmem>>, vector<16xi32>,
      %add3A_1431 = arith.constant 100 : i32
      %add3A_1432 = vector.broadcast %add3A_1431 : i32 to vector<16xi32>
      %add3A_1433 = arith.addi %get3A_1430, %add3A_1432 : vector<16xi32>
      %add3A_1434 = arith.constant 32 : i32
      %add3A_1435 = vector.broadcast %add3A_1434 : i32 to vector<16xi32>
      %add3A_1436 = arith.addi %iota3A, %add3A_1435 : vector<16xi32>
      tpu.vector_store_idx %arg6[%add3A_1433, %add3A_1436], %broadcast_in_dim3A_8 : memref<200x128xi32, #tpu.memory_space<vmem>>[vector<16xi32>, vector<16xi32>], vector<16xi32>,
      %mul3A_1437 = arith.constant 128 : i32
      %mul3A_1438 = arith.muli %sub3A_1285, %mul3A_1437 : i32
      %add3A_1439 = arith.constant 48 : i32
      %add3A_1440 = arith.addi %mul3A_1438, %add3A_1439 : i32
      %get3A_1441 = arith.index_cast %add3A_1397 : i32 to index
      %get3A_1442 = arith.index_cast %add3A_1440 : i32 to index
      %get3A_1443 = tpu.vector_load %arg4[%get3A_1441, %get3A_1442] {strides = array<i32>} : memref<26x512xi32, #tpu.memory_space<vmem>>, vector<16xi32>,
      %add3A_1444 = arith.constant 100 : i32
      %add3A_1445 = vector.broadcast %add3A_1444 : i32 to vector<16xi32>
      %add3A_1446 = arith.addi %get3A_1443, %add3A_1445 : vector<16xi32>
      %add3A_1447 = arith.constant 48 : i32
      %add3A_1448 = vector.broadcast %add3A_1447 : i32 to vector<16xi32>
      %add3A_1449 = arith.addi %iota3A, %add3A_1448 : vector<16xi32>
      tpu.vector_store_idx %arg6[%add3A_1446, %add3A_1449], %broadcast_in_dim3A_8 : memref<200x128xi32, #tpu.memory_space<vmem>>[vector<16xi32>, vector<16xi32>], vector<16xi32>,
      %mul3A_1450 = arith.constant 128 : i32
      %mul3A_1451 = arith.muli %sub3A_1285, %mul3A_1450 : i32
      %add3A_1452 = arith.constant 64 : i32
      %add3A_1453 = arith.addi %mul3A_1451, %add3A_1452 : i32
      %get3A_1454 = arith.index_cast %add3A_1397 : i32 to index
      %get3A_1455 = arith.index_cast %add3A_1453 : i32 to index
      %get3A_1456 = tpu.vector_load %arg4[%get3A_1454, %get3A_1455] {strides = array<i32>} : memref<26x512xi32, #tpu.memory_space<vmem>>, vector<16xi32>,
      %add3A_1457 = arith.constant 100 : i32
      %add3A_1458 = vector.broadcast %add3A_1457 : i32 to vector<16xi32>
      %add3A_1459 = arith.addi %get3A_1456, %add3A_1458 : vector<16xi32>
      %add3A_1460 = arith.constant 64 : i32
      %add3A_1461 = vector.broadcast %add3A_1460 : i32 to vector<16xi32>
      %add3A_1462 = arith.addi %iota3A, %add3A_1461 : vector<16xi32>
      tpu.vector_store_idx %arg6[%add3A_1459, %add3A_1462], %broadcast_in_dim3A_8 : memref<200x128xi32, #tpu.memory_space<vmem>>[vector<16xi32>, vector<16xi32>], vector<16xi32>,
      %mul3A_1463 = arith.constant 128 : i32
      %mul3A_1464 = arith.muli %sub3A_1285, %mul3A_1463 : i32
      %add3A_1465 = arith.constant 80 : i32
      %add3A_1466 = arith.addi %mul3A_1464, %add3A_1465 : i32
      %get3A_1467 = arith.index_cast %add3A_1397 : i32 to index
      %get3A_1468 = arith.index_cast %add3A_1466 : i32 to index
      %get3A_1469 = tpu.vector_load %arg4[%get3A_1467, %get3A_1468] {strides = array<i32>} : memref<26x512xi32, #tpu.memory_space<vmem>>, vector<16xi32>,
      %add3A_1470 = arith.constant 100 : i32
      %add3A_1471 = vector.broadcast %add3A_1470 : i32 to vector<16xi32>
      %add3A_1472 = arith.addi %get3A_1469, %add3A_1471 : vector<16xi32>
      %add3A_1473 = arith.constant 80 : i32
      %add3A_1474 = vector.broadcast %add3A_1473 : i32 to vector<16xi32>
      %add3A_1475 = arith.addi %iota3A, %add3A_1474 : vector<16xi32>
      tpu.vector_store_idx %arg6[%add3A_1472, %add3A_1475], %broadcast_in_dim3A_8 : memref<200x128xi32, #tpu.memory_space<vmem>>[vector<16xi32>, vector<16xi32>], vector<16xi32>,
      %mul3A_1476 = arith.constant 128 : i32
      %mul3A_1477 = arith.muli %sub3A_1285, %mul3A_1476 : i32
      %add3A_1478 = arith.constant 96 : i32
      %add3A_1479 = arith.addi %mul3A_1477, %add3A_1478 : i32
      %get3A_1480 = arith.index_cast %add3A_1397 : i32 to index
      %get3A_1481 = arith.index_cast %add3A_1479 : i32 to index
      %get3A_1482 = tpu.vector_load %arg4[%get3A_1480, %get3A_1481] {strides = array<i32>} : memref<26x512xi32, #tpu.memory_space<vmem>>, vector<16xi32>,
      %add3A_1483 = arith.constant 100 : i32
      %add3A_1484 = vector.broadcast %add3A_1483 : i32 to vector<16xi32>
      %add3A_1485 = arith.addi %get3A_1482, %add3A_1484 : vector<16xi32>
      %add3A_1486 = arith.constant 96 : i32
      %add3A_1487 = vector.broadcast %add3A_1486 : i32 to vector<16xi32>
      %add3A_1488 = arith.addi %iota3A, %add3A_1487 : vector<16xi32>
      tpu.vector_store_idx %arg6[%add3A_1485, %add3A_1488], %broadcast_in_dim3A_8 : memref<200x128xi32, #tpu.memory_space<vmem>>[vector<16xi32>, vector<16xi32>], vector<16xi32>,
      %mul3A_1489 = arith.constant 128 : i32
      %mul3A_1490 = arith.muli %sub3A_1285, %mul3A_1489 : i32
      %add3A_1491 = arith.constant 112 : i32
      %add3A_1492 = arith.addi %mul3A_1490, %add3A_1491 : i32
      %get3A_1493 = arith.index_cast %add3A_1397 : i32 to index
      %get3A_1494 = arith.index_cast %add3A_1492 : i32 to index
      %get3A_1495 = tpu.vector_load %arg4[%get3A_1493, %get3A_1494] {strides = array<i32>} : memref<26x512xi32, #tpu.memory_space<vmem>>, vector<16xi32>,
      %add3A_1496 = arith.constant 100 : i32
      %add3A_1497 = vector.broadcast %add3A_1496 : i32 to vector<16xi32>
      %add3A_1498 = arith.addi %get3A_1495, %add3A_1497 : vector<16xi32>
      %add3A_1499 = arith.constant 112 : i32
      %add3A_1500 = vector.broadcast %add3A_1499 : i32 to vector<16xi32>
      %add3A_1501 = arith.addi %iota3A, %add3A_1500 : vector<16xi32>
      tpu.vector_store_idx %arg6[%add3A_1498, %add3A_1501], %broadcast_in_dim3A_8 : memref<200x128xi32, #tpu.memory_space<vmem>>[vector<16xi32>, vector<16xi32>], vector<16xi32>,
      %jit3A_1502 = arith.constant 4 : i32
      %div3A_1503 = arith.divsi %add3A_1252, %jit3A_1502 : i32
      %sign3A_1504 = arith.constant 0 : i32
      %sign3A_1505 = arith.cmpi sgt, %add3A_1252, %sign3A_1504 : i32
      %sign3A_1506 = arith.extui %sign3A_1505 : i1 to i32
      %sign3A_1507 = arith.constant 0 : i32
      %sign3A_1508 = arith.cmpi slt, %add3A_1252, %sign3A_1507 : i32
      %sign3A_1509 = arith.extui %sign3A_1508 : i1 to i32
      %sign3A_1510 = arith.subi %sign3A_1506, %sign3A_1509 : i32
      %sign3A_1511 = arith.constant 0 : i32
      %sign3A_1512 = arith.cmpi sgt, %jit3A_1502, %sign3A_1511 : i32
      %sign3A_1513 = arith.extui %sign3A_1512 : i1 to i32
      %sign3A_1514 = arith.constant 0 : i32
      %sign3A_1515 = arith.cmpi slt, %jit3A_1502, %sign3A_1514 : i32
      %sign3A_1516 = arith.extui %sign3A_1515 : i1 to i32
      %sign3A_1517 = arith.subi %sign3A_1513, %sign3A_1516 : i32
      %ne3A_1518 = arith.cmpi ne, %sign3A_1510, %sign3A_1517 : i32
      %rem3A_1519 = arith.remsi %add3A_1252, %jit3A_1502 : i32
      %ne3A_1520 = arith.constant 0 : i32
      %ne3A_1521 = arith.cmpi ne, %rem3A_1519, %ne3A_1520 : i32
      %and3A_1522 = arith.andi %ne3A_1518, %ne3A_1521 : i1
      %sub3A_1523 = arith.constant 1 : i32
      %sub3A_1524 = arith.subi %div3A_1503, %sub3A_1523 : i32
      %select_n3A_1525 = arith.select %and3A_1522, %sub3A_1524, %div3A_1503 : i32
      %mul3A_1526 = arith.constant 4 : i32
      %mul3A_1527 = arith.muli %select_n3A_1525, %mul3A_1526 : i32
      %sub3A_1528 = arith.subi %add3A_1252, %mul3A_1527 : i32
      %mul3A_1529 = arith.constant 2 : i32
      %mul3A_1530 = arith.muli %mul3A_1529, %select_n3A_1525 : i32
      %add3A_1531 = arith.constant 0 : i32
      %add3A_1532 = arith.addi %mul3A_1530, %add3A_1531 : i32
      %mul3A_1533 = arith.constant 128 : i32
      %mul3A_1534 = arith.muli %sub3A_1528, %mul3A_1533 : i32
      %add3A_1535 = arith.constant 0 : i32
      %add3A_1536 = arith.addi %mul3A_1534, %add3A_1535 : i32
      %get3A_1537 = arith.index_cast %add3A_1532 : i32 to index
      %get3A_1538 = arith.index_cast %add3A_1536 : i32 to index
      %get3A_1539 = tpu.vector_load %arg4[%get3A_1537, %get3A_1538] {strides = array<i32>} : memref<26x512xi32, #tpu.memory_space<vmem>>, vector<16xi32>,
      %add3A_1540 = arith.constant 0 : i32
      %add3A_1541 = vector.broadcast %add3A_1540 : i32 to vector<16xi32>
      %add3A_1542 = arith.addi %get3A_1539, %add3A_1541 : vector<16xi32>
      %add3A_1543 = arith.constant 0 : i32
      %add3A_1544 = vector.broadcast %add3A_1543 : i32 to vector<16xi32>
      %add3A_1545 = arith.addi %iota3A, %add3A_1544 : vector<16xi32>
      tpu.vector_store_idx %arg6[%add3A_1542, %add3A_1545], %broadcast_in_dim3A_6 : memref<200x128xi32, #tpu.memory_space<vmem>>[vector<16xi32>, vector<16xi32>], vector<16xi32>,
      %mul3A_1546 = arith.constant 128 : i32
      %mul3A_1547 = arith.muli %sub3A_1528, %mul3A_1546 : i32
      %add3A_1548 = arith.constant 16 : i32
      %add3A_1549 = arith.addi %mul3A_1547, %add3A_1548 : i32
      %get3A_1550 = arith.index_cast %add3A_1532 : i32 to index
      %get3A_1551 = arith.index_cast %add3A_1549 : i32 to index
      %get3A_1552 = tpu.vector_load %arg4[%get3A_1550, %get3A_1551] {strides = array<i32>} : memref<26x512xi32, #tpu.memory_space<vmem>>, vector<16xi32>,
      %add3A_1553 = arith.constant 0 : i32
      %add3A_1554 = vector.broadcast %add3A_1553 : i32 to vector<16xi32>
      %add3A_1555 = arith.addi %get3A_1552, %add3A_1554 : vector<16xi32>
      %add3A_1556 = arith.constant 16 : i32
      %add3A_1557 = vector.broadcast %add3A_1556 : i32 to vector<16xi32>
      %add3A_1558 = arith.addi %iota3A, %add3A_1557 : vector<16xi32>
      tpu.vector_store_idx %arg6[%add3A_1555, %add3A_1558], %broadcast_in_dim3A_6 : memref<200x128xi32, #tpu.memory_space<vmem>>[vector<16xi32>, vector<16xi32>], vector<16xi32>,
      %mul3A_1559 = arith.constant 128 : i32
      %mul3A_1560 = arith.muli %sub3A_1528, %mul3A_1559 : i32
      %add3A_1561 = arith.constant 32 : i32
      %add3A_1562 = arith.addi %mul3A_1560, %add3A_1561 : i32
      %get3A_1563 = arith.index_cast %add3A_1532 : i32 to index
      %get3A_1564 = arith.index_cast %add3A_1562 : i32 to index
      %get3A_1565 = tpu.vector_load %arg4[%get3A_1563, %get3A_1564] {strides = array<i32>} : memref<26x512xi32, #tpu.memory_space<vmem>>, vector<16xi32>,
      %add3A_1566 = arith.constant 0 : i32
      %add3A_1567 = vector.broadcast %add3A_1566 : i32 to vector<16xi32>
      %add3A_1568 = arith.addi %get3A_1565, %add3A_1567 : vector<16xi32>
      %add3A_1569 = arith.constant 32 : i32
      %add3A_1570 = vector.broadcast %add3A_1569 : i32 to vector<16xi32>
      %add3A_1571 = arith.addi %iota3A, %add3A_1570 : vector<16xi32>
      tpu.vector_store_idx %arg6[%add3A_1568, %add3A_1571], %broadcast_in_dim3A_6 : memref<200x128xi32, #tpu.memory_space<vmem>>[vector<16xi32>, vector<16xi32>], vector<16xi32>,
      %mul3A_1572 = arith.constant 128 : i32
      %mul3A_1573 = arith.muli %sub3A_1528, %mul3A_1572 : i32
      %add3A_1574 = arith.constant 48 : i32
      %add3A_1575 = arith.addi %mul3A_1573, %add3A_1574 : i32
      %get3A_1576 = arith.index_cast %add3A_1532 : i32 to index
      %get3A_1577 = arith.index_cast %add3A_1575 : i32 to index
      %get3A_1578 = tpu.vector_load %arg4[%get3A_1576, %get3A_1577] {strides = array<i32>} : memref<26x512xi32, #tpu.memory_space<vmem>>, vector<16xi32>,
      %add3A_1579 = arith.constant 0 : i32
      %add3A_1580 = vector.broadcast %add3A_1579 : i32 to vector<16xi32>
      %add3A_1581 = arith.addi %get3A_1578, %add3A_1580 : vector<16xi32>
      %add3A_1582 = arith.constant 48 : i32
      %add3A_1583 = vector.broadcast %add3A_1582 : i32 to vector<16xi32>
      %add3A_1584 = arith.addi %iota3A, %add3A_1583 : vector<16xi32>
      tpu.vector_store_idx %arg6[%add3A_1581, %add3A_1584], %broadcast_in_dim3A_6 : memref<200x128xi32, #tpu.memory_space<vmem>>[vector<16xi32>, vector<16xi32>], vector<16xi32>,
      %mul3A_1585 = arith.constant 128 : i32
      %mul3A_1586 = arith.muli %sub3A_1528, %mul3A_1585 : i32
      %add3A_1587 = arith.constant 64 : i32
      %add3A_1588 = arith.addi %mul3A_1586, %add3A_1587 : i32
      %get3A_1589 = arith.index_cast %add3A_1532 : i32 to index
      %get3A_1590 = arith.index_cast %add3A_1588 : i32 to index
      %get3A_1591 = tpu.vector_load %arg4[%get3A_1589, %get3A_1590] {strides = array<i32>} : memref<26x512xi32, #tpu.memory_space<vmem>>, vector<16xi32>,
      %add3A_1592 = arith.constant 0 : i32
      %add3A_1593 = vector.broadcast %add3A_1592 : i32 to vector<16xi32>
      %add3A_1594 = arith.addi %get3A_1591, %add3A_1593 : vector<16xi32>
      %add3A_1595 = arith.constant 64 : i32
      %add3A_1596 = vector.broadcast %add3A_1595 : i32 to vector<16xi32>
      %add3A_1597 = arith.addi %iota3A, %add3A_1596 : vector<16xi32>
      tpu.vector_store_idx %arg6[%add3A_1594, %add3A_1597], %broadcast_in_dim3A_6 : memref<200x128xi32, #tpu.memory_space<vmem>>[vector<16xi32>, vector<16xi32>], vector<16xi32>,
      %mul3A_1598 = arith.constant 128 : i32
      %mul3A_1599 = arith.muli %sub3A_1528, %mul3A_1598 : i32
      %add3A_1600 = arith.constant 80 : i32
      %add3A_1601 = arith.addi %mul3A_1599, %add3A_1600 : i32
      %get3A_1602 = arith.index_cast %add3A_1532 : i32 to index
      %get3A_1603 = arith.index_cast %add3A_1601 : i32 to index
      %get3A_1604 = tpu.vector_load %arg4[%get3A_1602, %get3A_1603] {strides = array<i32>} : memref<26x512xi32, #tpu.memory_space<vmem>>, vector<16xi32>,
      %add3A_1605 = arith.constant 0 : i32
      %add3A_1606 = vector.broadcast %add3A_1605 : i32 to vector<16xi32>
      %add3A_1607 = arith.addi %get3A_1604, %add3A_1606 : vector<16xi32>
      %add3A_1608 = arith.constant 80 : i32
      %add3A_1609 = vector.broadcast %add3A_1608 : i32 to vector<16xi32>
      %add3A_1610 = arith.addi %iota3A, %add3A_1609 : vector<16xi32>
      tpu.vector_store_idx %arg6[%add3A_1607, %add3A_1610], %broadcast_in_dim3A_6 : memref<200x128xi32, #tpu.memory_space<vmem>>[vector<16xi32>, vector<16xi32>], vector<16xi32>,
      %mul3A_1611 = arith.constant 128 : i32
      %mul3A_1612 = arith.muli %sub3A_1528, %mul3A_1611 : i32
      %add3A_1613 = arith.constant 96 : i32
      %add3A_1614 = arith.addi %mul3A_1612, %add3A_1613 : i32
      %get3A_1615 = arith.index_cast %add3A_1532 : i32 to index
      %get3A_1616 = arith.index_cast %add3A_1614 : i32 to index
      %get3A_1617 = tpu.vector_load %arg4[%get3A_1615, %get3A_1616] {strides = array<i32>} : memref<26x512xi32, #tpu.memory_space<vmem>>, vector<16xi32>,
      %add3A_1618 = arith.constant 0 : i32
      %add3A_1619 = vector.broadcast %add3A_1618 : i32 to vector<16xi32>
      %add3A_1620 = arith.addi %get3A_1617, %add3A_1619 : vector<16xi32>
      %add3A_1621 = arith.constant 96 : i32
      %add3A_1622 = vector.broadcast %add3A_1621 : i32 to vector<16xi32>
      %add3A_1623 = arith.addi %iota3A, %add3A_1622 : vector<16xi32>
      tpu.vector_store_idx %arg6[%add3A_1620, %add3A_1623], %broadcast_in_dim3A_6 : memref<200x128xi32, #tpu.memory_space<vmem>>[vector<16xi32>, vector<16xi32>], vector<16xi32>,
      %mul3A_1624 = arith.constant 128 : i32
      %mul3A_1625 = arith.muli %sub3A_1528, %mul3A_1624 : i32
      %add3A_1626 = arith.constant 112 : i32
      %add3A_1627 = arith.addi %mul3A_1625, %add3A_1626 : i32
      %get3A_1628 = arith.index_cast %add3A_1532 : i32 to index
      %get3A_1629 = arith.index_cast %add3A_1627 : i32 to index
      %get3A_1630 = tpu.vector_load %arg4[%get3A_1628, %get3A_1629] {strides = array<i32>} : memref<26x512xi32, #tpu.memory_space<vmem>>, vector<16xi32>,
      %add3A_1631 = arith.constant 0 : i32
      %add3A_1632 = vector.broadcast %add3A_1631 : i32 to vector<16xi32>
      %add3A_1633 = arith.addi %get3A_1630, %add3A_1632 : vector<16xi32>
      %add3A_1634 = arith.constant 112 : i32
      %add3A_1635 = vector.broadcast %add3A_1634 : i32 to vector<16xi32>
      %add3A_1636 = arith.addi %iota3A, %add3A_1635 : vector<16xi32>
      tpu.vector_store_idx %arg6[%add3A_1633, %add3A_1636], %broadcast_in_dim3A_6 : memref<200x128xi32, #tpu.memory_space<vmem>>[vector<16xi32>, vector<16xi32>], vector<16xi32>,
      %mul3A_1637 = arith.constant 2 : i32
      %mul3A_1638 = arith.muli %mul3A_1637, %select_n3A_1525 : i32
      %add3A_1639 = arith.constant 1 : i32
      %add3A_1640 = arith.addi %mul3A_1638, %add3A_1639 : i32
      %mul3A_1641 = arith.constant 128 : i32
      %mul3A_1642 = arith.muli %sub3A_1528, %mul3A_1641 : i32
      %add3A_1643 = arith.constant 0 : i32
      %add3A_1644 = arith.addi %mul3A_1642, %add3A_1643 : i32
      %get3A_1645 = arith.index_cast %add3A_1640 : i32 to index
      %get3A_1646 = arith.index_cast %add3A_1644 : i32 to index
      %get3A_1647 = tpu.vector_load %arg4[%get3A_1645, %get3A_1646] {strides = array<i32>} : memref<26x512xi32, #tpu.memory_space<vmem>>, vector<16xi32>,
      %add3A_1648 = arith.constant 100 : i32
      %add3A_1649 = vector.broadcast %add3A_1648 : i32 to vector<16xi32>
      %add3A_1650 = arith.addi %get3A_1647, %add3A_1649 : vector<16xi32>
      %add3A_1651 = arith.constant 0 : i32
      %add3A_1652 = vector.broadcast %add3A_1651 : i32 to vector<16xi32>
      %add3A_1653 = arith.addi %iota3A, %add3A_1652 : vector<16xi32>
      tpu.vector_store_idx %arg6[%add3A_1650, %add3A_1653], %broadcast_in_dim3A_6 : memref<200x128xi32, #tpu.memory_space<vmem>>[vector<16xi32>, vector<16xi32>], vector<16xi32>,
      %mul3A_1654 = arith.constant 128 : i32
      %mul3A_1655 = arith.muli %sub3A_1528, %mul3A_1654 : i32
      %add3A_1656 = arith.constant 16 : i32
      %add3A_1657 = arith.addi %mul3A_1655, %add3A_1656 : i32
      %get3A_1658 = arith.index_cast %add3A_1640 : i32 to index
      %get3A_1659 = arith.index_cast %add3A_1657 : i32 to index
      %get3A_1660 = tpu.vector_load %arg4[%get3A_1658, %get3A_1659] {strides = array<i32>} : memref<26x512xi32, #tpu.memory_space<vmem>>, vector<16xi32>,
      %add3A_1661 = arith.constant 100 : i32
      %add3A_1662 = vector.broadcast %add3A_1661 : i32 to vector<16xi32>
      %add3A_1663 = arith.addi %get3A_1660, %add3A_1662 : vector<16xi32>
      %add3A_1664 = arith.constant 16 : i32
      %add3A_1665 = vector.broadcast %add3A_1664 : i32 to vector<16xi32>
      %add3A_1666 = arith.addi %iota3A, %add3A_1665 : vector<16xi32>
      tpu.vector_store_idx %arg6[%add3A_1663, %add3A_1666], %broadcast_in_dim3A_6 : memref<200x128xi32, #tpu.memory_space<vmem>>[vector<16xi32>, vector<16xi32>], vector<16xi32>,
      %mul3A_1667 = arith.constant 128 : i32
      %mul3A_1668 = arith.muli %sub3A_1528, %mul3A_1667 : i32
      %add3A_1669 = arith.constant 32 : i32
      %add3A_1670 = arith.addi %mul3A_1668, %add3A_1669 : i32
      %get3A_1671 = arith.index_cast %add3A_1640 : i32 to index
      %get3A_1672 = arith.index_cast %add3A_1670 : i32 to index
      %get3A_1673 = tpu.vector_load %arg4[%get3A_1671, %get3A_1672] {strides = array<i32>} : memref<26x512xi32, #tpu.memory_space<vmem>>, vector<16xi32>,
      %add3A_1674 = arith.constant 100 : i32
      %add3A_1675 = vector.broadcast %add3A_1674 : i32 to vector<16xi32>
      %add3A_1676 = arith.addi %get3A_1673, %add3A_1675 : vector<16xi32>
      %add3A_1677 = arith.constant 32 : i32
      %add3A_1678 = vector.broadcast %add3A_1677 : i32 to vector<16xi32>
      %add3A_1679 = arith.addi %iota3A, %add3A_1678 : vector<16xi32>
      tpu.vector_store_idx %arg6[%add3A_1676, %add3A_1679], %broadcast_in_dim3A_6 : memref<200x128xi32, #tpu.memory_space<vmem>>[vector<16xi32>, vector<16xi32>], vector<16xi32>,
      %mul3A_1680 = arith.constant 128 : i32
      %mul3A_1681 = arith.muli %sub3A_1528, %mul3A_1680 : i32
      %add3A_1682 = arith.constant 48 : i32
      %add3A_1683 = arith.addi %mul3A_1681, %add3A_1682 : i32
      %get3A_1684 = arith.index_cast %add3A_1640 : i32 to index
      %get3A_1685 = arith.index_cast %add3A_1683 : i32 to index
      %get3A_1686 = tpu.vector_load %arg4[%get3A_1684, %get3A_1685] {strides = array<i32>} : memref<26x512xi32, #tpu.memory_space<vmem>>, vector<16xi32>,
      %add3A_1687 = arith.constant 100 : i32
      %add3A_1688 = vector.broadcast %add3A_1687 : i32 to vector<16xi32>
      %add3A_1689 = arith.addi %get3A_1686, %add3A_1688 : vector<16xi32>
      %add3A_1690 = arith.constant 48 : i32
      %add3A_1691 = vector.broadcast %add3A_1690 : i32 to vector<16xi32>
      %add3A_1692 = arith.addi %iota3A, %add3A_1691 : vector<16xi32>
      tpu.vector_store_idx %arg6[%add3A_1689, %add3A_1692], %broadcast_in_dim3A_6 : memref<200x128xi32, #tpu.memory_space<vmem>>[vector<16xi32>, vector<16xi32>], vector<16xi32>,
      %mul3A_1693 = arith.constant 128 : i32
      %mul3A_1694 = arith.muli %sub3A_1528, %mul3A_1693 : i32
      %add3A_1695 = arith.constant 64 : i32
      %add3A_1696 = arith.addi %mul3A_1694, %add3A_1695 : i32
      %get3A_1697 = arith.index_cast %add3A_1640 : i32 to index
      %get3A_1698 = arith.index_cast %add3A_1696 : i32 to index
      %get3A_1699 = tpu.vector_load %arg4[%get3A_1697, %get3A_1698] {strides = array<i32>} : memref<26x512xi32, #tpu.memory_space<vmem>>, vector<16xi32>,
      %add3A_1700 = arith.constant 100 : i32
      %add3A_1701 = vector.broadcast %add3A_1700 : i32 to vector<16xi32>
      %add3A_1702 = arith.addi %get3A_1699, %add3A_1701 : vector<16xi32>
      %add3A_1703 = arith.constant 64 : i32
      %add3A_1704 = vector.broadcast %add3A_1703 : i32 to vector<16xi32>
      %add3A_1705 = arith.addi %iota3A, %add3A_1704 : vector<16xi32>
      tpu.vector_store_idx %arg6[%add3A_1702, %add3A_1705], %broadcast_in_dim3A_6 : memref<200x128xi32, #tpu.memory_space<vmem>>[vector<16xi32>, vector<16xi32>], vector<16xi32>,
      %mul3A_1706 = arith.constant 128 : i32
      %mul3A_1707 = arith.muli %sub3A_1528, %mul3A_1706 : i32
      %add3A_1708 = arith.constant 80 : i32
      %add3A_1709 = arith.addi %mul3A_1707, %add3A_1708 : i32
      %get3A_1710 = arith.index_cast %add3A_1640 : i32 to index
      %get3A_1711 = arith.index_cast %add3A_1709 : i32 to index
      %get3A_1712 = tpu.vector_load %arg4[%get3A_1710, %get3A_1711] {strides = array<i32>} : memref<26x512xi32, #tpu.memory_space<vmem>>, vector<16xi32>,
      %add3A_1713 = arith.constant 100 : i32
      %add3A_1714 = vector.broadcast %add3A_1713 : i32 to vector<16xi32>
      %add3A_1715 = arith.addi %get3A_1712, %add3A_1714 : vector<16xi32>
      %add3A_1716 = arith.constant 80 : i32
      %add3A_1717 = vector.broadcast %add3A_1716 : i32 to vector<16xi32>
      %add3A_1718 = arith.addi %iota3A, %add3A_1717 : vector<16xi32>
      tpu.vector_store_idx %arg6[%add3A_1715, %add3A_1718], %broadcast_in_dim3A_6 : memref<200x128xi32, #tpu.memory_space<vmem>>[vector<16xi32>, vector<16xi32>], vector<16xi32>,
      %mul3A_1719 = arith.constant 128 : i32
      %mul3A_1720 = arith.muli %sub3A_1528, %mul3A_1719 : i32
      %add3A_1721 = arith.constant 96 : i32
      %add3A_1722 = arith.addi %mul3A_1720, %add3A_1721 : i32
      %get3A_1723 = arith.index_cast %add3A_1640 : i32 to index
      %get3A_1724 = arith.index_cast %add3A_1722 : i32 to index
      %get3A_1725 = tpu.vector_load %arg4[%get3A_1723, %get3A_1724] {strides = array<i32>} : memref<26x512xi32, #tpu.memory_space<vmem>>, vector<16xi32>,
      %add3A_1726 = arith.constant 100 : i32
      %add3A_1727 = vector.broadcast %add3A_1726 : i32 to vector<16xi32>
      %add3A_1728 = arith.addi %get3A_1725, %add3A_1727 : vector<16xi32>
      %add3A_1729 = arith.constant 96 : i32
      %add3A_1730 = vector.broadcast %add3A_1729 : i32 to vector<16xi32>
      %add3A_1731 = arith.addi %iota3A, %add3A_1730 : vector<16xi32>
      tpu.vector_store_idx %arg6[%add3A_1728, %add3A_1731], %broadcast_in_dim3A_6 : memref<200x128xi32, #tpu.memory_space<vmem>>[vector<16xi32>, vector<16xi32>], vector<16xi32>,
      %mul3A_1732 = arith.constant 128 : i32
      %mul3A_1733 = arith.muli %sub3A_1528, %mul3A_1732 : i32
      %add3A_1734 = arith.constant 112 : i32
      %add3A_1735 = arith.addi %mul3A_1733, %add3A_1734 : i32
      %get3A_1736 = arith.index_cast %add3A_1640 : i32 to index
      %get3A_1737 = arith.index_cast %add3A_1735 : i32 to index
      %get3A_1738 = tpu.vector_load %arg4[%get3A_1736, %get3A_1737] {strides = array<i32>} : memref<26x512xi32, #tpu.memory_space<vmem>>, vector<16xi32>,
      %add3A_1739 = arith.constant 100 : i32
      %add3A_1740 = vector.broadcast %add3A_1739 : i32 to vector<16xi32>
      %add3A_1741 = arith.addi %get3A_1738, %add3A_1740 : vector<16xi32>
      %add3A_1742 = arith.constant 112 : i32
      %add3A_1743 = vector.broadcast %add3A_1742 : i32 to vector<16xi32>
      %add3A_1744 = arith.addi %iota3A, %add3A_1743 : vector<16xi32>
      tpu.vector_store_idx %arg6[%add3A_1741, %add3A_1744], %broadcast_in_dim3A_6 : memref<200x128xi32, #tpu.memory_space<vmem>>[vector<16xi32>, vector<16xi32>], vector<16xi32>,
      %jit3A_1745 = arith.constant 4 : i32
      %div3A_1746 = arith.divsi %add3A_1252, %jit3A_1745 : i32
      %sign3A_1747 = arith.constant 0 : i32
      %sign3A_1748 = arith.cmpi sgt, %add3A_1252, %sign3A_1747 : i32
      %sign3A_1749 = arith.extui %sign3A_1748 : i1 to i32
      %sign3A_1750 = arith.constant 0 : i32
      %sign3A_1751 = arith.cmpi slt, %add3A_1252, %sign3A_1750 : i32
      %sign3A_1752 = arith.extui %sign3A_1751 : i1 to i32
      %sign3A_1753 = arith.subi %sign3A_1749, %sign3A_1752 : i32
      %sign3A_1754 = arith.constant 0 : i32
      %sign3A_1755 = arith.cmpi sgt, %jit3A_1745, %sign3A_1754 : i32
      %sign3A_1756 = arith.extui %sign3A_1755 : i1 to i32
      %sign3A_1757 = arith.constant 0 : i32
      %sign3A_1758 = arith.cmpi slt, %jit3A_1745, %sign3A_1757 : i32
      %sign3A_1759 = arith.extui %sign3A_1758 : i1 to i32
      %sign3A_1760 = arith.subi %sign3A_1756, %sign3A_1759 : i32
      %ne3A_1761 = arith.cmpi ne, %sign3A_1753, %sign3A_1760 : i32
      %rem3A_1762 = arith.remsi %add3A_1252, %jit3A_1745 : i32
      %ne3A_1763 = arith.constant 0 : i32
      %ne3A_1764 = arith.cmpi ne, %rem3A_1762, %ne3A_1763 : i32
      %and3A_1765 = arith.andi %ne3A_1761, %ne3A_1764 : i1
      %sub3A_1766 = arith.constant 1 : i32
      %sub3A_1767 = arith.subi %div3A_1746, %sub3A_1766 : i32
      %select_n3A_1768 = arith.select %and3A_1765, %sub3A_1767, %div3A_1746 : i32
      %mul3A_1769 = arith.constant 4 : i32
      %mul3A_1770 = arith.muli %select_n3A_1768, %mul3A_1769 : i32
      %sub3A_1771 = arith.subi %add3A_1252, %mul3A_1770 : i32
      %mul3A_1772 = arith.constant 200 : i32
      %mul3A_1773 = arith.muli %select_n3A_1768, %mul3A_1772 : i32
      %mul3A_1774 = arith.constant 128 : i32
      %mul3A_1775 = arith.muli %sub3A_1771, %mul3A_1774 : i32
      %add3A_1776 = arith.addi %mul3A_2, %mul3A_1775 : i32
      %dma_start3A_1777 = tpu.memref_slice %arg3[%mul3A_1773, %add3A_1776] : memref<2600x16384xi32, #tpu.memory_space<hbm>> -> memref<200x128xi32, #tpu.memory_space<hbm>>
      %dma_start3A_1778 = tpu.memref_slice %arg3[%mul3A_1773, %add3A_1776] : memref<2600x16384xi32, #tpu.memory_space<hbm>> -> memref<200x128xi32, #tpu.memory_space<hbm>>
      tpu.enqueue_dma source(%arg6 : memref<200x128xi32, #tpu.memory_space<vmem>>) target(%dma_start3A_1778 : memref<200x128xi32, #tpu.memory_space<hbm>>) target_semaphore(%arg10 : memref<!tpu.dma_semaphore, #tpu.memory_space<semaphore_mem>>)
      %mul3A_1779 = arith.constant 4 : i32
      %mul3A_1780 = arith.muli %scan3A_722, %mul3A_1779 : i32
      %add3A_1781 = arith.constant 4 : i32
      %add3A_1782 = arith.addi %mul3A_1780, %add3A_1781 : i32
      %add3A_1783 = arith.constant 2 : i32
      %add3A_1784 = arith.addi %add3A_1782, %add3A_1783 : i32
      %dma_wait3A_1785 = arith.constant 0 : i32
      %dma_wait3A_1786 = tpu.memref_slice %arg3[%dma_wait3A_1785, %mul3A_2] : memref<2600x16384xi32, #tpu.memory_space<hbm>> -> memref<200x128xi32, #tpu.memory_space<hbm>>
      %dma_wait3A_1787 = arith.constant 0 : i32
      %dma_wait3A_1788 = tpu.memref_slice %arg3[%dma_wait3A_1787, %mul3A_2] : memref<2600x16384xi32, #tpu.memory_space<hbm>> -> memref<200x128xi32, #tpu.memory_space<hbm>>
      tpu.wait_dma2 semaphore(%arg11 : memref<!tpu.dma_semaphore, #tpu.memory_space<semaphore_mem>>) src(%arg7 : memref<200x128xi32, #tpu.memory_space<vmem>>) dst(%dma_wait3A_1788 : memref<200x128xi32, #tpu.memory_space<hbm>>)
      %sub3A_1789 = arith.constant 4 : i32
      %sub3A_1790 = arith.subi %add3A_1784, %sub3A_1789 : i32
      %jit3A_1791 = arith.constant 4 : i32
      %div3A_1792 = arith.divsi %sub3A_1790, %jit3A_1791 : i32
      %sign3A_1793 = arith.constant 0 : i32
      %sign3A_1794 = arith.cmpi sgt, %sub3A_1790, %sign3A_1793 : i32
      %sign3A_1795 = arith.extui %sign3A_1794 : i1 to i32
      %sign3A_1796 = arith.constant 0 : i32
      %sign3A_1797 = arith.cmpi slt, %sub3A_1790, %sign3A_1796 : i32
      %sign3A_1798 = arith.extui %sign3A_1797 : i1 to i32
      %sign3A_1799 = arith.subi %sign3A_1795, %sign3A_1798 : i32
      %sign3A_1800 = arith.constant 0 : i32
      %sign3A_1801 = arith.cmpi sgt, %jit3A_1791, %sign3A_1800 : i32
      %sign3A_1802 = arith.extui %sign3A_1801 : i1 to i32
      %sign3A_1803 = arith.constant 0 : i32
      %sign3A_1804 = arith.cmpi slt, %jit3A_1791, %sign3A_1803 : i32
      %sign3A_1805 = arith.extui %sign3A_1804 : i1 to i32
      %sign3A_1806 = arith.subi %sign3A_1802, %sign3A_1805 : i32
      %ne3A_1807 = arith.cmpi ne, %sign3A_1799, %sign3A_1806 : i32
      %rem3A_1808 = arith.remsi %sub3A_1790, %jit3A_1791 : i32
      %ne3A_1809 = arith.constant 0 : i32
      %ne3A_1810 = arith.cmpi ne, %rem3A_1808, %ne3A_1809 : i32
      %and3A_1811 = arith.andi %ne3A_1807, %ne3A_1810 : i1
      %sub3A_1812 = arith.constant 1 : i32
      %sub3A_1813 = arith.subi %div3A_1792, %sub3A_1812 : i32
      %select_n3A_1814 = arith.select %and3A_1811, %sub3A_1813, %div3A_1792 : i32
      %mul3A_1815 = arith.constant 4 : i32
      %mul3A_1816 = arith.muli %select_n3A_1814, %mul3A_1815 : i32
      %sub3A_1817 = arith.subi %sub3A_1790, %mul3A_1816 : i32
      %mul3A_1818 = arith.constant 2 : i32
      %mul3A_1819 = arith.muli %mul3A_1818, %select_n3A_1814 : i32
      %add3A_1820 = arith.constant 0 : i32
      %add3A_1821 = arith.addi %mul3A_1819, %add3A_1820 : i32
      %mul3A_1822 = arith.constant 128 : i32
      %mul3A_1823 = arith.muli %sub3A_1817, %mul3A_1822 : i32
      %add3A_1824 = arith.constant 0 : i32
      %add3A_1825 = arith.addi %mul3A_1823, %add3A_1824 : i32
      %get3A_1826 = arith.index_cast %add3A_1821 : i32 to index
      %get3A_1827 = arith.index_cast %add3A_1825 : i32 to index
      %get3A_1828 = tpu.vector_load %arg4[%get3A_1826, %get3A_1827] {strides = array<i32>} : memref<26x512xi32, #tpu.memory_space<vmem>>, vector<16xi32>,
      %add3A_1829 = arith.constant 0 : i32
      %add3A_1830 = vector.broadcast %add3A_1829 : i32 to vector<16xi32>
      %add3A_1831 = arith.addi %get3A_1828, %add3A_1830 : vector<16xi32>
      %add3A_1832 = arith.constant 0 : i32
      %add3A_1833 = vector.broadcast %add3A_1832 : i32 to vector<16xi32>
      %add3A_1834 = arith.addi %iota3A, %add3A_1833 : vector<16xi32>
      tpu.vector_store_idx %arg7[%add3A_1831, %add3A_1834], %broadcast_in_dim3A_8 : memref<200x128xi32, #tpu.memory_space<vmem>>[vector<16xi32>, vector<16xi32>], vector<16xi32>,
      %mul3A_1835 = arith.constant 128 : i32
      %mul3A_1836 = arith.muli %sub3A_1817, %mul3A_1835 : i32
      %add3A_1837 = arith.constant 16 : i32
      %add3A_1838 = arith.addi %mul3A_1836, %add3A_1837 : i32
      %get3A_1839 = arith.index_cast %add3A_1821 : i32 to index
      %get3A_1840 = arith.index_cast %add3A_1838 : i32 to index
      %get3A_1841 = tpu.vector_load %arg4[%get3A_1839, %get3A_1840] {strides = array<i32>} : memref<26x512xi32, #tpu.memory_space<vmem>>, vector<16xi32>,
      %add3A_1842 = arith.constant 0 : i32
      %add3A_1843 = vector.broadcast %add3A_1842 : i32 to vector<16xi32>
      %add3A_1844 = arith.addi %get3A_1841, %add3A_1843 : vector<16xi32>
      %add3A_1845 = arith.constant 16 : i32
      %add3A_1846 = vector.broadcast %add3A_1845 : i32 to vector<16xi32>
      %add3A_1847 = arith.addi %iota3A, %add3A_1846 : vector<16xi32>
      tpu.vector_store_idx %arg7[%add3A_1844, %add3A_1847], %broadcast_in_dim3A_8 : memref<200x128xi32, #tpu.memory_space<vmem>>[vector<16xi32>, vector<16xi32>], vector<16xi32>,
      %mul3A_1848 = arith.constant 128 : i32
      %mul3A_1849 = arith.muli %sub3A_1817, %mul3A_1848 : i32
      %add3A_1850 = arith.constant 32 : i32
      %add3A_1851 = arith.addi %mul3A_1849, %add3A_1850 : i32
      %get3A_1852 = arith.index_cast %add3A_1821 : i32 to index
      %get3A_1853 = arith.index_cast %add3A_1851 : i32 to index
      %get3A_1854 = tpu.vector_load %arg4[%get3A_1852, %get3A_1853] {strides = array<i32>} : memref<26x512xi32, #tpu.memory_space<vmem>>, vector<16xi32>,
      %add3A_1855 = arith.constant 0 : i32
      %add3A_1856 = vector.broadcast %add3A_1855 : i32 to vector<16xi32>
      %add3A_1857 = arith.addi %get3A_1854, %add3A_1856 : vector<16xi32>
      %add3A_1858 = arith.constant 32 : i32
      %add3A_1859 = vector.broadcast %add3A_1858 : i32 to vector<16xi32>
      %add3A_1860 = arith.addi %iota3A, %add3A_1859 : vector<16xi32>
      tpu.vector_store_idx %arg7[%add3A_1857, %add3A_1860], %broadcast_in_dim3A_8 : memref<200x128xi32, #tpu.memory_space<vmem>>[vector<16xi32>, vector<16xi32>], vector<16xi32>,
      %mul3A_1861 = arith.constant 128 : i32
      %mul3A_1862 = arith.muli %sub3A_1817, %mul3A_1861 : i32
      %add3A_1863 = arith.constant 48 : i32
      %add3A_1864 = arith.addi %mul3A_1862, %add3A_1863 : i32
      %get3A_1865 = arith.index_cast %add3A_1821 : i32 to index
      %get3A_1866 = arith.index_cast %add3A_1864 : i32 to index
      %get3A_1867 = tpu.vector_load %arg4[%get3A_1865, %get3A_1866] {strides = array<i32>} : memref<26x512xi32, #tpu.memory_space<vmem>>, vector<16xi32>,
      %add3A_1868 = arith.constant 0 : i32
      %add3A_1869 = vector.broadcast %add3A_1868 : i32 to vector<16xi32>
      %add3A_1870 = arith.addi %get3A_1867, %add3A_1869 : vector<16xi32>
      %add3A_1871 = arith.constant 48 : i32
      %add3A_1872 = vector.broadcast %add3A_1871 : i32 to vector<16xi32>
      %add3A_1873 = arith.addi %iota3A, %add3A_1872 : vector<16xi32>
      tpu.vector_store_idx %arg7[%add3A_1870, %add3A_1873], %broadcast_in_dim3A_8 : memref<200x128xi32, #tpu.memory_space<vmem>>[vector<16xi32>, vector<16xi32>], vector<16xi32>,
      %mul3A_1874 = arith.constant 128 : i32
      %mul3A_1875 = arith.muli %sub3A_1817, %mul3A_1874 : i32
      %add3A_1876 = arith.constant 64 : i32
      %add3A_1877 = arith.addi %mul3A_1875, %add3A_1876 : i32
      %get3A_1878 = arith.index_cast %add3A_1821 : i32 to index
      %get3A_1879 = arith.index_cast %add3A_1877 : i32 to index
      %get3A_1880 = tpu.vector_load %arg4[%get3A_1878, %get3A_1879] {strides = array<i32>} : memref<26x512xi32, #tpu.memory_space<vmem>>, vector<16xi32>,
      %add3A_1881 = arith.constant 0 : i32
      %add3A_1882 = vector.broadcast %add3A_1881 : i32 to vector<16xi32>
      %add3A_1883 = arith.addi %get3A_1880, %add3A_1882 : vector<16xi32>
      %add3A_1884 = arith.constant 64 : i32
      %add3A_1885 = vector.broadcast %add3A_1884 : i32 to vector<16xi32>
      %add3A_1886 = arith.addi %iota3A, %add3A_1885 : vector<16xi32>
      tpu.vector_store_idx %arg7[%add3A_1883, %add3A_1886], %broadcast_in_dim3A_8 : memref<200x128xi32, #tpu.memory_space<vmem>>[vector<16xi32>, vector<16xi32>], vector<16xi32>,
      %mul3A_1887 = arith.constant 128 : i32
      %mul3A_1888 = arith.muli %sub3A_1817, %mul3A_1887 : i32
      %add3A_1889 = arith.constant 80 : i32
      %add3A_1890 = arith.addi %mul3A_1888, %add3A_1889 : i32
      %get3A_1891 = arith.index_cast %add3A_1821 : i32 to index
      %get3A_1892 = arith.index_cast %add3A_1890 : i32 to index
      %get3A_1893 = tpu.vector_load %arg4[%get3A_1891, %get3A_1892] {strides = array<i32>} : memref<26x512xi32, #tpu.memory_space<vmem>>, vector<16xi32>,
      %add3A_1894 = arith.constant 0 : i32
      %add3A_1895 = vector.broadcast %add3A_1894 : i32 to vector<16xi32>
      %add3A_1896 = arith.addi %get3A_1893, %add3A_1895 : vector<16xi32>
      %add3A_1897 = arith.constant 80 : i32
      %add3A_1898 = vector.broadcast %add3A_1897 : i32 to vector<16xi32>
      %add3A_1899 = arith.addi %iota3A, %add3A_1898 : vector<16xi32>
      tpu.vector_store_idx %arg7[%add3A_1896, %add3A_1899], %broadcast_in_dim3A_8 : memref<200x128xi32, #tpu.memory_space<vmem>>[vector<16xi32>, vector<16xi32>], vector<16xi32>,
      %mul3A_1900 = arith.constant 128 : i32
      %mul3A_1901 = arith.muli %sub3A_1817, %mul3A_1900 : i32
      %add3A_1902 = arith.constant 96 : i32
      %add3A_1903 = arith.addi %mul3A_1901, %add3A_1902 : i32
      %get3A_1904 = arith.index_cast %add3A_1821 : i32 to index
      %get3A_1905 = arith.index_cast %add3A_1903 : i32 to index
      %get3A_1906 = tpu.vector_load %arg4[%get3A_1904, %get3A_1905] {strides = array<i32>} : memref<26x512xi32, #tpu.memory_space<vmem>>, vector<16xi32>,
      %add3A_1907 = arith.constant 0 : i32
      %add3A_1908 = vector.broadcast %add3A_1907 : i32 to vector<16xi32>
      %add3A_1909 = arith.addi %get3A_1906, %add3A_1908 : vector<16xi32>
      %add3A_1910 = arith.constant 96 : i32
      %add3A_1911 = vector.broadcast %add3A_1910 : i32 to vector<16xi32>
      %add3A_1912 = arith.addi %iota3A, %add3A_1911 : vector<16xi32>
      tpu.vector_store_idx %arg7[%add3A_1909, %add3A_1912], %broadcast_in_dim3A_8 : memref<200x128xi32, #tpu.memory_space<vmem>>[vector<16xi32>, vector<16xi32>], vector<16xi32>,
      %mul3A_1913 = arith.constant 128 : i32
      %mul3A_1914 = arith.muli %sub3A_1817, %mul3A_1913 : i32
      %add3A_1915 = arith.constant 112 : i32
      %add3A_1916 = arith.addi %mul3A_1914, %add3A_1915 : i32
      %get3A_1917 = arith.index_cast %add3A_1821 : i32 to index
      %get3A_1918 = arith.index_cast %add3A_1916 : i32 to index
      %get3A_1919 = tpu.vector_load %arg4[%get3A_1917, %get3A_1918] {strides = array<i32>} : memref<26x512xi32, #tpu.memory_space<vmem>>, vector<16xi32>,
      %add3A_1920 = arith.constant 0 : i32
      %add3A_1921 = vector.broadcast %add3A_1920 : i32 to vector<16xi32>
      %add3A_1922 = arith.addi %get3A_1919, %add3A_1921 : vector<16xi32>
      %add3A_1923 = arith.constant 112 : i32
      %add3A_1924 = vector.broadcast %add3A_1923 : i32 to vector<16xi32>
      %add3A_1925 = arith.addi %iota3A, %add3A_1924 : vector<16xi32>
      tpu.vector_store_idx %arg7[%add3A_1922, %add3A_1925], %broadcast_in_dim3A_8 : memref<200x128xi32, #tpu.memory_space<vmem>>[vector<16xi32>, vector<16xi32>], vector<16xi32>,
      %mul3A_1926 = arith.constant 2 : i32
      %mul3A_1927 = arith.muli %mul3A_1926, %select_n3A_1814 : i32
      %add3A_1928 = arith.constant 1 : i32
      %add3A_1929 = arith.addi %mul3A_1927, %add3A_1928 : i32
      %mul3A_1930 = arith.constant 128 : i32
      %mul3A_1931 = arith.muli %sub3A_1817, %mul3A_1930 : i32
      %add3A_1932 = arith.constant 0 : i32
      %add3A_1933 = arith.addi %mul3A_1931, %add3A_1932 : i32
      %get3A_1934 = arith.index_cast %add3A_1929 : i32 to index
      %get3A_1935 = arith.index_cast %add3A_1933 : i32 to index
      %get3A_1936 = tpu.vector_load %arg4[%get3A_1934, %get3A_1935] {strides = array<i32>} : memref<26x512xi32, #tpu.memory_space<vmem>>, vector<16xi32>,
      %add3A_1937 = arith.constant 100 : i32
      %add3A_1938 = vector.broadcast %add3A_1937 : i32 to vector<16xi32>
      %add3A_1939 = arith.addi %get3A_1936, %add3A_1938 : vector<16xi32>
      %add3A_1940 = arith.constant 0 : i32
      %add3A_1941 = vector.broadcast %add3A_1940 : i32 to vector<16xi32>
      %add3A_1942 = arith.addi %iota3A, %add3A_1941 : vector<16xi32>
      tpu.vector_store_idx %arg7[%add3A_1939, %add3A_1942], %broadcast_in_dim3A_8 : memref<200x128xi32, #tpu.memory_space<vmem>>[vector<16xi32>, vector<16xi32>], vector<16xi32>,
      %mul3A_1943 = arith.constant 128 : i32
      %mul3A_1944 = arith.muli %sub3A_1817, %mul3A_1943 : i32
      %add3A_1945 = arith.constant 16 : i32
      %add3A_1946 = arith.addi %mul3A_1944, %add3A_1945 : i32
      %get3A_1947 = arith.index_cast %add3A_1929 : i32 to index
      %get3A_1948 = arith.index_cast %add3A_1946 : i32 to index
      %get3A_1949 = tpu.vector_load %arg4[%get3A_1947, %get3A_1948] {strides = array<i32>} : memref<26x512xi32, #tpu.memory_space<vmem>>, vector<16xi32>,
      %add3A_1950 = arith.constant 100 : i32
      %add3A_1951 = vector.broadcast %add3A_1950 : i32 to vector<16xi32>
      %add3A_1952 = arith.addi %get3A_1949, %add3A_1951 : vector<16xi32>
      %add3A_1953 = arith.constant 16 : i32
      %add3A_1954 = vector.broadcast %add3A_1953 : i32 to vector<16xi32>
      %add3A_1955 = arith.addi %iota3A, %add3A_1954 : vector<16xi32>
      tpu.vector_store_idx %arg7[%add3A_1952, %add3A_1955], %broadcast_in_dim3A_8 : memref<200x128xi32, #tpu.memory_space<vmem>>[vector<16xi32>, vector<16xi32>], vector<16xi32>,
      %mul3A_1956 = arith.constant 128 : i32
      %mul3A_1957 = arith.muli %sub3A_1817, %mul3A_1956 : i32
      %add3A_1958 = arith.constant 32 : i32
      %add3A_1959 = arith.addi %mul3A_1957, %add3A_1958 : i32
      %get3A_1960 = arith.index_cast %add3A_1929 : i32 to index
      %get3A_1961 = arith.index_cast %add3A_1959 : i32 to index
      %get3A_1962 = tpu.vector_load %arg4[%get3A_1960, %get3A_1961] {strides = array<i32>} : memref<26x512xi32, #tpu.memory_space<vmem>>, vector<16xi32>,
      %add3A_1963 = arith.constant 100 : i32
      %add3A_1964 = vector.broadcast %add3A_1963 : i32 to vector<16xi32>
      %add3A_1965 = arith.addi %get3A_1962, %add3A_1964 : vector<16xi32>
      %add3A_1966 = arith.constant 32 : i32
      %add3A_1967 = vector.broadcast %add3A_1966 : i32 to vector<16xi32>
      %add3A_1968 = arith.addi %iota3A, %add3A_1967 : vector<16xi32>
      tpu.vector_store_idx %arg7[%add3A_1965, %add3A_1968], %broadcast_in_dim3A_8 : memref<200x128xi32, #tpu.memory_space<vmem>>[vector<16xi32>, vector<16xi32>], vector<16xi32>,
      %mul3A_1969 = arith.constant 128 : i32
      %mul3A_1970 = arith.muli %sub3A_1817, %mul3A_1969 : i32
      %add3A_1971 = arith.constant 48 : i32
      %add3A_1972 = arith.addi %mul3A_1970, %add3A_1971 : i32
      %get3A_1973 = arith.index_cast %add3A_1929 : i32 to index
      %get3A_1974 = arith.index_cast %add3A_1972 : i32 to index
      %get3A_1975 = tpu.vector_load %arg4[%get3A_1973, %get3A_1974] {strides = array<i32>} : memref<26x512xi32, #tpu.memory_space<vmem>>, vector<16xi32>,
      %add3A_1976 = arith.constant 100 : i32
      %add3A_1977 = vector.broadcast %add3A_1976 : i32 to vector<16xi32>
      %add3A_1978 = arith.addi %get3A_1975, %add3A_1977 : vector<16xi32>
      %add3A_1979 = arith.constant 48 : i32
      %add3A_1980 = vector.broadcast %add3A_1979 : i32 to vector<16xi32>
      %add3A_1981 = arith.addi %iota3A, %add3A_1980 : vector<16xi32>
      tpu.vector_store_idx %arg7[%add3A_1978, %add3A_1981], %broadcast_in_dim3A_8 : memref<200x128xi32, #tpu.memory_space<vmem>>[vector<16xi32>, vector<16xi32>], vector<16xi32>,
      %mul3A_1982 = arith.constant 128 : i32
      %mul3A_1983 = arith.muli %sub3A_1817, %mul3A_1982 : i32
      %add3A_1984 = arith.constant 64 : i32
      %add3A_1985 = arith.addi %mul3A_1983, %add3A_1984 : i32
      %get3A_1986 = arith.index_cast %add3A_1929 : i32 to index
      %get3A_1987 = arith.index_cast %add3A_1985 : i32 to index
      %get3A_1988 = tpu.vector_load %arg4[%get3A_1986, %get3A_1987] {strides = array<i32>} : memref<26x512xi32, #tpu.memory_space<vmem>>, vector<16xi32>,
      %add3A_1989 = arith.constant 100 : i32
      %add3A_1990 = vector.broadcast %add3A_1989 : i32 to vector<16xi32>
      %add3A_1991 = arith.addi %get3A_1988, %add3A_1990 : vector<16xi32>
      %add3A_1992 = arith.constant 64 : i32
      %add3A_1993 = vector.broadcast %add3A_1992 : i32 to vector<16xi32>
      %add3A_1994 = arith.addi %iota3A, %add3A_1993 : vector<16xi32>
      tpu.vector_store_idx %arg7[%add3A_1991, %add3A_1994], %broadcast_in_dim3A_8 : memref<200x128xi32, #tpu.memory_space<vmem>>[vector<16xi32>, vector<16xi32>], vector<16xi32>,
      %mul3A_1995 = arith.constant 128 : i32
      %mul3A_1996 = arith.muli %sub3A_1817, %mul3A_1995 : i32
      %add3A_1997 = arith.constant 80 : i32
      %add3A_1998 = arith.addi %mul3A_1996, %add3A_1997 : i32
      %get3A_1999 = arith.index_cast %add3A_1929 : i32 to index
      %get3A_2000 = arith.index_cast %add3A_1998 : i32 to index
      %get3A_2001 = tpu.vector_load %arg4[%get3A_1999, %get3A_2000] {strides = array<i32>} : memref<26x512xi32, #tpu.memory_space<vmem>>, vector<16xi32>,
      %add3A_2002 = arith.constant 100 : i32
      %add3A_2003 = vector.broadcast %add3A_2002 : i32 to vector<16xi32>
      %add3A_2004 = arith.addi %get3A_2001, %add3A_2003 : vector<16xi32>
      %add3A_2005 = arith.constant 80 : i32
      %add3A_2006 = vector.broadcast %add3A_2005 : i32 to vector<16xi32>
      %add3A_2007 = arith.addi %iota3A, %add3A_2006 : vector<16xi32>
      tpu.vector_store_idx %arg7[%add3A_2004, %add3A_2007], %broadcast_in_dim3A_8 : memref<200x128xi32, #tpu.memory_space<vmem>>[vector<16xi32>, vector<16xi32>], vector<16xi32>,
      %mul3A_2008 = arith.constant 128 : i32
      %mul3A_2009 = arith.muli %sub3A_1817, %mul3A_2008 : i32
      %add3A_2010 = arith.constant 96 : i32
      %add3A_2011 = arith.addi %mul3A_2009, %add3A_2010 : i32
      %get3A_2012 = arith.index_cast %add3A_1929 : i32 to index
      %get3A_2013 = arith.index_cast %add3A_2011 : i32 to index
      %get3A_2014 = tpu.vector_load %arg4[%get3A_2012, %get3A_2013] {strides = array<i32>} : memref<26x512xi32, #tpu.memory_space<vmem>>, vector<16xi32>,
      %add3A_2015 = arith.constant 100 : i32
      %add3A_2016 = vector.broadcast %add3A_2015 : i32 to vector<16xi32>
      %add3A_2017 = arith.addi %get3A_2014, %add3A_2016 : vector<16xi32>
      %add3A_2018 = arith.constant 96 : i32
      %add3A_2019 = vector.broadcast %add3A_2018 : i32 to vector<16xi32>
      %add3A_2020 = arith.addi %iota3A, %add3A_2019 : vector<16xi32>
      tpu.vector_store_idx %arg7[%add3A_2017, %add3A_2020], %broadcast_in_dim3A_8 : memref<200x128xi32, #tpu.memory_space<vmem>>[vector<16xi32>, vector<16xi32>], vector<16xi32>,
      %mul3A_2021 = arith.constant 128 : i32
      %mul3A_2022 = arith.muli %sub3A_1817, %mul3A_2021 : i32
      %add3A_2023 = arith.constant 112 : i32
      %add3A_2024 = arith.addi %mul3A_2022, %add3A_2023 : i32
      %get3A_2025 = arith.index_cast %add3A_1929 : i32 to index
      %get3A_2026 = arith.index_cast %add3A_2024 : i32 to index
      %get3A_2027 = tpu.vector_load %arg4[%get3A_2025, %get3A_2026] {strides = array<i32>} : memref<26x512xi32, #tpu.memory_space<vmem>>, vector<16xi32>,
      %add3A_2028 = arith.constant 100 : i32
      %add3A_2029 = vector.broadcast %add3A_2028 : i32 to vector<16xi32>
      %add3A_2030 = arith.addi %get3A_2027, %add3A_2029 : vector<16xi32>
      %add3A_2031 = arith.constant 112 : i32
      %add3A_2032 = vector.broadcast %add3A_2031 : i32 to vector<16xi32>
      %add3A_2033 = arith.addi %iota3A, %add3A_2032 : vector<16xi32>
      tpu.vector_store_idx %arg7[%add3A_2030, %add3A_2033], %broadcast_in_dim3A_8 : memref<200x128xi32, #tpu.memory_space<vmem>>[vector<16xi32>, vector<16xi32>], vector<16xi32>,
      %jit3A_2034 = arith.constant 4 : i32
      %div3A_2035 = arith.divsi %add3A_1784, %jit3A_2034 : i32
      %sign3A_2036 = arith.constant 0 : i32
      %sign3A_2037 = arith.cmpi sgt, %add3A_1784, %sign3A_2036 : i32
      %sign3A_2038 = arith.extui %sign3A_2037 : i1 to i32
      %sign3A_2039 = arith.constant 0 : i32
      %sign3A_2040 = arith.cmpi slt, %add3A_1784, %sign3A_2039 : i32
      %sign3A_2041 = arith.extui %sign3A_2040 : i1 to i32
      %sign3A_2042 = arith.subi %sign3A_2038, %sign3A_2041 : i32
      %sign3A_2043 = arith.constant 0 : i32
      %sign3A_2044 = arith.cmpi sgt, %jit3A_2034, %sign3A_2043 : i32
      %sign3A_2045 = arith.extui %sign3A_2044 : i1 to i32
      %sign3A_2046 = arith.constant 0 : i32
      %sign3A_2047 = arith.cmpi slt, %jit3A_2034, %sign3A_2046 : i32
      %sign3A_2048 = arith.extui %sign3A_2047 : i1 to i32
      %sign3A_2049 = arith.subi %sign3A_2045, %sign3A_2048 : i32
      %ne3A_2050 = arith.cmpi ne, %sign3A_2042, %sign3A_2049 : i32
      %rem3A_2051 = arith.remsi %add3A_1784, %jit3A_2034 : i32
      %ne3A_2052 = arith.constant 0 : i32
      %ne3A_2053 = arith.cmpi ne, %rem3A_2051, %ne3A_2052 : i32
      %and3A_2054 = arith.andi %ne3A_2050, %ne3A_2053 : i1
      %sub3A_2055 = arith.constant 1 : i32
      %sub3A_2056 = arith.subi %div3A_2035, %sub3A_2055 : i32
      %select_n3A_2057 = arith.select %and3A_2054, %sub3A_2056, %div3A_2035 : i32
      %mul3A_2058 = arith.constant 4 : i32
      %mul3A_2059 = arith.muli %select_n3A_2057, %mul3A_2058 : i32
      %sub3A_2060 = arith.subi %add3A_1784, %mul3A_2059 : i32
      %mul3A_2061 = arith.constant 2 : i32
      %mul3A_2062 = arith.muli %mul3A_2061, %select_n3A_2057 : i32
      %add3A_2063 = arith.constant 0 : i32
      %add3A_2064 = arith.addi %mul3A_2062, %add3A_2063 : i32
      %mul3A_2065 = arith.constant 128 : i32
      %mul3A_2066 = arith.muli %sub3A_2060, %mul3A_2065 : i32
      %add3A_2067 = arith.constant 0 : i32
      %add3A_2068 = arith.addi %mul3A_2066, %add3A_2067 : i32
      %get3A_2069 = arith.index_cast %add3A_2064 : i32 to index
      %get3A_2070 = arith.index_cast %add3A_2068 : i32 to index
      %get3A_2071 = tpu.vector_load %arg4[%get3A_2069, %get3A_2070] {strides = array<i32>} : memref<26x512xi32, #tpu.memory_space<vmem>>, vector<16xi32>,
      %add3A_2072 = arith.constant 0 : i32
      %add3A_2073 = vector.broadcast %add3A_2072 : i32 to vector<16xi32>
      %add3A_2074 = arith.addi %get3A_2071, %add3A_2073 : vector<16xi32>
      %add3A_2075 = arith.constant 0 : i32
      %add3A_2076 = vector.broadcast %add3A_2075 : i32 to vector<16xi32>
      %add3A_2077 = arith.addi %iota3A, %add3A_2076 : vector<16xi32>
      tpu.vector_store_idx %arg7[%add3A_2074, %add3A_2077], %broadcast_in_dim3A_6 : memref<200x128xi32, #tpu.memory_space<vmem>>[vector<16xi32>, vector<16xi32>], vector<16xi32>,
      %mul3A_2078 = arith.constant 128 : i32
      %mul3A_2079 = arith.muli %sub3A_2060, %mul3A_2078 : i32
      %add3A_2080 = arith.constant 16 : i32
      %add3A_2081 = arith.addi %mul3A_2079, %add3A_2080 : i32
      %get3A_2082 = arith.index_cast %add3A_2064 : i32 to index
      %get3A_2083 = arith.index_cast %add3A_2081 : i32 to index
      %get3A_2084 = tpu.vector_load %arg4[%get3A_2082, %get3A_2083] {strides = array<i32>} : memref<26x512xi32, #tpu.memory_space<vmem>>, vector<16xi32>,
      %add3A_2085 = arith.constant 0 : i32
      %add3A_2086 = vector.broadcast %add3A_2085 : i32 to vector<16xi32>
      %add3A_2087 = arith.addi %get3A_2084, %add3A_2086 : vector<16xi32>
      %add3A_2088 = arith.constant 16 : i32
      %add3A_2089 = vector.broadcast %add3A_2088 : i32 to vector<16xi32>
      %add3A_2090 = arith.addi %iota3A, %add3A_2089 : vector<16xi32>
      tpu.vector_store_idx %arg7[%add3A_2087, %add3A_2090], %broadcast_in_dim3A_6 : memref<200x128xi32, #tpu.memory_space<vmem>>[vector<16xi32>, vector<16xi32>], vector<16xi32>,
      %mul3A_2091 = arith.constant 128 : i32
      %mul3A_2092 = arith.muli %sub3A_2060, %mul3A_2091 : i32
      %add3A_2093 = arith.constant 32 : i32
      %add3A_2094 = arith.addi %mul3A_2092, %add3A_2093 : i32
      %get3A_2095 = arith.index_cast %add3A_2064 : i32 to index
      %get3A_2096 = arith.index_cast %add3A_2094 : i32 to index
      %get3A_2097 = tpu.vector_load %arg4[%get3A_2095, %get3A_2096] {strides = array<i32>} : memref<26x512xi32, #tpu.memory_space<vmem>>, vector<16xi32>,
      %add3A_2098 = arith.constant 0 : i32
      %add3A_2099 = vector.broadcast %add3A_2098 : i32 to vector<16xi32>
      %add3A_2100 = arith.addi %get3A_2097, %add3A_2099 : vector<16xi32>
      %add3A_2101 = arith.constant 32 : i32
      %add3A_2102 = vector.broadcast %add3A_2101 : i32 to vector<16xi32>
      %add3A_2103 = arith.addi %iota3A, %add3A_2102 : vector<16xi32>
      tpu.vector_store_idx %arg7[%add3A_2100, %add3A_2103], %broadcast_in_dim3A_6 : memref<200x128xi32, #tpu.memory_space<vmem>>[vector<16xi32>, vector<16xi32>], vector<16xi32>,
      %mul3A_2104 = arith.constant 128 : i32
      %mul3A_2105 = arith.muli %sub3A_2060, %mul3A_2104 : i32
      %add3A_2106 = arith.constant 48 : i32
      %add3A_2107 = arith.addi %mul3A_2105, %add3A_2106 : i32
      %get3A_2108 = arith.index_cast %add3A_2064 : i32 to index
      %get3A_2109 = arith.index_cast %add3A_2107 : i32 to index
      %get3A_2110 = tpu.vector_load %arg4[%get3A_2108, %get3A_2109] {strides = array<i32>} : memref<26x512xi32, #tpu.memory_space<vmem>>, vector<16xi32>,
      %add3A_2111 = arith.constant 0 : i32
      %add3A_2112 = vector.broadcast %add3A_2111 : i32 to vector<16xi32>
      %add3A_2113 = arith.addi %get3A_2110, %add3A_2112 : vector<16xi32>
      %add3A_2114 = arith.constant 48 : i32
      %add3A_2115 = vector.broadcast %add3A_2114 : i32 to vector<16xi32>
      %add3A_2116 = arith.addi %iota3A, %add3A_2115 : vector<16xi32>
      tpu.vector_store_idx %arg7[%add3A_2113, %add3A_2116], %broadcast_in_dim3A_6 : memref<200x128xi32, #tpu.memory_space<vmem>>[vector<16xi32>, vector<16xi32>], vector<16xi32>,
      %mul3A_2117 = arith.constant 128 : i32
      %mul3A_2118 = arith.muli %sub3A_2060, %mul3A_2117 : i32
      %add3A_2119 = arith.constant 64 : i32
      %add3A_2120 = arith.addi %mul3A_2118, %add3A_2119 : i32
      %get3A_2121 = arith.index_cast %add3A_2064 : i32 to index
      %get3A_2122 = arith.index_cast %add3A_2120 : i32 to index
      %get3A_2123 = tpu.vector_load %arg4[%get3A_2121, %get3A_2122] {strides = array<i32>} : memref<26x512xi32, #tpu.memory_space<vmem>>, vector<16xi32>,
      %add3A_2124 = arith.constant 0 : i32
      %add3A_2125 = vector.broadcast %add3A_2124 : i32 to vector<16xi32>
      %add3A_2126 = arith.addi %get3A_2123, %add3A_2125 : vector<16xi32>
      %add3A_2127 = arith.constant 64 : i32
      %add3A_2128 = vector.broadcast %add3A_2127 : i32 to vector<16xi32>
      %add3A_2129 = arith.addi %iota3A, %add3A_2128 : vector<16xi32>
      tpu.vector_store_idx %arg7[%add3A_2126, %add3A_2129], %broadcast_in_dim3A_6 : memref<200x128xi32, #tpu.memory_space<vmem>>[vector<16xi32>, vector<16xi32>], vector<16xi32>,
      %mul3A_2130 = arith.constant 128 : i32
      %mul3A_2131 = arith.muli %sub3A_2060, %mul3A_2130 : i32
      %add3A_2132 = arith.constant 80 : i32
      %add3A_2133 = arith.addi %mul3A_2131, %add3A_2132 : i32
      %get3A_2134 = arith.index_cast %add3A_2064 : i32 to index
      %get3A_2135 = arith.index_cast %add3A_2133 : i32 to index
      %get3A_2136 = tpu.vector_load %arg4[%get3A_2134, %get3A_2135] {strides = array<i32>} : memref<26x512xi32, #tpu.memory_space<vmem>>, vector<16xi32>,
      %add3A_2137 = arith.constant 0 : i32
      %add3A_2138 = vector.broadcast %add3A_2137 : i32 to vector<16xi32>
      %add3A_2139 = arith.addi %get3A_2136, %add3A_2138 : vector<16xi32>
      %add3A_2140 = arith.constant 80 : i32
      %add3A_2141 = vector.broadcast %add3A_2140 : i32 to vector<16xi32>
      %add3A_2142 = arith.addi %iota3A, %add3A_2141 : vector<16xi32>
      tpu.vector_store_idx %arg7[%add3A_2139, %add3A_2142], %broadcast_in_dim3A_6 : memref<200x128xi32, #tpu.memory_space<vmem>>[vector<16xi32>, vector<16xi32>], vector<16xi32>,
      %mul3A_2143 = arith.constant 128 : i32
      %mul3A_2144 = arith.muli %sub3A_2060, %mul3A_2143 : i32
      %add3A_2145 = arith.constant 96 : i32
      %add3A_2146 = arith.addi %mul3A_2144, %add3A_2145 : i32
      %get3A_2147 = arith.index_cast %add3A_2064 : i32 to index
      %get3A_2148 = arith.index_cast %add3A_2146 : i32 to index
      %get3A_2149 = tpu.vector_load %arg4[%get3A_2147, %get3A_2148] {strides = array<i32>} : memref<26x512xi32, #tpu.memory_space<vmem>>, vector<16xi32>,
      %add3A_2150 = arith.constant 0 : i32
      %add3A_2151 = vector.broadcast %add3A_2150 : i32 to vector<16xi32>
      %add3A_2152 = arith.addi %get3A_2149, %add3A_2151 : vector<16xi32>
      %add3A_2153 = arith.constant 96 : i32
      %add3A_2154 = vector.broadcast %add3A_2153 : i32 to vector<16xi32>
      %add3A_2155 = arith.addi %iota3A, %add3A_2154 : vector<16xi32>
      tpu.vector_store_idx %arg7[%add3A_2152, %add3A_2155], %broadcast_in_dim3A_6 : memref<200x128xi32, #tpu.memory_space<vmem>>[vector<16xi32>, vector<16xi32>], vector<16xi32>,
      %mul3A_2156 = arith.constant 128 : i32
      %mul3A_2157 = arith.muli %sub3A_2060, %mul3A_2156 : i32
      %add3A_2158 = arith.constant 112 : i32
      %add3A_2159 = arith.addi %mul3A_2157, %add3A_2158 : i32
      %get3A_2160 = arith.index_cast %add3A_2064 : i32 to index
      %get3A_2161 = arith.index_cast %add3A_2159 : i32 to index
      %get3A_2162 = tpu.vector_load %arg4[%get3A_2160, %get3A_2161] {strides = array<i32>} : memref<26x512xi32, #tpu.memory_space<vmem>>, vector<16xi32>,
      %add3A_2163 = arith.constant 0 : i32
      %add3A_2164 = vector.broadcast %add3A_2163 : i32 to vector<16xi32>
      %add3A_2165 = arith.addi %get3A_2162, %add3A_2164 : vector<16xi32>
      %add3A_2166 = arith.constant 112 : i32
      %add3A_2167 = vector.broadcast %add3A_2166 : i32 to vector<16xi32>
      %add3A_2168 = arith.addi %iota3A, %add3A_2167 : vector<16xi32>
      tpu.vector_store_idx %arg7[%add3A_2165, %add3A_2168], %broadcast_in_dim3A_6 : memref<200x128xi32, #tpu.memory_space<vmem>>[vector<16xi32>, vector<16xi32>], vector<16xi32>,
      %mul3A_2169 = arith.constant 2 : i32
      %mul3A_2170 = arith.muli %mul3A_2169, %select_n3A_2057 : i32
      %add3A_2171 = arith.constant 1 : i32
      %add3A_2172 = arith.addi %mul3A_2170, %add3A_2171 : i32
      %mul3A_2173 = arith.constant 128 : i32
      %mul3A_2174 = arith.muli %sub3A_2060, %mul3A_2173 : i32
      %add3A_2175 = arith.constant 0 : i32
      %add3A_2176 = arith.addi %mul3A_2174, %add3A_2175 : i32
      %get3A_2177 = arith.index_cast %add3A_2172 : i32 to index
      %get3A_2178 = arith.index_cast %add3A_2176 : i32 to index
      %get3A_2179 = tpu.vector_load %arg4[%get3A_2177, %get3A_2178] {strides = array<i32>} : memref<26x512xi32, #tpu.memory_space<vmem>>, vector<16xi32>,
      %add3A_2180 = arith.constant 100 : i32
      %add3A_2181 = vector.broadcast %add3A_2180 : i32 to vector<16xi32>
      %add3A_2182 = arith.addi %get3A_2179, %add3A_2181 : vector<16xi32>
      %add3A_2183 = arith.constant 0 : i32
      %add3A_2184 = vector.broadcast %add3A_2183 : i32 to vector<16xi32>
      %add3A_2185 = arith.addi %iota3A, %add3A_2184 : vector<16xi32>
      tpu.vector_store_idx %arg7[%add3A_2182, %add3A_2185], %broadcast_in_dim3A_6 : memref<200x128xi32, #tpu.memory_space<vmem>>[vector<16xi32>, vector<16xi32>], vector<16xi32>,
      %mul3A_2186 = arith.constant 128 : i32
      %mul3A_2187 = arith.muli %sub3A_2060, %mul3A_2186 : i32
      %add3A_2188 = arith.constant 16 : i32
      %add3A_2189 = arith.addi %mul3A_2187, %add3A_2188 : i32
      %get3A_2190 = arith.index_cast %add3A_2172 : i32 to index
      %get3A_2191 = arith.index_cast %add3A_2189 : i32 to index
      %get3A_2192 = tpu.vector_load %arg4[%get3A_2190, %get3A_2191] {strides = array<i32>} : memref<26x512xi32, #tpu.memory_space<vmem>>, vector<16xi32>,
      %add3A_2193 = arith.constant 100 : i32
      %add3A_2194 = vector.broadcast %add3A_2193 : i32 to vector<16xi32>
      %add3A_2195 = arith.addi %get3A_2192, %add3A_2194 : vector<16xi32>
      %add3A_2196 = arith.constant 16 : i32
      %add3A_2197 = vector.broadcast %add3A_2196 : i32 to vector<16xi32>
      %add3A_2198 = arith.addi %iota3A, %add3A_2197 : vector<16xi32>
      tpu.vector_store_idx %arg7[%add3A_2195, %add3A_2198], %broadcast_in_dim3A_6 : memref<200x128xi32, #tpu.memory_space<vmem>>[vector<16xi32>, vector<16xi32>], vector<16xi32>,
      %mul3A_2199 = arith.constant 128 : i32
      %mul3A_2200 = arith.muli %sub3A_2060, %mul3A_2199 : i32
      %add3A_2201 = arith.constant 32 : i32
      %add3A_2202 = arith.addi %mul3A_2200, %add3A_2201 : i32
      %get3A_2203 = arith.index_cast %add3A_2172 : i32 to index
      %get3A_2204 = arith.index_cast %add3A_2202 : i32 to index
      %get3A_2205 = tpu.vector_load %arg4[%get3A_2203, %get3A_2204] {strides = array<i32>} : memref<26x512xi32, #tpu.memory_space<vmem>>, vector<16xi32>,
      %add3A_2206 = arith.constant 100 : i32
      %add3A_2207 = vector.broadcast %add3A_2206 : i32 to vector<16xi32>
      %add3A_2208 = arith.addi %get3A_2205, %add3A_2207 : vector<16xi32>
      %add3A_2209 = arith.constant 32 : i32
      %add3A_2210 = vector.broadcast %add3A_2209 : i32 to vector<16xi32>
      %add3A_2211 = arith.addi %iota3A, %add3A_2210 : vector<16xi32>
      tpu.vector_store_idx %arg7[%add3A_2208, %add3A_2211], %broadcast_in_dim3A_6 : memref<200x128xi32, #tpu.memory_space<vmem>>[vector<16xi32>, vector<16xi32>], vector<16xi32>,
      %mul3A_2212 = arith.constant 128 : i32
      %mul3A_2213 = arith.muli %sub3A_2060, %mul3A_2212 : i32
      %add3A_2214 = arith.constant 48 : i32
      %add3A_2215 = arith.addi %mul3A_2213, %add3A_2214 : i32
      %get3A_2216 = arith.index_cast %add3A_2172 : i32 to index
      %get3A_2217 = arith.index_cast %add3A_2215 : i32 to index
      %get3A_2218 = tpu.vector_load %arg4[%get3A_2216, %get3A_2217] {strides = array<i32>} : memref<26x512xi32, #tpu.memory_space<vmem>>, vector<16xi32>,
      %add3A_2219 = arith.constant 100 : i32
      %add3A_2220 = vector.broadcast %add3A_2219 : i32 to vector<16xi32>
      %add3A_2221 = arith.addi %get3A_2218, %add3A_2220 : vector<16xi32>
      %add3A_2222 = arith.constant 48 : i32
      %add3A_2223 = vector.broadcast %add3A_2222 : i32 to vector<16xi32>
      %add3A_2224 = arith.addi %iota3A, %add3A_2223 : vector<16xi32>
      tpu.vector_store_idx %arg7[%add3A_2221, %add3A_2224], %broadcast_in_dim3A_6 : memref<200x128xi32, #tpu.memory_space<vmem>>[vector<16xi32>, vector<16xi32>], vector<16xi32>,
      %mul3A_2225 = arith.constant 128 : i32
      %mul3A_2226 = arith.muli %sub3A_2060, %mul3A_2225 : i32
      %add3A_2227 = arith.constant 64 : i32
      %add3A_2228 = arith.addi %mul3A_2226, %add3A_2227 : i32
      %get3A_2229 = arith.index_cast %add3A_2172 : i32 to index
      %get3A_2230 = arith.index_cast %add3A_2228 : i32 to index
      %get3A_2231 = tpu.vector_load %arg4[%get3A_2229, %get3A_2230] {strides = array<i32>} : memref<26x512xi32, #tpu.memory_space<vmem>>, vector<16xi32>,
      %add3A_2232 = arith.constant 100 : i32
      %add3A_2233 = vector.broadcast %add3A_2232 : i32 to vector<16xi32>
      %add3A_2234 = arith.addi %get3A_2231, %add3A_2233 : vector<16xi32>
      %add3A_2235 = arith.constant 64 : i32
      %add3A_2236 = vector.broadcast %add3A_2235 : i32 to vector<16xi32>
      %add3A_2237 = arith.addi %iota3A, %add3A_2236 : vector<16xi32>
      tpu.vector_store_idx %arg7[%add3A_2234, %add3A_2237], %broadcast_in_dim3A_6 : memref<200x128xi32, #tpu.memory_space<vmem>>[vector<16xi32>, vector<16xi32>], vector<16xi32>,
      %mul3A_2238 = arith.constant 128 : i32
      %mul3A_2239 = arith.muli %sub3A_2060, %mul3A_2238 : i32
      %add3A_2240 = arith.constant 80 : i32
      %add3A_2241 = arith.addi %mul3A_2239, %add3A_2240 : i32
      %get3A_2242 = arith.index_cast %add3A_2172 : i32 to index
      %get3A_2243 = arith.index_cast %add3A_2241 : i32 to index
      %get3A_2244 = tpu.vector_load %arg4[%get3A_2242, %get3A_2243] {strides = array<i32>} : memref<26x512xi32, #tpu.memory_space<vmem>>, vector<16xi32>,
      %add3A_2245 = arith.constant 100 : i32
      %add3A_2246 = vector.broadcast %add3A_2245 : i32 to vector<16xi32>
      %add3A_2247 = arith.addi %get3A_2244, %add3A_2246 : vector<16xi32>
      %add3A_2248 = arith.constant 80 : i32
      %add3A_2249 = vector.broadcast %add3A_2248 : i32 to vector<16xi32>
      %add3A_2250 = arith.addi %iota3A, %add3A_2249 : vector<16xi32>
      tpu.vector_store_idx %arg7[%add3A_2247, %add3A_2250], %broadcast_in_dim3A_6 : memref<200x128xi32, #tpu.memory_space<vmem>>[vector<16xi32>, vector<16xi32>], vector<16xi32>,
      %mul3A_2251 = arith.constant 128 : i32
      %mul3A_2252 = arith.muli %sub3A_2060, %mul3A_2251 : i32
      %add3A_2253 = arith.constant 96 : i32
      %add3A_2254 = arith.addi %mul3A_2252, %add3A_2253 : i32
      %get3A_2255 = arith.index_cast %add3A_2172 : i32 to index
      %get3A_2256 = arith.index_cast %add3A_2254 : i32 to index
      %get3A_2257 = tpu.vector_load %arg4[%get3A_2255, %get3A_2256] {strides = array<i32>} : memref<26x512xi32, #tpu.memory_space<vmem>>, vector<16xi32>,
      %add3A_2258 = arith.constant 100 : i32
      %add3A_2259 = vector.broadcast %add3A_2258 : i32 to vector<16xi32>
      %add3A_2260 = arith.addi %get3A_2257, %add3A_2259 : vector<16xi32>
      %add3A_2261 = arith.constant 96 : i32
      %add3A_2262 = vector.broadcast %add3A_2261 : i32 to vector<16xi32>
      %add3A_2263 = arith.addi %iota3A, %add3A_2262 : vector<16xi32>
      tpu.vector_store_idx %arg7[%add3A_2260, %add3A_2263], %broadcast_in_dim3A_6 : memref<200x128xi32, #tpu.memory_space<vmem>>[vector<16xi32>, vector<16xi32>], vector<16xi32>,
      %mul3A_2264 = arith.constant 128 : i32
      %mul3A_2265 = arith.muli %sub3A_2060, %mul3A_2264 : i32
      %add3A_2266 = arith.constant 112 : i32
      %add3A_2267 = arith.addi %mul3A_2265, %add3A_2266 : i32
      %get3A_2268 = arith.index_cast %add3A_2172 : i32 to index
      %get3A_2269 = arith.index_cast %add3A_2267 : i32 to index
      %get3A_2270 = tpu.vector_load %arg4[%get3A_2268, %get3A_2269] {strides = array<i32>} : memref<26x512xi32, #tpu.memory_space<vmem>>, vector<16xi32>,
      %add3A_2271 = arith.constant 100 : i32
      %add3A_2272 = vector.broadcast %add3A_2271 : i32 to vector<16xi32>
      %add3A_2273 = arith.addi %get3A_2270, %add3A_2272 : vector<16xi32>
      %add3A_2274 = arith.constant 112 : i32
      %add3A_2275 = vector.broadcast %add3A_2274 : i32 to vector<16xi32>
      %add3A_2276 = arith.addi %iota3A, %add3A_2275 : vector<16xi32>
      tpu.vector_store_idx %arg7[%add3A_2273, %add3A_2276], %broadcast_in_dim3A_6 : memref<200x128xi32, #tpu.memory_space<vmem>>[vector<16xi32>, vector<16xi32>], vector<16xi32>,
      %jit3A_2277 = arith.constant 4 : i32
      %div3A_2278 = arith.divsi %add3A_1784, %jit3A_2277 : i32
      %sign3A_2279 = arith.constant 0 : i32
      %sign3A_2280 = arith.cmpi sgt, %add3A_1784, %sign3A_2279 : i32
      %sign3A_2281 = arith.extui %sign3A_2280 : i1 to i32
      %sign3A_2282 = arith.constant 0 : i32
      %sign3A_2283 = arith.cmpi slt, %add3A_1784, %sign3A_2282 : i32
      %sign3A_2284 = arith.extui %sign3A_2283 : i1 to i32
      %sign3A_2285 = arith.subi %sign3A_2281, %sign3A_2284 : i32
      %sign3A_2286 = arith.constant 0 : i32
      %sign3A_2287 = arith.cmpi sgt, %jit3A_2277, %sign3A_2286 : i32
      %sign3A_2288 = arith.extui %sign3A_2287 : i1 to i32
      %sign3A_2289 = arith.constant 0 : i32
      %sign3A_2290 = arith.cmpi slt, %jit3A_2277, %sign3A_2289 : i32
      %sign3A_2291 = arith.extui %sign3A_2290 : i1 to i32
      %sign3A_2292 = arith.subi %sign3A_2288, %sign3A_2291 : i32
      %ne3A_2293 = arith.cmpi ne, %sign3A_2285, %sign3A_2292 : i32
      %rem3A_2294 = arith.remsi %add3A_1784, %jit3A_2277 : i32
      %ne3A_2295 = arith.constant 0 : i32
      %ne3A_2296 = arith.cmpi ne, %rem3A_2294, %ne3A_2295 : i32
      %and3A_2297 = arith.andi %ne3A_2293, %ne3A_2296 : i1
      %sub3A_2298 = arith.constant 1 : i32
      %sub3A_2299 = arith.subi %div3A_2278, %sub3A_2298 : i32
      %select_n3A_2300 = arith.select %and3A_2297, %sub3A_2299, %div3A_2278 : i32
      %mul3A_2301 = arith.constant 4 : i32
      %mul3A_2302 = arith.muli %select_n3A_2300, %mul3A_2301 : i32
      %sub3A_2303 = arith.subi %add3A_1784, %mul3A_2302 : i32
      %mul3A_2304 = arith.constant 200 : i32
      %mul3A_2305 = arith.muli %select_n3A_2300, %mul3A_2304 : i32
      %mul3A_2306 = arith.constant 128 : i32
      %mul3A_2307 = arith.muli %sub3A_2303, %mul3A_2306 : i32
      %add3A_2308 = arith.addi %mul3A_2, %mul3A_2307 : i32
      %dma_start3A_2309 = tpu.memref_slice %arg3[%mul3A_2305, %add3A_2308] : memref<2600x16384xi32, #tpu.memory_space<hbm>> -> memref<200x128xi32, #tpu.memory_space<hbm>>
      %dma_start3A_2310 = tpu.memref_slice %arg3[%mul3A_2305, %add3A_2308] : memref<2600x16384xi32, #tpu.memory_space<hbm>> -> memref<200x128xi32, #tpu.memory_space<hbm>>
      tpu.enqueue_dma source(%arg7 : memref<200x128xi32, #tpu.memory_space<vmem>>) target(%dma_start3A_2310 : memref<200x128xi32, #tpu.memory_space<hbm>>) target_semaphore(%arg11 : memref<!tpu.dma_semaphore, #tpu.memory_space<semaphore_mem>>)
      %mul3A_2311 = arith.constant 4 : i32
      %mul3A_2312 = arith.muli %scan3A_722, %mul3A_2311 : i32
      %add3A_2313 = arith.constant 4 : i32
      %add3A_2314 = arith.addi %mul3A_2312, %add3A_2313 : i32
      %add3A_2315 = arith.constant 3 : i32
      %add3A_2316 = arith.addi %add3A_2314, %add3A_2315 : i32
      %dma_wait3A_2317 = arith.constant 0 : i32
      %dma_wait3A_2318 = tpu.memref_slice %arg3[%dma_wait3A_2317, %mul3A_2] : memref<2600x16384xi32, #tpu.memory_space<hbm>> -> memref<200x128xi32, #tpu.memory_space<hbm>>
      %dma_wait3A_2319 = arith.constant 0 : i32
      %dma_wait3A_2320 = tpu.memref_slice %arg3[%dma_wait3A_2319, %mul3A_2] : memref<2600x16384xi32, #tpu.memory_space<hbm>> -> memref<200x128xi32, #tpu.memory_space<hbm>>
      tpu.wait_dma2 semaphore(%arg12 : memref<!tpu.dma_semaphore, #tpu.memory_space<semaphore_mem>>) src(%arg8 : memref<200x128xi32, #tpu.memory_space<vmem>>) dst(%dma_wait3A_2320 : memref<200x128xi32, #tpu.memory_space<hbm>>)
      %sub3A_2321 = arith.constant 4 : i32
      %sub3A_2322 = arith.subi %add3A_2316, %sub3A_2321 : i32
      %jit3A_2323 = arith.constant 4 : i32
      %div3A_2324 = arith.divsi %sub3A_2322, %jit3A_2323 : i32
      %sign3A_2325 = arith.constant 0 : i32
      %sign3A_2326 = arith.cmpi sgt, %sub3A_2322, %sign3A_2325 : i32
      %sign3A_2327 = arith.extui %sign3A_2326 : i1 to i32
      %sign3A_2328 = arith.constant 0 : i32
      %sign3A_2329 = arith.cmpi slt, %sub3A_2322, %sign3A_2328 : i32
      %sign3A_2330 = arith.extui %sign3A_2329 : i1 to i32
      %sign3A_2331 = arith.subi %sign3A_2327, %sign3A_2330 : i32
      %sign3A_2332 = arith.constant 0 : i32
      %sign3A_2333 = arith.cmpi sgt, %jit3A_2323, %sign3A_2332 : i32
      %sign3A_2334 = arith.extui %sign3A_2333 : i1 to i32
      %sign3A_2335 = arith.constant 0 : i32
      %sign3A_2336 = arith.cmpi slt, %jit3A_2323, %sign3A_2335 : i32
      %sign3A_2337 = arith.extui %sign3A_2336 : i1 to i32
      %sign3A_2338 = arith.subi %sign3A_2334, %sign3A_2337 : i32
      %ne3A_2339 = arith.cmpi ne, %sign3A_2331, %sign3A_2338 : i32
      %rem3A_2340 = arith.remsi %sub3A_2322, %jit3A_2323 : i32
      %ne3A_2341 = arith.constant 0 : i32
      %ne3A_2342 = arith.cmpi ne, %rem3A_2340, %ne3A_2341 : i32
      %and3A_2343 = arith.andi %ne3A_2339, %ne3A_2342 : i1
      %sub3A_2344 = arith.constant 1 : i32
      %sub3A_2345 = arith.subi %div3A_2324, %sub3A_2344 : i32
      %select_n3A_2346 = arith.select %and3A_2343, %sub3A_2345, %div3A_2324 : i32
      %mul3A_2347 = arith.constant 4 : i32
      %mul3A_2348 = arith.muli %select_n3A_2346, %mul3A_2347 : i32
      %sub3A_2349 = arith.subi %sub3A_2322, %mul3A_2348 : i32
      %mul3A_2350 = arith.constant 2 : i32
      %mul3A_2351 = arith.muli %mul3A_2350, %select_n3A_2346 : i32
      %add3A_2352 = arith.constant 0 : i32
      %add3A_2353 = arith.addi %mul3A_2351, %add3A_2352 : i32
      %mul3A_2354 = arith.constant 128 : i32
      %mul3A_2355 = arith.muli %sub3A_2349, %mul3A_2354 : i32
      %add3A_2356 = arith.constant 0 : i32
      %add3A_2357 = arith.addi %mul3A_2355, %add3A_2356 : i32
      %get3A_2358 = arith.index_cast %add3A_2353 : i32 to index
      %get3A_2359 = arith.index_cast %add3A_2357 : i32 to index
      %get3A_2360 = tpu.vector_load %arg4[%get3A_2358, %get3A_2359] {strides = array<i32>} : memref<26x512xi32, #tpu.memory_space<vmem>>, vector<16xi32>,
      %add3A_2361 = arith.constant 0 : i32
      %add3A_2362 = vector.broadcast %add3A_2361 : i32 to vector<16xi32>
      %add3A_2363 = arith.addi %get3A_2360, %add3A_2362 : vector<16xi32>
      %add3A_2364 = arith.constant 0 : i32
      %add3A_2365 = vector.broadcast %add3A_2364 : i32 to vector<16xi32>
      %add3A_2366 = arith.addi %iota3A, %add3A_2365 : vector<16xi32>
      tpu.vector_store_idx %arg8[%add3A_2363, %add3A_2366], %broadcast_in_dim3A_8 : memref<200x128xi32, #tpu.memory_space<vmem>>[vector<16xi32>, vector<16xi32>], vector<16xi32>,
      %mul3A_2367 = arith.constant 128 : i32
      %mul3A_2368 = arith.muli %sub3A_2349, %mul3A_2367 : i32
      %add3A_2369 = arith.constant 16 : i32
      %add3A_2370 = arith.addi %mul3A_2368, %add3A_2369 : i32
      %get3A_2371 = arith.index_cast %add3A_2353 : i32 to index
      %get3A_2372 = arith.index_cast %add3A_2370 : i32 to index
      %get3A_2373 = tpu.vector_load %arg4[%get3A_2371, %get3A_2372] {strides = array<i32>} : memref<26x512xi32, #tpu.memory_space<vmem>>, vector<16xi32>,
      %add3A_2374 = arith.constant 0 : i32
      %add3A_2375 = vector.broadcast %add3A_2374 : i32 to vector<16xi32>
      %add3A_2376 = arith.addi %get3A_2373, %add3A_2375 : vector<16xi32>
      %add3A_2377 = arith.constant 16 : i32
      %add3A_2378 = vector.broadcast %add3A_2377 : i32 to vector<16xi32>
      %add3A_2379 = arith.addi %iota3A, %add3A_2378 : vector<16xi32>
      tpu.vector_store_idx %arg8[%add3A_2376, %add3A_2379], %broadcast_in_dim3A_8 : memref<200x128xi32, #tpu.memory_space<vmem>>[vector<16xi32>, vector<16xi32>], vector<16xi32>,
      %mul3A_2380 = arith.constant 128 : i32
      %mul3A_2381 = arith.muli %sub3A_2349, %mul3A_2380 : i32
      %add3A_2382 = arith.constant 32 : i32
      %add3A_2383 = arith.addi %mul3A_2381, %add3A_2382 : i32
      %get3A_2384 = arith.index_cast %add3A_2353 : i32 to index
      %get3A_2385 = arith.index_cast %add3A_2383 : i32 to index
      %get3A_2386 = tpu.vector_load %arg4[%get3A_2384, %get3A_2385] {strides = array<i32>} : memref<26x512xi32, #tpu.memory_space<vmem>>, vector<16xi32>,
      %add3A_2387 = arith.constant 0 : i32
      %add3A_2388 = vector.broadcast %add3A_2387 : i32 to vector<16xi32>
      %add3A_2389 = arith.addi %get3A_2386, %add3A_2388 : vector<16xi32>
      %add3A_2390 = arith.constant 32 : i32
      %add3A_2391 = vector.broadcast %add3A_2390 : i32 to vector<16xi32>
      %add3A_2392 = arith.addi %iota3A, %add3A_2391 : vector<16xi32>
      tpu.vector_store_idx %arg8[%add3A_2389, %add3A_2392], %broadcast_in_dim3A_8 : memref<200x128xi32, #tpu.memory_space<vmem>>[vector<16xi32>, vector<16xi32>], vector<16xi32>,
      %mul3A_2393 = arith.constant 128 : i32
      %mul3A_2394 = arith.muli %sub3A_2349, %mul3A_2393 : i32
      %add3A_2395 = arith.constant 48 : i32
      %add3A_2396 = arith.addi %mul3A_2394, %add3A_2395 : i32
      %get3A_2397 = arith.index_cast %add3A_2353 : i32 to index
      %get3A_2398 = arith.index_cast %add3A_2396 : i32 to index
      %get3A_2399 = tpu.vector_load %arg4[%get3A_2397, %get3A_2398] {strides = array<i32>} : memref<26x512xi32, #tpu.memory_space<vmem>>, vector<16xi32>,
      %add3A_2400 = arith.constant 0 : i32
      %add3A_2401 = vector.broadcast %add3A_2400 : i32 to vector<16xi32>
      %add3A_2402 = arith.addi %get3A_2399, %add3A_2401 : vector<16xi32>
      %add3A_2403 = arith.constant 48 : i32
      %add3A_2404 = vector.broadcast %add3A_2403 : i32 to vector<16xi32>
      %add3A_2405 = arith.addi %iota3A, %add3A_2404 : vector<16xi32>
      tpu.vector_store_idx %arg8[%add3A_2402, %add3A_2405], %broadcast_in_dim3A_8 : memref<200x128xi32, #tpu.memory_space<vmem>>[vector<16xi32>, vector<16xi32>], vector<16xi32>,
      %mul3A_2406 = arith.constant 128 : i32
      %mul3A_2407 = arith.muli %sub3A_2349, %mul3A_2406 : i32
      %add3A_2408 = arith.constant 64 : i32
      %add3A_2409 = arith.addi %mul3A_2407, %add3A_2408 : i32
      %get3A_2410 = arith.index_cast %add3A_2353 : i32 to index
      %get3A_2411 = arith.index_cast %add3A_2409 : i32 to index
      %get3A_2412 = tpu.vector_load %arg4[%get3A_2410, %get3A_2411] {strides = array<i32>} : memref<26x512xi32, #tpu.memory_space<vmem>>, vector<16xi32>,
      %add3A_2413 = arith.constant 0 : i32
      %add3A_2414 = vector.broadcast %add3A_2413 : i32 to vector<16xi32>
      %add3A_2415 = arith.addi %get3A_2412, %add3A_2414 : vector<16xi32>
      %add3A_2416 = arith.constant 64 : i32
      %add3A_2417 = vector.broadcast %add3A_2416 : i32 to vector<16xi32>
      %add3A_2418 = arith.addi %iota3A, %add3A_2417 : vector<16xi32>
      tpu.vector_store_idx %arg8[%add3A_2415, %add3A_2418], %broadcast_in_dim3A_8 : memref<200x128xi32, #tpu.memory_space<vmem>>[vector<16xi32>, vector<16xi32>], vector<16xi32>,
      %mul3A_2419 = arith.constant 128 : i32
      %mul3A_2420 = arith.muli %sub3A_2349, %mul3A_2419 : i32
      %add3A_2421 = arith.constant 80 : i32
      %add3A_2422 = arith.addi %mul3A_2420, %add3A_2421 : i32
      %get3A_2423 = arith.index_cast %add3A_2353 : i32 to index
      %get3A_2424 = arith.index_cast %add3A_2422 : i32 to index
      %get3A_2425 = tpu.vector_load %arg4[%get3A_2423, %get3A_2424] {strides = array<i32>} : memref<26x512xi32, #tpu.memory_space<vmem>>, vector<16xi32>,
      %add3A_2426 = arith.constant 0 : i32
      %add3A_2427 = vector.broadcast %add3A_2426 : i32 to vector<16xi32>
      %add3A_2428 = arith.addi %get3A_2425, %add3A_2427 : vector<16xi32>
      %add3A_2429 = arith.constant 80 : i32
      %add3A_2430 = vector.broadcast %add3A_2429 : i32 to vector<16xi32>
      %add3A_2431 = arith.addi %iota3A, %add3A_2430 : vector<16xi32>
      tpu.vector_store_idx %arg8[%add3A_2428, %add3A_2431], %broadcast_in_dim3A_8 : memref<200x128xi32, #tpu.memory_space<vmem>>[vector<16xi32>, vector<16xi32>], vector<16xi32>,
      %mul3A_2432 = arith.constant 128 : i32
      %mul3A_2433 = arith.muli %sub3A_2349, %mul3A_2432 : i32
      %add3A_2434 = arith.constant 96 : i32
      %add3A_2435 = arith.addi %mul3A_2433, %add3A_2434 : i32
      %get3A_2436 = arith.index_cast %add3A_2353 : i32 to index
      %get3A_2437 = arith.index_cast %add3A_2435 : i32 to index
      %get3A_2438 = tpu.vector_load %arg4[%get3A_2436, %get3A_2437] {strides = array<i32>} : memref<26x512xi32, #tpu.memory_space<vmem>>, vector<16xi32>,
      %add3A_2439 = arith.constant 0 : i32
      %add3A_2440 = vector.broadcast %add3A_2439 : i32 to vector<16xi32>
      %add3A_2441 = arith.addi %get3A_2438, %add3A_2440 : vector<16xi32>
      %add3A_2442 = arith.constant 96 : i32
      %add3A_2443 = vector.broadcast %add3A_2442 : i32 to vector<16xi32>
      %add3A_2444 = arith.addi %iota3A, %add3A_2443 : vector<16xi32>
      tpu.vector_store_idx %arg8[%add3A_2441, %add3A_2444], %broadcast_in_dim3A_8 : memref<200x128xi32, #tpu.memory_space<vmem>>[vector<16xi32>, vector<16xi32>], vector<16xi32>,
      %mul3A_2445 = arith.constant 128 : i32
      %mul3A_2446 = arith.muli %sub3A_2349, %mul3A_2445 : i32
      %add3A_2447 = arith.constant 112 : i32
      %add3A_2448 = arith.addi %mul3A_2446, %add3A_2447 : i32
      %get3A_2449 = arith.index_cast %add3A_2353 : i32 to index
      %get3A_2450 = arith.index_cast %add3A_2448 : i32 to index
      %get3A_2451 = tpu.vector_load %arg4[%get3A_2449, %get3A_2450] {strides = array<i32>} : memref<26x512xi32, #tpu.memory_space<vmem>>, vector<16xi32>,
      %add3A_2452 = arith.constant 0 : i32
      %add3A_2453 = vector.broadcast %add3A_2452 : i32 to vector<16xi32>
      %add3A_2454 = arith.addi %get3A_2451, %add3A_2453 : vector<16xi32>
      %add3A_2455 = arith.constant 112 : i32
      %add3A_2456 = vector.broadcast %add3A_2455 : i32 to vector<16xi32>
      %add3A_2457 = arith.addi %iota3A, %add3A_2456 : vector<16xi32>
      tpu.vector_store_idx %arg8[%add3A_2454, %add3A_2457], %broadcast_in_dim3A_8 : memref<200x128xi32, #tpu.memory_space<vmem>>[vector<16xi32>, vector<16xi32>], vector<16xi32>,
      %mul3A_2458 = arith.constant 2 : i32
      %mul3A_2459 = arith.muli %mul3A_2458, %select_n3A_2346 : i32
      %add3A_2460 = arith.constant 1 : i32
      %add3A_2461 = arith.addi %mul3A_2459, %add3A_2460 : i32
      %mul3A_2462 = arith.constant 128 : i32
      %mul3A_2463 = arith.muli %sub3A_2349, %mul3A_2462 : i32
      %add3A_2464 = arith.constant 0 : i32
      %add3A_2465 = arith.addi %mul3A_2463, %add3A_2464 : i32
      %get3A_2466 = arith.index_cast %add3A_2461 : i32 to index
      %get3A_2467 = arith.index_cast %add3A_2465 : i32 to index
      %get3A_2468 = tpu.vector_load %arg4[%get3A_2466, %get3A_2467] {strides = array<i32>} : memref<26x512xi32, #tpu.memory_space<vmem>>, vector<16xi32>,
      %add3A_2469 = arith.constant 100 : i32
      %add3A_2470 = vector.broadcast %add3A_2469 : i32 to vector<16xi32>
      %add3A_2471 = arith.addi %get3A_2468, %add3A_2470 : vector<16xi32>
      %add3A_2472 = arith.constant 0 : i32
      %add3A_2473 = vector.broadcast %add3A_2472 : i32 to vector<16xi32>
      %add3A_2474 = arith.addi %iota3A, %add3A_2473 : vector<16xi32>
      tpu.vector_store_idx %arg8[%add3A_2471, %add3A_2474], %broadcast_in_dim3A_8 : memref<200x128xi32, #tpu.memory_space<vmem>>[vector<16xi32>, vector<16xi32>], vector<16xi32>,
      %mul3A_2475 = arith.constant 128 : i32
      %mul3A_2476 = arith.muli %sub3A_2349, %mul3A_2475 : i32
      %add3A_2477 = arith.constant 16 : i32
      %add3A_2478 = arith.addi %mul3A_2476, %add3A_2477 : i32
      %get3A_2479 = arith.index_cast %add3A_2461 : i32 to index
      %get3A_2480 = arith.index_cast %add3A_2478 : i32 to index
      %get3A_2481 = tpu.vector_load %arg4[%get3A_2479, %get3A_2480] {strides = array<i32>} : memref<26x512xi32, #tpu.memory_space<vmem>>, vector<16xi32>,
      %add3A_2482 = arith.constant 100 : i32
      %add3A_2483 = vector.broadcast %add3A_2482 : i32 to vector<16xi32>
      %add3A_2484 = arith.addi %get3A_2481, %add3A_2483 : vector<16xi32>
      %add3A_2485 = arith.constant 16 : i32
      %add3A_2486 = vector.broadcast %add3A_2485 : i32 to vector<16xi32>
      %add3A_2487 = arith.addi %iota3A, %add3A_2486 : vector<16xi32>
      tpu.vector_store_idx %arg8[%add3A_2484, %add3A_2487], %broadcast_in_dim3A_8 : memref<200x128xi32, #tpu.memory_space<vmem>>[vector<16xi32>, vector<16xi32>], vector<16xi32>,
      %mul3A_2488 = arith.constant 128 : i32
      %mul3A_2489 = arith.muli %sub3A_2349, %mul3A_2488 : i32
      %add3A_2490 = arith.constant 32 : i32
      %add3A_2491 = arith.addi %mul3A_2489, %add3A_2490 : i32
      %get3A_2492 = arith.index_cast %add3A_2461 : i32 to index
      %get3A_2493 = arith.index_cast %add3A_2491 : i32 to index
      %get3A_2494 = tpu.vector_load %arg4[%get3A_2492, %get3A_2493] {strides = array<i32>} : memref<26x512xi32, #tpu.memory_space<vmem>>, vector<16xi32>,
      %add3A_2495 = arith.constant 100 : i32
      %add3A_2496 = vector.broadcast %add3A_2495 : i32 to vector<16xi32>
      %add3A_2497 = arith.addi %get3A_2494, %add3A_2496 : vector<16xi32>
      %add3A_2498 = arith.constant 32 : i32
      %add3A_2499 = vector.broadcast %add3A_2498 : i32 to vector<16xi32>
      %add3A_2500 = arith.addi %iota3A, %add3A_2499 : vector<16xi32>
      tpu.vector_store_idx %arg8[%add3A_2497, %add3A_2500], %broadcast_in_dim3A_8 : memref<200x128xi32, #tpu.memory_space<vmem>>[vector<16xi32>, vector<16xi32>], vector<16xi32>,
      %mul3A_2501 = arith.constant 128 : i32
      %mul3A_2502 = arith.muli %sub3A_2349, %mul3A_2501 : i32
      %add3A_2503 = arith.constant 48 : i32
      %add3A_2504 = arith.addi %mul3A_2502, %add3A_2503 : i32
      %get3A_2505 = arith.index_cast %add3A_2461 : i32 to index
      %get3A_2506 = arith.index_cast %add3A_2504 : i32 to index
      %get3A_2507 = tpu.vector_load %arg4[%get3A_2505, %get3A_2506] {strides = array<i32>} : memref<26x512xi32, #tpu.memory_space<vmem>>, vector<16xi32>,
      %add3A_2508 = arith.constant 100 : i32
      %add3A_2509 = vector.broadcast %add3A_2508 : i32 to vector<16xi32>
      %add3A_2510 = arith.addi %get3A_2507, %add3A_2509 : vector<16xi32>
      %add3A_2511 = arith.constant 48 : i32
      %add3A_2512 = vector.broadcast %add3A_2511 : i32 to vector<16xi32>
      %add3A_2513 = arith.addi %iota3A, %add3A_2512 : vector<16xi32>
      tpu.vector_store_idx %arg8[%add3A_2510, %add3A_2513], %broadcast_in_dim3A_8 : memref<200x128xi32, #tpu.memory_space<vmem>>[vector<16xi32>, vector<16xi32>], vector<16xi32>,
      %mul3A_2514 = arith.constant 128 : i32
      %mul3A_2515 = arith.muli %sub3A_2349, %mul3A_2514 : i32
      %add3A_2516 = arith.constant 64 : i32
      %add3A_2517 = arith.addi %mul3A_2515, %add3A_2516 : i32
      %get3A_2518 = arith.index_cast %add3A_2461 : i32 to index
      %get3A_2519 = arith.index_cast %add3A_2517 : i32 to index
      %get3A_2520 = tpu.vector_load %arg4[%get3A_2518, %get3A_2519] {strides = array<i32>} : memref<26x512xi32, #tpu.memory_space<vmem>>, vector<16xi32>,
      %add3A_2521 = arith.constant 100 : i32
      %add3A_2522 = vector.broadcast %add3A_2521 : i32 to vector<16xi32>
      %add3A_2523 = arith.addi %get3A_2520, %add3A_2522 : vector<16xi32>
      %add3A_2524 = arith.constant 64 : i32
      %add3A_2525 = vector.broadcast %add3A_2524 : i32 to vector<16xi32>
      %add3A_2526 = arith.addi %iota3A, %add3A_2525 : vector<16xi32>
      tpu.vector_store_idx %arg8[%add3A_2523, %add3A_2526], %broadcast_in_dim3A_8 : memref<200x128xi32, #tpu.memory_space<vmem>>[vector<16xi32>, vector<16xi32>], vector<16xi32>,
      %mul3A_2527 = arith.constant 128 : i32
      %mul3A_2528 = arith.muli %sub3A_2349, %mul3A_2527 : i32
      %add3A_2529 = arith.constant 80 : i32
      %add3A_2530 = arith.addi %mul3A_2528, %add3A_2529 : i32
      %get3A_2531 = arith.index_cast %add3A_2461 : i32 to index
      %get3A_2532 = arith.index_cast %add3A_2530 : i32 to index
      %get3A_2533 = tpu.vector_load %arg4[%get3A_2531, %get3A_2532] {strides = array<i32>} : memref<26x512xi32, #tpu.memory_space<vmem>>, vector<16xi32>,
      %add3A_2534 = arith.constant 100 : i32
      %add3A_2535 = vector.broadcast %add3A_2534 : i32 to vector<16xi32>
      %add3A_2536 = arith.addi %get3A_2533, %add3A_2535 : vector<16xi32>
      %add3A_2537 = arith.constant 80 : i32
      %add3A_2538 = vector.broadcast %add3A_2537 : i32 to vector<16xi32>
      %add3A_2539 = arith.addi %iota3A, %add3A_2538 : vector<16xi32>
      tpu.vector_store_idx %arg8[%add3A_2536, %add3A_2539], %broadcast_in_dim3A_8 : memref<200x128xi32, #tpu.memory_space<vmem>>[vector<16xi32>, vector<16xi32>], vector<16xi32>,
      %mul3A_2540 = arith.constant 128 : i32
      %mul3A_2541 = arith.muli %sub3A_2349, %mul3A_2540 : i32
      %add3A_2542 = arith.constant 96 : i32
      %add3A_2543 = arith.addi %mul3A_2541, %add3A_2542 : i32
      %get3A_2544 = arith.index_cast %add3A_2461 : i32 to index
      %get3A_2545 = arith.index_cast %add3A_2543 : i32 to index
      %get3A_2546 = tpu.vector_load %arg4[%get3A_2544, %get3A_2545] {strides = array<i32>} : memref<26x512xi32, #tpu.memory_space<vmem>>, vector<16xi32>,
      %add3A_2547 = arith.constant 100 : i32
      %add3A_2548 = vector.broadcast %add3A_2547 : i32 to vector<16xi32>
      %add3A_2549 = arith.addi %get3A_2546, %add3A_2548 : vector<16xi32>
      %add3A_2550 = arith.constant 96 : i32
      %add3A_2551 = vector.broadcast %add3A_2550 : i32 to vector<16xi32>
      %add3A_2552 = arith.addi %iota3A, %add3A_2551 : vector<16xi32>
      tpu.vector_store_idx %arg8[%add3A_2549, %add3A_2552], %broadcast_in_dim3A_8 : memref<200x128xi32, #tpu.memory_space<vmem>>[vector<16xi32>, vector<16xi32>], vector<16xi32>,
      %mul3A_2553 = arith.constant 128 : i32
      %mul3A_2554 = arith.muli %sub3A_2349, %mul3A_2553 : i32
      %add3A_2555 = arith.constant 112 : i32
      %add3A_2556 = arith.addi %mul3A_2554, %add3A_2555 : i32
      %get3A_2557 = arith.index_cast %add3A_2461 : i32 to index
      %get3A_2558 = arith.index_cast %add3A_2556 : i32 to index
      %get3A_2559 = tpu.vector_load %arg4[%get3A_2557, %get3A_2558] {strides = array<i32>} : memref<26x512xi32, #tpu.memory_space<vmem>>, vector<16xi32>,
      %add3A_2560 = arith.constant 100 : i32
      %add3A_2561 = vector.broadcast %add3A_2560 : i32 to vector<16xi32>
      %add3A_2562 = arith.addi %get3A_2559, %add3A_2561 : vector<16xi32>
      %add3A_2563 = arith.constant 112 : i32
      %add3A_2564 = vector.broadcast %add3A_2563 : i32 to vector<16xi32>
      %add3A_2565 = arith.addi %iota3A, %add3A_2564 : vector<16xi32>
      tpu.vector_store_idx %arg8[%add3A_2562, %add3A_2565], %broadcast_in_dim3A_8 : memref<200x128xi32, #tpu.memory_space<vmem>>[vector<16xi32>, vector<16xi32>], vector<16xi32>,
      %jit3A_2566 = arith.constant 4 : i32
      %div3A_2567 = arith.divsi %add3A_2316, %jit3A_2566 : i32
      %sign3A_2568 = arith.constant 0 : i32
      %sign3A_2569 = arith.cmpi sgt, %add3A_2316, %sign3A_2568 : i32
      %sign3A_2570 = arith.extui %sign3A_2569 : i1 to i32
      %sign3A_2571 = arith.constant 0 : i32
      %sign3A_2572 = arith.cmpi slt, %add3A_2316, %sign3A_2571 : i32
      %sign3A_2573 = arith.extui %sign3A_2572 : i1 to i32
      %sign3A_2574 = arith.subi %sign3A_2570, %sign3A_2573 : i32
      %sign3A_2575 = arith.constant 0 : i32
      %sign3A_2576 = arith.cmpi sgt, %jit3A_2566, %sign3A_2575 : i32
      %sign3A_2577 = arith.extui %sign3A_2576 : i1 to i32
      %sign3A_2578 = arith.constant 0 : i32
      %sign3A_2579 = arith.cmpi slt, %jit3A_2566, %sign3A_2578 : i32
      %sign3A_2580 = arith.extui %sign3A_2579 : i1 to i32
      %sign3A_2581 = arith.subi %sign3A_2577, %sign3A_2580 : i32
      %ne3A_2582 = arith.cmpi ne, %sign3A_2574, %sign3A_2581 : i32
      %rem3A_2583 = arith.remsi %add3A_2316, %jit3A_2566 : i32
      %ne3A_2584 = arith.constant 0 : i32
      %ne3A_2585 = arith.cmpi ne, %rem3A_2583, %ne3A_2584 : i32
      %and3A_2586 = arith.andi %ne3A_2582, %ne3A_2585 : i1
      %sub3A_2587 = arith.constant 1 : i32
      %sub3A_2588 = arith.subi %div3A_2567, %sub3A_2587 : i32
      %select_n3A_2589 = arith.select %and3A_2586, %sub3A_2588, %div3A_2567 : i32
      %mul3A_2590 = arith.constant 4 : i32
      %mul3A_2591 = arith.muli %select_n3A_2589, %mul3A_2590 : i32
      %sub3A_2592 = arith.subi %add3A_2316, %mul3A_2591 : i32
      %mul3A_2593 = arith.constant 2 : i32
      %mul3A_2594 = arith.muli %mul3A_2593, %select_n3A_2589 : i32
      %add3A_2595 = arith.constant 0 : i32
      %add3A_2596 = arith.addi %mul3A_2594, %add3A_2595 : i32
      %mul3A_2597 = arith.constant 128 : i32
      %mul3A_2598 = arith.muli %sub3A_2592, %mul3A_2597 : i32
      %add3A_2599 = arith.constant 0 : i32
      %add3A_2600 = arith.addi %mul3A_2598, %add3A_2599 : i32
      %get3A_2601 = arith.index_cast %add3A_2596 : i32 to index
      %get3A_2602 = arith.index_cast %add3A_2600 : i32 to index
      %get3A_2603 = tpu.vector_load %arg4[%get3A_2601, %get3A_2602] {strides = array<i32>} : memref<26x512xi32, #tpu.memory_space<vmem>>, vector<16xi32>,
      %add3A_2604 = arith.constant 0 : i32
      %add3A_2605 = vector.broadcast %add3A_2604 : i32 to vector<16xi32>
      %add3A_2606 = arith.addi %get3A_2603, %add3A_2605 : vector<16xi32>
      %add3A_2607 = arith.constant 0 : i32
      %add3A_2608 = vector.broadcast %add3A_2607 : i32 to vector<16xi32>
      %add3A_2609 = arith.addi %iota3A, %add3A_2608 : vector<16xi32>
      tpu.vector_store_idx %arg8[%add3A_2606, %add3A_2609], %broadcast_in_dim3A_6 : memref<200x128xi32, #tpu.memory_space<vmem>>[vector<16xi32>, vector<16xi32>], vector<16xi32>,
      %mul3A_2610 = arith.constant 128 : i32
      %mul3A_2611 = arith.muli %sub3A_2592, %mul3A_2610 : i32
      %add3A_2612 = arith.constant 16 : i32
      %add3A_2613 = arith.addi %mul3A_2611, %add3A_2612 : i32
      %get3A_2614 = arith.index_cast %add3A_2596 : i32 to index
      %get3A_2615 = arith.index_cast %add3A_2613 : i32 to index
      %get3A_2616 = tpu.vector_load %arg4[%get3A_2614, %get3A_2615] {strides = array<i32>} : memref<26x512xi32, #tpu.memory_space<vmem>>, vector<16xi32>,
      %add3A_2617 = arith.constant 0 : i32
      %add3A_2618 = vector.broadcast %add3A_2617 : i32 to vector<16xi32>
      %add3A_2619 = arith.addi %get3A_2616, %add3A_2618 : vector<16xi32>
      %add3A_2620 = arith.constant 16 : i32
      %add3A_2621 = vector.broadcast %add3A_2620 : i32 to vector<16xi32>
      %add3A_2622 = arith.addi %iota3A, %add3A_2621 : vector<16xi32>
      tpu.vector_store_idx %arg8[%add3A_2619, %add3A_2622], %broadcast_in_dim3A_6 : memref<200x128xi32, #tpu.memory_space<vmem>>[vector<16xi32>, vector<16xi32>], vector<16xi32>,
      %mul3A_2623 = arith.constant 128 : i32
      %mul3A_2624 = arith.muli %sub3A_2592, %mul3A_2623 : i32
      %add3A_2625 = arith.constant 32 : i32
      %add3A_2626 = arith.addi %mul3A_2624, %add3A_2625 : i32
      %get3A_2627 = arith.index_cast %add3A_2596 : i32 to index
      %get3A_2628 = arith.index_cast %add3A_2626 : i32 to index
      %get3A_2629 = tpu.vector_load %arg4[%get3A_2627, %get3A_2628] {strides = array<i32>} : memref<26x512xi32, #tpu.memory_space<vmem>>, vector<16xi32>,
      %add3A_2630 = arith.constant 0 : i32
      %add3A_2631 = vector.broadcast %add3A_2630 : i32 to vector<16xi32>
      %add3A_2632 = arith.addi %get3A_2629, %add3A_2631 : vector<16xi32>
      %add3A_2633 = arith.constant 32 : i32
      %add3A_2634 = vector.broadcast %add3A_2633 : i32 to vector<16xi32>
      %add3A_2635 = arith.addi %iota3A, %add3A_2634 : vector<16xi32>
      tpu.vector_store_idx %arg8[%add3A_2632, %add3A_2635], %broadcast_in_dim3A_6 : memref<200x128xi32, #tpu.memory_space<vmem>>[vector<16xi32>, vector<16xi32>], vector<16xi32>,
      %mul3A_2636 = arith.constant 128 : i32
      %mul3A_2637 = arith.muli %sub3A_2592, %mul3A_2636 : i32
      %add3A_2638 = arith.constant 48 : i32
      %add3A_2639 = arith.addi %mul3A_2637, %add3A_2638 : i32
      %get3A_2640 = arith.index_cast %add3A_2596 : i32 to index
      %get3A_2641 = arith.index_cast %add3A_2639 : i32 to index
      %get3A_2642 = tpu.vector_load %arg4[%get3A_2640, %get3A_2641] {strides = array<i32>} : memref<26x512xi32, #tpu.memory_space<vmem>>, vector<16xi32>,
      %add3A_2643 = arith.constant 0 : i32
      %add3A_2644 = vector.broadcast %add3A_2643 : i32 to vector<16xi32>
      %add3A_2645 = arith.addi %get3A_2642, %add3A_2644 : vector<16xi32>
      %add3A_2646 = arith.constant 48 : i32
      %add3A_2647 = vector.broadcast %add3A_2646 : i32 to vector<16xi32>
      %add3A_2648 = arith.addi %iota3A, %add3A_2647 : vector<16xi32>
      tpu.vector_store_idx %arg8[%add3A_2645, %add3A_2648], %broadcast_in_dim3A_6 : memref<200x128xi32, #tpu.memory_space<vmem>>[vector<16xi32>, vector<16xi32>], vector<16xi32>,
      %mul3A_2649 = arith.constant 128 : i32
      %mul3A_2650 = arith.muli %sub3A_2592, %mul3A_2649 : i32
      %add3A_2651 = arith.constant 64 : i32
      %add3A_2652 = arith.addi %mul3A_2650, %add3A_2651 : i32
      %get3A_2653 = arith.index_cast %add3A_2596 : i32 to index
      %get3A_2654 = arith.index_cast %add3A_2652 : i32 to index
      %get3A_2655 = tpu.vector_load %arg4[%get3A_2653, %get3A_2654] {strides = array<i32>} : memref<26x512xi32, #tpu.memory_space<vmem>>, vector<16xi32>,
      %add3A_2656 = arith.constant 0 : i32
      %add3A_2657 = vector.broadcast %add3A_2656 : i32 to vector<16xi32>
      %add3A_2658 = arith.addi %get3A_2655, %add3A_2657 : vector<16xi32>
      %add3A_2659 = arith.constant 64 : i32
      %add3A_2660 = vector.broadcast %add3A_2659 : i32 to vector<16xi32>
      %add3A_2661 = arith.addi %iota3A, %add3A_2660 : vector<16xi32>
      tpu.vector_store_idx %arg8[%add3A_2658, %add3A_2661], %broadcast_in_dim3A_6 : memref<200x128xi32, #tpu.memory_space<vmem>>[vector<16xi32>, vector<16xi32>], vector<16xi32>,
      %mul3A_2662 = arith.constant 128 : i32
      %mul3A_2663 = arith.muli %sub3A_2592, %mul3A_2662 : i32
      %add3A_2664 = arith.constant 80 : i32
      %add3A_2665 = arith.addi %mul3A_2663, %add3A_2664 : i32
      %get3A_2666 = arith.index_cast %add3A_2596 : i32 to index
      %get3A_2667 = arith.index_cast %add3A_2665 : i32 to index
      %get3A_2668 = tpu.vector_load %arg4[%get3A_2666, %get3A_2667] {strides = array<i32>} : memref<26x512xi32, #tpu.memory_space<vmem>>, vector<16xi32>,
      %add3A_2669 = arith.constant 0 : i32
      %add3A_2670 = vector.broadcast %add3A_2669 : i32 to vector<16xi32>
      %add3A_2671 = arith.addi %get3A_2668, %add3A_2670 : vector<16xi32>
      %add3A_2672 = arith.constant 80 : i32
      %add3A_2673 = vector.broadcast %add3A_2672 : i32 to vector<16xi32>
      %add3A_2674 = arith.addi %iota3A, %add3A_2673 : vector<16xi32>
      tpu.vector_store_idx %arg8[%add3A_2671, %add3A_2674], %broadcast_in_dim3A_6 : memref<200x128xi32, #tpu.memory_space<vmem>>[vector<16xi32>, vector<16xi32>], vector<16xi32>,
      %mul3A_2675 = arith.constant 128 : i32
      %mul3A_2676 = arith.muli %sub3A_2592, %mul3A_2675 : i32
      %add3A_2677 = arith.constant 96 : i32
      %add3A_2678 = arith.addi %mul3A_2676, %add3A_2677 : i32
      %get3A_2679 = arith.index_cast %add3A_2596 : i32 to index
      %get3A_2680 = arith.index_cast %add3A_2678 : i32 to index
      %get3A_2681 = tpu.vector_load %arg4[%get3A_2679, %get3A_2680] {strides = array<i32>} : memref<26x512xi32, #tpu.memory_space<vmem>>, vector<16xi32>,
      %add3A_2682 = arith.constant 0 : i32
      %add3A_2683 = vector.broadcast %add3A_2682 : i32 to vector<16xi32>
      %add3A_2684 = arith.addi %get3A_2681, %add3A_2683 : vector<16xi32>
      %add3A_2685 = arith.constant 96 : i32
      %add3A_2686 = vector.broadcast %add3A_2685 : i32 to vector<16xi32>
      %add3A_2687 = arith.addi %iota3A, %add3A_2686 : vector<16xi32>
      tpu.vector_store_idx %arg8[%add3A_2684, %add3A_2687], %broadcast_in_dim3A_6 : memref<200x128xi32, #tpu.memory_space<vmem>>[vector<16xi32>, vector<16xi32>], vector<16xi32>,
      %mul3A_2688 = arith.constant 128 : i32
      %mul3A_2689 = arith.muli %sub3A_2592, %mul3A_2688 : i32
      %add3A_2690 = arith.constant 112 : i32
      %add3A_2691 = arith.addi %mul3A_2689, %add3A_2690 : i32
      %get3A_2692 = arith.index_cast %add3A_2596 : i32 to index
      %get3A_2693 = arith.index_cast %add3A_2691 : i32 to index
      %get3A_2694 = tpu.vector_load %arg4[%get3A_2692, %get3A_2693] {strides = array<i32>} : memref<26x512xi32, #tpu.memory_space<vmem>>, vector<16xi32>,
      %add3A_2695 = arith.constant 0 : i32
      %add3A_2696 = vector.broadcast %add3A_2695 : i32 to vector<16xi32>
      %add3A_2697 = arith.addi %get3A_2694, %add3A_2696 : vector<16xi32>
      %add3A_2698 = arith.constant 112 : i32
      %add3A_2699 = vector.broadcast %add3A_2698 : i32 to vector<16xi32>
      %add3A_2700 = arith.addi %iota3A, %add3A_2699 : vector<16xi32>
      tpu.vector_store_idx %arg8[%add3A_2697, %add3A_2700], %broadcast_in_dim3A_6 : memref<200x128xi32, #tpu.memory_space<vmem>>[vector<16xi32>, vector<16xi32>], vector<16xi32>,
      %mul3A_2701 = arith.constant 2 : i32
      %mul3A_2702 = arith.muli %mul3A_2701, %select_n3A_2589 : i32
      %add3A_2703 = arith.constant 1 : i32
      %add3A_2704 = arith.addi %mul3A_2702, %add3A_2703 : i32
      %mul3A_2705 = arith.constant 128 : i32
      %mul3A_2706 = arith.muli %sub3A_2592, %mul3A_2705 : i32
      %add3A_2707 = arith.constant 0 : i32
      %add3A_2708 = arith.addi %mul3A_2706, %add3A_2707 : i32
      %get3A_2709 = arith.index_cast %add3A_2704 : i32 to index
      %get3A_2710 = arith.index_cast %add3A_2708 : i32 to index
      %get3A_2711 = tpu.vector_load %arg4[%get3A_2709, %get3A_2710] {strides = array<i32>} : memref<26x512xi32, #tpu.memory_space<vmem>>, vector<16xi32>,
      %add3A_2712 = arith.constant 100 : i32
      %add3A_2713 = vector.broadcast %add3A_2712 : i32 to vector<16xi32>
      %add3A_2714 = arith.addi %get3A_2711, %add3A_2713 : vector<16xi32>
      %add3A_2715 = arith.constant 0 : i32
      %add3A_2716 = vector.broadcast %add3A_2715 : i32 to vector<16xi32>
      %add3A_2717 = arith.addi %iota3A, %add3A_2716 : vector<16xi32>
      tpu.vector_store_idx %arg8[%add3A_2714, %add3A_2717], %broadcast_in_dim3A_6 : memref<200x128xi32, #tpu.memory_space<vmem>>[vector<16xi32>, vector<16xi32>], vector<16xi32>,
      %mul3A_2718 = arith.constant 128 : i32
      %mul3A_2719 = arith.muli %sub3A_2592, %mul3A_2718 : i32
      %add3A_2720 = arith.constant 16 : i32
      %add3A_2721 = arith.addi %mul3A_2719, %add3A_2720 : i32
      %get3A_2722 = arith.index_cast %add3A_2704 : i32 to index
      %get3A_2723 = arith.index_cast %add3A_2721 : i32 to index
      %get3A_2724 = tpu.vector_load %arg4[%get3A_2722, %get3A_2723] {strides = array<i32>} : memref<26x512xi32, #tpu.memory_space<vmem>>, vector<16xi32>,
      %add3A_2725 = arith.constant 100 : i32
      %add3A_2726 = vector.broadcast %add3A_2725 : i32 to vector<16xi32>
      %add3A_2727 = arith.addi %get3A_2724, %add3A_2726 : vector<16xi32>
      %add3A_2728 = arith.constant 16 : i32
      %add3A_2729 = vector.broadcast %add3A_2728 : i32 to vector<16xi32>
      %add3A_2730 = arith.addi %iota3A, %add3A_2729 : vector<16xi32>
      tpu.vector_store_idx %arg8[%add3A_2727, %add3A_2730], %broadcast_in_dim3A_6 : memref<200x128xi32, #tpu.memory_space<vmem>>[vector<16xi32>, vector<16xi32>], vector<16xi32>,
      %mul3A_2731 = arith.constant 128 : i32
      %mul3A_2732 = arith.muli %sub3A_2592, %mul3A_2731 : i32
      %add3A_2733 = arith.constant 32 : i32
      %add3A_2734 = arith.addi %mul3A_2732, %add3A_2733 : i32
      %get3A_2735 = arith.index_cast %add3A_2704 : i32 to index
      %get3A_2736 = arith.index_cast %add3A_2734 : i32 to index
      %get3A_2737 = tpu.vector_load %arg4[%get3A_2735, %get3A_2736] {strides = array<i32>} : memref<26x512xi32, #tpu.memory_space<vmem>>, vector<16xi32>,
      %add3A_2738 = arith.constant 100 : i32
      %add3A_2739 = vector.broadcast %add3A_2738 : i32 to vector<16xi32>
      %add3A_2740 = arith.addi %get3A_2737, %add3A_2739 : vector<16xi32>
      %add3A_2741 = arith.constant 32 : i32
      %add3A_2742 = vector.broadcast %add3A_2741 : i32 to vector<16xi32>
      %add3A_2743 = arith.addi %iota3A, %add3A_2742 : vector<16xi32>
      tpu.vector_store_idx %arg8[%add3A_2740, %add3A_2743], %broadcast_in_dim3A_6 : memref<200x128xi32, #tpu.memory_space<vmem>>[vector<16xi32>, vector<16xi32>], vector<16xi32>,
      %mul3A_2744 = arith.constant 128 : i32
      %mul3A_2745 = arith.muli %sub3A_2592, %mul3A_2744 : i32
      %add3A_2746 = arith.constant 48 : i32
      %add3A_2747 = arith.addi %mul3A_2745, %add3A_2746 : i32
      %get3A_2748 = arith.index_cast %add3A_2704 : i32 to index
      %get3A_2749 = arith.index_cast %add3A_2747 : i32 to index
      %get3A_2750 = tpu.vector_load %arg4[%get3A_2748, %get3A_2749] {strides = array<i32>} : memref<26x512xi32, #tpu.memory_space<vmem>>, vector<16xi32>,
      %add3A_2751 = arith.constant 100 : i32
      %add3A_2752 = vector.broadcast %add3A_2751 : i32 to vector<16xi32>
      %add3A_2753 = arith.addi %get3A_2750, %add3A_2752 : vector<16xi32>
      %add3A_2754 = arith.constant 48 : i32
      %add3A_2755 = vector.broadcast %add3A_2754 : i32 to vector<16xi32>
      %add3A_2756 = arith.addi %iota3A, %add3A_2755 : vector<16xi32>
      tpu.vector_store_idx %arg8[%add3A_2753, %add3A_2756], %broadcast_in_dim3A_6 : memref<200x128xi32, #tpu.memory_space<vmem>>[vector<16xi32>, vector<16xi32>], vector<16xi32>,
      %mul3A_2757 = arith.constant 128 : i32
      %mul3A_2758 = arith.muli %sub3A_2592, %mul3A_2757 : i32
      %add3A_2759 = arith.constant 64 : i32
      %add3A_2760 = arith.addi %mul3A_2758, %add3A_2759 : i32
      %get3A_2761 = arith.index_cast %add3A_2704 : i32 to index
      %get3A_2762 = arith.index_cast %add3A_2760 : i32 to index
      %get3A_2763 = tpu.vector_load %arg4[%get3A_2761, %get3A_2762] {strides = array<i32>} : memref<26x512xi32, #tpu.memory_space<vmem>>, vector<16xi32>,
      %add3A_2764 = arith.constant 100 : i32
      %add3A_2765 = vector.broadcast %add3A_2764 : i32 to vector<16xi32>
      %add3A_2766 = arith.addi %get3A_2763, %add3A_2765 : vector<16xi32>
      %add3A_2767 = arith.constant 64 : i32
      %add3A_2768 = vector.broadcast %add3A_2767 : i32 to vector<16xi32>
      %add3A_2769 = arith.addi %iota3A, %add3A_2768 : vector<16xi32>
      tpu.vector_store_idx %arg8[%add3A_2766, %add3A_2769], %broadcast_in_dim3A_6 : memref<200x128xi32, #tpu.memory_space<vmem>>[vector<16xi32>, vector<16xi32>], vector<16xi32>,
      %mul3A_2770 = arith.constant 128 : i32
      %mul3A_2771 = arith.muli %sub3A_2592, %mul3A_2770 : i32
      %add3A_2772 = arith.constant 80 : i32
      %add3A_2773 = arith.addi %mul3A_2771, %add3A_2772 : i32
      %get3A_2774 = arith.index_cast %add3A_2704 : i32 to index
      %get3A_2775 = arith.index_cast %add3A_2773 : i32 to index
      %get3A_2776 = tpu.vector_load %arg4[%get3A_2774, %get3A_2775] {strides = array<i32>} : memref<26x512xi32, #tpu.memory_space<vmem>>, vector<16xi32>,
      %add3A_2777 = arith.constant 100 : i32
      %add3A_2778 = vector.broadcast %add3A_2777 : i32 to vector<16xi32>
      %add3A_2779 = arith.addi %get3A_2776, %add3A_2778 : vector<16xi32>
      %add3A_2780 = arith.constant 80 : i32
      %add3A_2781 = vector.broadcast %add3A_2780 : i32 to vector<16xi32>
      %add3A_2782 = arith.addi %iota3A, %add3A_2781 : vector<16xi32>
      tpu.vector_store_idx %arg8[%add3A_2779, %add3A_2782], %broadcast_in_dim3A_6 : memref<200x128xi32, #tpu.memory_space<vmem>>[vector<16xi32>, vector<16xi32>], vector<16xi32>,
      %mul3A_2783 = arith.constant 128 : i32
      %mul3A_2784 = arith.muli %sub3A_2592, %mul3A_2783 : i32
      %add3A_2785 = arith.constant 96 : i32
      %add3A_2786 = arith.addi %mul3A_2784, %add3A_2785 : i32
      %get3A_2787 = arith.index_cast %add3A_2704 : i32 to index
      %get3A_2788 = arith.index_cast %add3A_2786 : i32 to index
      %get3A_2789 = tpu.vector_load %arg4[%get3A_2787, %get3A_2788] {strides = array<i32>} : memref<26x512xi32, #tpu.memory_space<vmem>>, vector<16xi32>,
      %add3A_2790 = arith.constant 100 : i32
      %add3A_2791 = vector.broadcast %add3A_2790 : i32 to vector<16xi32>
      %add3A_2792 = arith.addi %get3A_2789, %add3A_2791 : vector<16xi32>
      %add3A_2793 = arith.constant 96 : i32
      %add3A_2794 = vector.broadcast %add3A_2793 : i32 to vector<16xi32>
      %add3A_2795 = arith.addi %iota3A, %add3A_2794 : vector<16xi32>
      tpu.vector_store_idx %arg8[%add3A_2792, %add3A_2795], %broadcast_in_dim3A_6 : memref<200x128xi32, #tpu.memory_space<vmem>>[vector<16xi32>, vector<16xi32>], vector<16xi32>,
      %mul3A_2796 = arith.constant 128 : i32
      %mul3A_2797 = arith.muli %sub3A_2592, %mul3A_2796 : i32
      %add3A_2798 = arith.constant 112 : i32
      %add3A_2799 = arith.addi %mul3A_2797, %add3A_2798 : i32
      %get3A_2800 = arith.index_cast %add3A_2704 : i32 to index
      %get3A_2801 = arith.index_cast %add3A_2799 : i32 to index
      %get3A_2802 = tpu.vector_load %arg4[%get3A_2800, %get3A_2801] {strides = array<i32>} : memref<26x512xi32, #tpu.memory_space<vmem>>, vector<16xi32>,
      %add3A_2803 = arith.constant 100 : i32
      %add3A_2804 = vector.broadcast %add3A_2803 : i32 to vector<16xi32>
      %add3A_2805 = arith.addi %get3A_2802, %add3A_2804 : vector<16xi32>
      %add3A_2806 = arith.constant 112 : i32
      %add3A_2807 = vector.broadcast %add3A_2806 : i32 to vector<16xi32>
      %add3A_2808 = arith.addi %iota3A, %add3A_2807 : vector<16xi32>
      tpu.vector_store_idx %arg8[%add3A_2805, %add3A_2808], %broadcast_in_dim3A_6 : memref<200x128xi32, #tpu.memory_space<vmem>>[vector<16xi32>, vector<16xi32>], vector<16xi32>,
      %jit3A_2809 = arith.constant 4 : i32
      %div3A_2810 = arith.divsi %add3A_2316, %jit3A_2809 : i32
      %sign3A_2811 = arith.constant 0 : i32
      %sign3A_2812 = arith.cmpi sgt, %add3A_2316, %sign3A_2811 : i32
      %sign3A_2813 = arith.extui %sign3A_2812 : i1 to i32
      %sign3A_2814 = arith.constant 0 : i32
      %sign3A_2815 = arith.cmpi slt, %add3A_2316, %sign3A_2814 : i32
      %sign3A_2816 = arith.extui %sign3A_2815 : i1 to i32
      %sign3A_2817 = arith.subi %sign3A_2813, %sign3A_2816 : i32
      %sign3A_2818 = arith.constant 0 : i32
      %sign3A_2819 = arith.cmpi sgt, %jit3A_2809, %sign3A_2818 : i32
      %sign3A_2820 = arith.extui %sign3A_2819 : i1 to i32
      %sign3A_2821 = arith.constant 0 : i32
      %sign3A_2822 = arith.cmpi slt, %jit3A_2809, %sign3A_2821 : i32
      %sign3A_2823 = arith.extui %sign3A_2822 : i1 to i32
      %sign3A_2824 = arith.subi %sign3A_2820, %sign3A_2823 : i32
      %ne3A_2825 = arith.cmpi ne, %sign3A_2817, %sign3A_2824 : i32
      %rem3A_2826 = arith.remsi %add3A_2316, %jit3A_2809 : i32
      %ne3A_2827 = arith.constant 0 : i32
      %ne3A_2828 = arith.cmpi ne, %rem3A_2826, %ne3A_2827 : i32
      %and3A_2829 = arith.andi %ne3A_2825, %ne3A_2828 : i1
      %sub3A_2830 = arith.constant 1 : i32
      %sub3A_2831 = arith.subi %div3A_2810, %sub3A_2830 : i32
      %select_n3A_2832 = arith.select %and3A_2829, %sub3A_2831, %div3A_2810 : i32
      %mul3A_2833 = arith.constant 4 : i32
      %mul3A_2834 = arith.muli %select_n3A_2832, %mul3A_2833 : i32
      %sub3A_2835 = arith.subi %add3A_2316, %mul3A_2834 : i32
      %mul3A_2836 = arith.constant 200 : i32
      %mul3A_2837 = arith.muli %select_n3A_2832, %mul3A_2836 : i32
      %mul3A_2838 = arith.constant 128 : i32
      %mul3A_2839 = arith.muli %sub3A_2835, %mul3A_2838 : i32
      %add3A_2840 = arith.addi %mul3A_2, %mul3A_2839 : i32
      %dma_start3A_2841 = tpu.memref_slice %arg3[%mul3A_2837, %add3A_2840] : memref<2600x16384xi32, #tpu.memory_space<hbm>> -> memref<200x128xi32, #tpu.memory_space<hbm>>
      %dma_start3A_2842 = tpu.memref_slice %arg3[%mul3A_2837, %add3A_2840] : memref<2600x16384xi32, #tpu.memory_space<hbm>> -> memref<200x128xi32, #tpu.memory_space<hbm>>
      tpu.enqueue_dma source(%arg8 : memref<200x128xi32, #tpu.memory_space<vmem>>) target(%dma_start3A_2842 : memref<200x128xi32, #tpu.memory_space<hbm>>) target_semaphore(%arg12 : memref<!tpu.dma_semaphore, #tpu.memory_space<semaphore_mem>>)
    }
    %scan3A_705 = arith.constant 12 : i32
    %dma_wait3A_706 = arith.constant 0 : i32
    %dma_wait3A_707 = tpu.memref_slice %arg3[%dma_wait3A_706, %mul3A_2] : memref<2600x16384xi32, #tpu.memory_space<hbm>> -> memref<200x128xi32, #tpu.memory_space<hbm>>
    %dma_wait3A_708 = arith.constant 0 : i32
    %dma_wait3A_709 = tpu.memref_slice %arg3[%dma_wait3A_708, %mul3A_2] : memref<2600x16384xi32, #tpu.memory_space<hbm>> -> memref<200x128xi32, #tpu.memory_space<hbm>>
    tpu.wait_dma2 semaphore(%arg9 : memref<!tpu.dma_semaphore, #tpu.memory_space<semaphore_mem>>) src(%arg5 : memref<200x128xi32, #tpu.memory_space<vmem>>) dst(%dma_wait3A_709 : memref<200x128xi32, #tpu.memory_space<hbm>>)
    %dma_wait3A_710 = arith.constant 0 : i32
    %dma_wait3A_711 = tpu.memref_slice %arg3[%dma_wait3A_710, %mul3A_2] : memref<2600x16384xi32, #tpu.memory_space<hbm>> -> memref<200x128xi32, #tpu.memory_space<hbm>>
    %dma_wait3A_712 = arith.constant 0 : i32
    %dma_wait3A_713 = tpu.memref_slice %arg3[%dma_wait3A_712, %mul3A_2] : memref<2600x16384xi32, #tpu.memory_space<hbm>> -> memref<200x128xi32, #tpu.memory_space<hbm>>
    tpu.wait_dma2 semaphore(%arg10 : memref<!tpu.dma_semaphore, #tpu.memory_space<semaphore_mem>>) src(%arg6 : memref<200x128xi32, #tpu.memory_space<vmem>>) dst(%dma_wait3A_713 : memref<200x128xi32, #tpu.memory_space<hbm>>)
    %dma_wait3A_714 = arith.constant 0 : i32
    %dma_wait3A_715 = tpu.memref_slice %arg3[%dma_wait3A_714, %mul3A_2] : memref<2600x16384xi32, #tpu.memory_space<hbm>> -> memref<200x128xi32, #tpu.memory_space<hbm>>
    %dma_wait3A_716 = arith.constant 0 : i32
    %dma_wait3A_717 = tpu.memref_slice %arg3[%dma_wait3A_716, %mul3A_2] : memref<2600x16384xi32, #tpu.memory_space<hbm>> -> memref<200x128xi32, #tpu.memory_space<hbm>>
    tpu.wait_dma2 semaphore(%arg11 : memref<!tpu.dma_semaphore, #tpu.memory_space<semaphore_mem>>) src(%arg7 : memref<200x128xi32, #tpu.memory_space<vmem>>) dst(%dma_wait3A_717 : memref<200x128xi32, #tpu.memory_space<hbm>>)
    %dma_wait3A_718 = arith.constant 0 : i32
    %dma_wait3A_719 = tpu.memref_slice %arg3[%dma_wait3A_718, %mul3A_2] : memref<2600x16384xi32, #tpu.memory_space<hbm>> -> memref<200x128xi32, #tpu.memory_space<hbm>>
    %dma_wait3A_720 = arith.constant 0 : i32
    %dma_wait3A_721 = tpu.memref_slice %arg3[%dma_wait3A_720, %mul3A_2] : memref<2600x16384xi32, #tpu.memory_space<hbm>> -> memref<200x128xi32, #tpu.memory_space<hbm>>
    tpu.wait_dma2 semaphore(%arg12 : memref<!tpu.dma_semaphore, #tpu.memory_space<semaphore_mem>>) src(%arg8 : memref<200x128xi32, #tpu.memory_space<vmem>>) dst(%dma_wait3A_721 : memref<200x128xi32, #tpu.memory_space<hbm>>)
    return
  }
}

</mosaic_0001>

<sc_bundles>
// kernel: kernel.3.cloned.1.call-start
scs
__scs_entry_jumppad:
0x0: {  	(pc) =	sbr.rel $0x88, $3  }
0x1: {  	(tag) =	ssettag $0x0;
	lr =	simm.s32 $0x1  }
0x2: {  	[smem:$0x3FA0] =	sst lr;
	_ =	strace $0xD0000000  }
0x3: {  	_ = 	snop  }
0x4: {  	_ = 	snop  }
0x5: {  	_ = 	snop  }
0x6: {  	_ = 	snop  }
0x7: {  	_ = 	snop  }
__scs_overlays_trampoline_lowered:
0x8: {  	[smem:$0x3FAF] =	sst s0  }
0x9: {  	[smem:$0x3FB0] =	sst s1  }
0xa: {  	[smem:$0x3FB1] =	sst s2  }
0xb: {  	[smem:$0x3FB2] =	sst s3  }
0xc: {  	[smem:$0x3FB3] =	sst s4  }
0xd: {  	[smem:$0x3FB4] =	sst s5  }
0xe: {  	[smem:$0x3FB5] =	sst s6  }
0xf: {  	[smem:$0x3FB6] =	sst s7  }
0x10: {  	[smem:$0x3FB7] =	sst s8  }
0x11: {  	[smem:$0x3FB8] =	sst s9;
	s0 =	simm.s32 @!p0 $0x0  }
0x12: {  	s1 =	sld [smem:$0x3F9E];
	s0 =	simm.s32 @p0 $0x1  }
0x13: {  	[smem:$0x3FB9] =	sst s0;
	s0 =	simm.s32 @!p1 $0x0  }
0x14: {  	s2 =	sld [smem:$0x3F9D];
	s0 =	simm.s32 @p1 $0x1  }
0x15: {  	[smem:$0x3FBA] =	sst s0;
	s0 =	simm.s32 @!p2 $0x0  }
0x16: {  	s3 =	sld [smem:$0x3FDB];
	s0 =	simm.s32 @p2 $0x1  }
0x17: {  	s4 =	simm.s32 $0x1BF5;
	[smem:$0x3FBC] =	sst s0  }
0x18: {  	s0 =	sld [smem:$0x3F9F];
	_ =	swait.ge [sflag:s4], $0x0  }
0x19: {  	s7 =	sld [smem:$0x3FA0]  }
0x1a: {  	s8 =	sadd.s32 $0xFFFFE003, lr  }
0x1b: {  	s9 =	sadd.s32 $0xFFFFFEF7, lr;
	s5 =	simm.s32 $0xFFFFFFFF;
	p2 =	slt.u32 s8, $0xFFFFF086  }
0x1c: {  	p1 =	slt.u32 s9, $0xF7A;
	s5 =	simm.s32 @!p2 $0x0  }
0x1d: {  	s5 =	simm.s32 @p1 $0x1;
	p0 =	seq.s32 s7, s2  }
0x1e: {  	s7 =	smul.u32 @!p0 $0xF7A, s2;
	p2 =	seq.s32 @!p0 s5, $0x0  }
0x1f: {  	s9 =	smul.u32 $0xF7A, s1;
	s8 =	simm.s32 @!p0 $0x1BF5;
	p2 =	por !p2, p0  }
0x20: {  	[sflag:s8] =	ssyncset.s32 @!p0 $0xFFFFF086;
	s6 =	sadd.s32 @!p0 s3, s7;
	s7 =	simm.s32 @!p0 $0x108  }
0x21: {  	s3 =	sadd.s32 s3, s9;
	s6 =	sadd.s32 @!p0 $0x88, s6;
	s7 =	simm.s32 @p2 $0x1082  }
0x22: {  	[simem:s7], [sflag:s8] =	dma.local @!p0 [hbm:s6], $0xF7A  }
0x23: {  	s9 =	sor.u32 $0xD0000000, s2;
	s6 =	simm.s32 $0x108;
	_ =	swait.ge @!p0 [sflag:s8], $0x0  }
0x24: {  	s3 =	sadd.s32 $0x88, s3;
	s6 =	simm.s32 @!p1 $0x1082;
	[sflag:s4] =	ssyncset.s32 $0xFFFFF086  }
0x25: {  	[simem:s6], [sflag:s4] =	dma.local [hbm:s3], $0xF7A  }
0x26: {  	[smem:$0x3FA0] =	sst s1;
	(tag) =	ssettag s2;
	_ =	strace s9  }
0x27: {  	s1 =	sld [smem:$0x3FB0]  }
0x28: {  	s2 =	sld [smem:$0x3FB1]  }
0x29: {  	s4 =	sld [smem:$0x3FB3]  }
0x2a: {  	p0 =	seq.s32 s5, $0x0;
	s5 =	sld [smem:$0x3FB4]  }
0x2b: {  	s6 =	sld [smem:$0x3FB5]  }
0x2c: {  	s7 =	sld [smem:$0x3FB6]  }
0x2d: {  	s3 =	simm.s32 $0x108;
	s8 =	sld [smem:$0x3FB7]  }
0x2e: {  	s3 =	simm.s32 @!p0 $0x1082;
	s9 =	sld [smem:$0x3FB8]  }
0x2f: {  	lr =	sadd.s32 s0, s3;
	s0 =	sld [smem:$0x3FAF]  }
0x30: {  	s3 =	sld [smem:$0x3FB2]  }
0x31: {  	[smem:$0x3FBB] =	sst s10  }
0x32: {  	s10 =	sld [smem:$0x3FB9];
	_ =	sdelay $0x3  }
0x33: {  	p0 =	seq.s32 s10, $0x1;
	s10 =	sld [smem:$0x3FBB];
	_ =	sdelay $0x3  }
0x34: {  	[smem:$0x3FBB] =	sst s10  }
0x35: {  	s10 =	sld [smem:$0x3FBA];
	_ =	sdelay $0x3  }
0x36: {  	p1 =	seq.s32 s10, $0x1;
	s10 =	sld [smem:$0x3FBB];
	_ =	sdelay $0x3  }
0x37: {  	[smem:$0x3FBB] =	sst s10  }
0x38: {  	s10 =	sld [smem:$0x3FBC]  }
0x39: {  	_ = 	snop;
	(pc) =	sbr.ind lr, $3  }
0x3a: {  	_ = 	snop  }
0x3b: {  	_ = 	snop  }
0x3c: {  	p2 =	seq.s32 s10, $0x1;
	s10 =	sld [smem:$0x3FBB]  }
0x3d: {  	_ =	shalt  }
0x3e: {  	_ =	shalt  }
0x3f: {  	_ =	shalt  }
0x40: {  	_ =	shalt  }
0x41: {  	_ =	shalt  }
0x42: {  	_ =	shalt  }
0x43: {  	_ =	shalt  }
0x44: {  	_ =	shalt  }
0x45: {  	_ =	shalt  }
0x46: {  	_ =	shalt  }
0x47: {  	_ =	shalt  }
0x48: {  	_ =	shalt  }
0x49: {  	_ =	shalt  }
0x4a: {  	_ =	shalt  }
0x4b: {  	_ =	shalt  }
0x4c: {  	_ =	shalt  }
0x4d: {  	_ =	shalt  }
0x4e: {  	_ =	shalt  }
0x4f: {  	_ =	shalt  }
0x50: {  	_ =	shalt  }
0x51: {  	_ =	shalt  }
0x52: {  	_ =	shalt  }
0x53: {  	_ =	shalt  }
0x54: {  	_ =	shalt  }
0x55: {  	_ =	shalt  }
0x56: {  	_ =	shalt  }
0x57: {  	_ =	shalt  }
0x58: {  	_ =	shalt  }
0x59: {  	_ =	shalt  }
0x5a: {  	_ =	shalt  }
0x5b: {  	_ =	shalt  }
0x5c: {  	_ =	shalt  }
0x5d: {  	_ =	shalt  }
0x5e: {  	_ =	shalt  }
0x5f: {  	_ =	shalt  }
0x60: {  	_ =	shalt  }
0x61: {  	_ =	shalt  }
0x62: {  	_ =	shalt  }
0x63: {  	_ =	shalt  }
0x64: {  	_ =	shalt  }
0x65: {  	_ =	shalt  }
0x66: {  	_ =	shalt  }
0x67: {  	_ =	shalt  }
0x68: {  	_ =	shalt  }
0x69: {  	_ =	shalt  }
0x6a: {  	_ =	shalt  }
0x6b: {  	_ =	shalt  }
0x6c: {  	_ =	shalt  }
0x6d: {  	_ =	shalt  }
0x6e: {  	_ =	shalt  }
0x6f: {  	_ =	shalt  }
0x70: {  	_ =	shalt  }
0x71: {  	_ =	shalt  }
0x72: {  	_ =	shalt  }
0x73: {  	_ =	shalt  }
0x74: {  	_ =	shalt  }
0x75: {  	_ =	shalt  }
0x76: {  	_ =	shalt  }
0x77: {  	_ =	shalt  }
0x78: {  	_ =	shalt  }
0x79: {  	_ =	shalt  }
0x7a: {  	_ =	shalt  }
0x7b: {  	_ =	shalt  }
0x7c: {  	_ =	shalt  }
0x7d: {  	_ =	shalt  }
0x7e: {  	_ =	shalt  }
0x7f: {  	_ =	shalt  }
0x80: {  	_ =	shalt  }
0x81: {  	_ =	shalt  }
0x82: {  	_ =	shalt  }
0x83: {  	_ =	shalt  }
0x84: {  	_ =	shalt  }
0x85: {  	_ =	shalt  }
0x86: {  	_ =	shalt  }
0x87: {  	_ =	shalt  }
.Lfunc_end0:
.L_simem_size_0:
called_computation_lowered:
.L_overlay_start_0:
0x88: {  	s2 =	sld [smem:$0x3FD9]  }
0x89: {  	s3 =	sld [smem:$0x3FFE];
	_ =	sdelay $0x1  }
0x8a: {  	s1 =	srdreg.scid  }
0x8b: {  	s0 =	sand.u32 $0x1, s1  }
0x8c: {  	s18 =	sshll.u32 s0, $0xA;
	s2 =	sadd.s32 s3, s2  }
0x8d: {  	s2 =	sadd.s32 s2, s18  }
0x8e: {  	[smem:$0x3FC7] =	sst s2  }
0x8f: {  	_ = 	snop  }
0x90: {  	s2 =	sld [smem:$0x3FC9]  }
0x91: {  	s19 =	sld [smem:$0x3FD0];
	(tm) =	ssettm $0x1  }
0x92: {  	s4 =	sld [smem:$0x3FFB];
	_ =	sdelay $0x3  }
0x93: {  	_ =	strace s4  }
0x94: {  	s4 =	sld [smem:$0x3FFC];
	_ =	sdelay $0x3  }
0x95: {  	_ =	strace s4  }
0x96: {  	s4 =	sld [smem:$0x3FFD];
	_ =	sdelay $0x3  }
0x97: {  	_ =	strace s4  }
0x98: {  	_ =	strace $0x8FFFFFFF  }
0x99: {  	s20 =	sld [smem:$0x3FDB];
	_ =	sdelay $0x1  }
0x9a: {  	s5 =	simm.s32 $_scs_section_size  }
0x9b: {  	s6 =	simm.s32 $_size__tile_overlayer_lowered;
	s7 =	simm.s32 $_tile_overlayer_lowered  }
0x9c: {  	s23 =	simm.s32 $0x1BFF;
	s22 =	sshll.u32 s7, $0x1;
	s4 =	sadd.s32 s5, s20  }
0x9d: {  	s8 =	simm.s32 $0x0;
	s21 =	sshll.u32 s6, $0x1;
	s6 =	sadd.s32 s22, s4  }
0x9e: {  	[timem:s8], [sflag:s23] =	dma.local [hbm:s6], s21  }
0x9f: {  	_ =	swait.ge [sflag:s23], s21  }
0xa0: {  	s5 =	ssub.s32 $0x0, s21;
	[sflag:s23] =	ssyncset.done $0x0  }
0xa1: {  	[sflag:s23] =	ssyncadd.s32 s5;
	_ =	sdelay $0x1  }
0xa2: {  	s24 =	simm.s32 $0x1B8B  }
0xa3: {  	_ =	swait.ge [sflag:s24], $0x1  }
0xa4: {  	[sflag:s24] =	ssyncset.done $0x0  }
0xa5: {  	s25 =	simm.s32 $0x1B8E;
	[sflag:s24] =	ssyncadd.s32 $0xFFFFFFFF  }
0xa6: {  	s26 =	simm.s32 $execute0_lowered;
	[smem:$0x3FD2] =	sst s25  }
0xa7: {  	s5 =	sshll.u32 s26, $0x1;
	_ =	strace $0x80000046;
	[dreg:$0x1] =	wrdreg $0xFFFFFFFF  }
0xa8: {  	s28 =	simm.s32 $_size_execute0_lowered;
	s4 =	sadd.s32 s4, s5;
	[dreg:$0x0] =	wrdreg $0x0  }
0xa9: {  	s5 =	sshll.u32 s28, $0x1;
	[dreg:$0x2] =	wrdreg s4  }
0xaa: {  	[dreg:$0x3] =	wrdreg s5  }
0xab: {  	[dreg:$0x4] =	wrdreg $0xC0  }
0xac: {  	_ =	task [dreg:s8], $0x5FFFF  }
0xad: {  	[dreg:$0x1] =	wrdreg $0xFFFFFFFF  }
0xae: {  	[dreg:$0x0] =	wrdreg $0x60  }
0xaf: {  	[dreg:$0x2] =	wrdreg s2  }
0xb0: {  	[dreg:$0x3] =	wrdreg s19  }
0xb1: {  	[dreg:$0x4] =	wrdreg $0x9  }
0xb2: {  	_ =	task.clear_ibuf [dreg:s8], $0x5FFFF;
	_ =	strace $0x90000046  }
0xb3: {  	s29 =	simm.s32 $0x9;
	_ =	strace $0x80000048  }
0xb4: {  	_ =	swait.ge [sflag:s29], $0x1  }
0xb5: {  	[sflag:s29] =	ssyncadd.s32 $0xFFFFFFFF  }
0xb6: {  	_ =	strace $0x90000048  }
0xb7: {  	_ =	sfence  }
0xb8: {  	s30 =	sld [smem:$0x0];
	_ =	sdelay $0x2  }
0xb9: {  	s31 =	sshll.u32 s1, $0xD;
	s1 =	sshrl.u32 s1, $0x2  }
0xba: {  	s3 =	sand.u32 $0x4000, s31;
	s1 =	sadd.s32 s1, s30  }
0xbb: {  	s0 =	sor.u32 s3, s0;
	s1 =	sshll.u32 s1, $0x11  }
0xbc: {  	s0 =	sor.u32 s1, s0  }
0xbd: {  	s0 =	sadd.s32 $0x8F2B, s0  }
0xbe: {  	[sflag:s0] =	ssyncadd.remote.s32 $0x1  }
0xbf: {  	_ =	sfence.sel $0xFFFF  }
0xc0: {  	[dreg:$0x0] =	wrdreg $0xFFFFFFFF;
	(pc) =	sbr.abs _section_cstart, $3  }
0xc1: {  	[dreg:$0x1] =	wrdreg $0xFFFFFFFF  }
0xc2: {  	_ =	task.clear_ibuf [dreg:s8], $0x2FFFF;
	_ =	strace $0x9FFFFFFF  }
0xc3: {  	(tm) =	ssettm $0x7FFFFFFF  }
tec
execute0_lowered:
.L_overlay_start_1:
0x0: {  	(tag) =	ssettag $0x1  }
0x1: {  	s4 =	rddreg [dreg:$0x0]  }
0x2: {  	s6 =	rddreg [dreg:$0x1];
	s3 =	srdreg.scid  }
0x3: {  	s2 =	simm.s32 $0x0;
	s1 =	stileid.u32;
	s11 =	simm.s32 $0x5  }
0x4: {  	s12 =	simm.s32 $0x4000;
	s13 =	simm.s32 $0x400;
	s14 =	simm.s32 $0xA400  }
0x5: {  	s15 =	simm.s32 $0x10800;
	s16 =	simm.s32 $0x16C00;
	s17 =	simm.s32 $0x1  }
0x6: {  	s18 =	simm.s32 $0x2;
	s19 =	simm.s32 $0x3;
	s20 =	simm.s32 $0x4  }
0x7: {  	s21 =	simm.s32 $0x0;
	s3 =	sand.u32 $0x1, s3;
	s7 =	sshll.u32 s1, $0xA  }
0x8: {  	v0 =	vimm.s32 $0x0;
	v1 =	vlaneseq.u32;
	v2 =	vimm.s32 $0x1;
	[smem:$0x7FF] =	sst s2;
	s5 =	ssub.s32 $0x2, s3;
	s8 =	sshll.u32 s3, $0x9  }
0x9: {  	v3 =	vor.u32 $0x10, v1;
	v4 =	vor.u32 $0x20, v1;
	v5 =	vor.u32 $0x30, v1;
	_ =	strace $0x80000047;
	s30 =	sshrl.u32 s5, $0x1;
	s9 =	sor.u32 s8, s7  }
0xa: {  	v6 =	vor.u32 $0x40, v1;
	v7 =	vor.u32 $0x50, v1;
	v8 =	vor.u32 $0x60, v1;
	s31 =	sadd.s32 s7, s6;
	s10 =	ssub.s32 s5, s30;
	s3 =	sadd.s32 s6, s9  }
0xb: {  	v9 =	vor.u32 $0x70, v1;
	v10 =	vor.u32 $0x3200, v1;
	v11 =	vor.u32 $0x3210, v1;
	s4 =	sadd.s32 s4, s9;
	s9 =	sadd.s32 s8, s31;
	s5 =	sadd.s32 $0x80, s3  }
0xc: {  	v12 =	vor.u32 $0x3220, v1;
	v13 =	vor.u32 $0x3230, v1;
	v14 =	vor.u32 $0x3240, v1;
	s6 =	sadd.s32 $0x100, s3;
	s7 =	sadd.s32 $0x180, s3;
	s8 =	smax.u32 s10, $0x1  }
0xd: {  	v15 =	vor.u32 $0x3250, v1;
	v16 =	vor.u32 $0x3260, v1;
	v17 =	vor.u32 $0x3270, v1;
	[dreg:$0x3] =	wrdreg s9;
	s9 =	simm.s32 $0x1000;
	s10 =	simm.s32 $0x20000  }
.LBB2_1:
0xe: {  	[tilespmem:s2], [sflag:$0x5] =	stream.strided.gather [hbm4b:s4+s9], $0x4000, s10, s9, $0x38;
	[tilespmem:$0x1D000] =	vst v63  }
0xf: {  	s22 =	simm.s32 $0x0;
	s23 =	simm.s32 $0x200  }
.LBB2_2:
0x10: {  	p0 =	sne.s32 s23, $0x18E00;
	[tilespmem:s22+$0x4070] =	vst v0  }
0x11: {  	[tilespmem:s22+$0x4000] =	vst v0  }
0x12: {  	[tilespmem:s22+$0x4010] =	vst v0  }
.Ltmp0:
0x13: {  	[tilespmem:s22+$0x4020] =	vst v0;
	(pc) =	sbr.rel @p0 .LBB2_2-.Ltmp0, $4  }
0x14: {  	[tilespmem:s22+$0x4030] =	vst v0  }
0x15: {  	[tilespmem:s22+$0x4040] =	vst v0  }
0x16: {  	[tilespmem:s22+$0x4050] =	vst v0  }
0x17: {  	[tilespmem:s22+$0x4060] =	vst v0;
	s22 =	sshra.s32 s23, $0x2;
	s23 =	sadd.s32 $0x200, s23  }
0x18: {  	[tilespmem:s22+$0x4070] =	vst v0  }
0x19: {  	[tilespmem:s22+$0x4000] =	vst v0  }
0x1a: {  	[tilespmem:s22+$0x4010] =	vst v0  }
0x1b: {  	[tilespmem:s22+$0x4020] =	vst v0  }
0x1c: {  	[tilespmem:s22+$0x4030] =	vst v0  }
0x1d: {  	[tilespmem:s22+$0x4040] =	vst v0  }
0x1e: {  	[tilespmem:s22+$0x4050] =	vst v0  }
0x1f: {  	[tilespmem:s22+$0x4060] =	vst v0  }
0x20: {  	_ =	swait.ge [sflag:s11], $0x4000  }
0x21: {  	[sflag:s11] =	ssyncset.done $0x0  }
0x22: {  	[sflag:s11] =	ssyncadd.s32 $0xFFFFC000  }
0x23: {  	v18 =	vld [tilespmem:$0x0];
	_ =	sdelay $0x4  }
0x24: {  	v18 =	vshll.u32 v18, $0x7  }
0x25: {  	v18 =	vor.u32 v1, v18;
	_ =	sdelay $0x4  }
0x26: {  	[tilespmem:v18+s12+$0x0] =	vst.idx.msk $0xffff, v2  }
0x27: {  	v18 =	vld [tilespmem:$0x10];
	_ =	sdelay $0x4  }
0x28: {  	v18 =	vshll.u32 v18, $0x7  }
0x29: {  	v18 =	vor.u32 v3, v18;
	_ =	sdelay $0x4  }
0x2a: {  	[tilespmem:v18+s12+$0x0] =	vst.idx.msk $0xffff, v2  }
0x2b: {  	v18 =	vld [tilespmem:$0x20];
	_ =	sdelay $0x4  }
0x2c: {  	v18 =	vshll.u32 v18, $0x7  }
0x2d: {  	v18 =	vor.u32 v4, v18;
	_ =	sdelay $0x4  }
0x2e: {  	[tilespmem:v18+s12+$0x0] =	vst.idx.msk $0xffff, v2  }
0x2f: {  	v18 =	vld [tilespmem:$0x30];
	_ =	sdelay $0x4  }
0x30: {  	v18 =	vshll.u32 v18, $0x7  }
0x31: {  	v18 =	vor.u32 v5, v18;
	_ =	sdelay $0x4  }
0x32: {  	[tilespmem:v18+s12+$0x0] =	vst.idx.msk $0xffff, v2  }
0x33: {  	v18 =	vld [tilespmem:$0x40];
	_ =	sdelay $0x4  }
0x34: {  	v18 =	vshll.u32 v18, $0x7  }
0x35: {  	v18 =	vor.u32 v6, v18;
	_ =	sdelay $0x4  }
0x36: {  	[tilespmem:v18+s12+$0x0] =	vst.idx.msk $0xffff, v2  }
0x37: {  	v18 =	vld [tilespmem:$0x50];
	_ =	sdelay $0x4  }
0x38: {  	v18 =	vshll.u32 v18, $0x7  }
0x39: {  	v18 =	vor.u32 v7, v18;
	_ =	sdelay $0x4  }
0x3a: {  	[tilespmem:v18+s12+$0x0] =	vst.idx.msk $0xffff, v2  }
0x3b: {  	v18 =	vld [tilespmem:$0x60];
	_ =	sdelay $0x4  }
0x3c: {  	v18 =	vshll.u32 v18, $0x7  }
0x3d: {  	v18 =	vor.u32 v8, v18;
	_ =	sdelay $0x4  }
0x3e: {  	[tilespmem:v18+s12+$0x0] =	vst.idx.msk $0xffff, v2  }
0x3f: {  	v18 =	vld [tilespmem:$0x70];
	_ =	sdelay $0x4  }
0x40: {  	v18 =	vshll.u32 v18, $0x7  }
0x41: {  	v18 =	vor.u32 v9, v18;
	_ =	sdelay $0x4  }
0x42: {  	[tilespmem:v18+s12+$0x0] =	vst.idx.msk $0xffff, v2  }
0x43: {  	v18 =	vld [tilespmem:$0x80];
	_ =	sdelay $0x4  }
0x44: {  	v18 =	vshll.u32 v18, $0x7  }
0x45: {  	v18 =	vadd.s32 v10, v18;
	_ =	sdelay $0x4  }
0x46: {  	[tilespmem:v18+s12+$0x0] =	vst.idx.msk $0xffff, v2  }
0x47: {  	v18 =	vld [tilespmem:$0x90];
	_ =	sdelay $0x4  }
0x48: {  	v18 =	vshll.u32 v18, $0x7  }
0x49: {  	v18 =	vadd.s32 v11, v18;
	_ =	sdelay $0x4  }
0x4a: {  	[tilespmem:v18+s12+$0x0] =	vst.idx.msk $0xffff, v2  }
0x4b: {  	v18 =	vld [tilespmem:$0xA0];
	_ =	sdelay $0x4  }
0x4c: {  	v18 =	vshll.u32 v18, $0x7  }
0x4d: {  	v18 =	vadd.s32 v12, v18;
	_ =	sdelay $0x4  }
0x4e: {  	[tilespmem:v18+s12+$0x0] =	vst.idx.msk $0xffff, v2  }
0x4f: {  	v18 =	vld [tilespmem:$0xB0];
	_ =	sdelay $0x4  }
0x50: {  	v18 =	vshll.u32 v18, $0x7  }
0x51: {  	v18 =	vadd.s32 v13, v18;
	_ =	sdelay $0x4  }
0x52: {  	[tilespmem:v18+s12+$0x0] =	vst.idx.msk $0xffff, v2  }
0x53: {  	v18 =	vld [tilespmem:$0xC0];
	_ =	sdelay $0x4  }
0x54: {  	v18 =	vshll.u32 v18, $0x7  }
0x55: {  	v18 =	vadd.s32 v14, v18;
	_ =	sdelay $0x4  }
0x56: {  	[tilespmem:v18+s12+$0x0] =	vst.idx.msk $0xffff, v2  }
0x57: {  	v18 =	vld [tilespmem:$0xD0];
	_ =	sdelay $0x4  }
0x58: {  	v18 =	vshll.u32 v18, $0x7  }
0x59: {  	v18 =	vadd.s32 v15, v18;
	_ =	sdelay $0x4  }
0x5a: {  	[tilespmem:v18+s12+$0x0] =	vst.idx.msk $0xffff, v2  }
0x5b: {  	v18 =	vld [tilespmem:$0xE0];
	_ =	sdelay $0x4  }
0x5c: {  	v18 =	vshll.u32 v18, $0x7  }
0x5d: {  	v18 =	vadd.s32 v16, v18;
	_ =	sdelay $0x4  }
0x5e: {  	[tilespmem:v18+s12+$0x0] =	vst.idx.msk $0xffff, v2  }
0x5f: {  	v18 =	vld [tilespmem:$0xF0];
	_ =	sdelay $0x4  }
0x60: {  	v18 =	vshll.u32 v18, $0x7  }
0x61: {  	v18 =	vadd.s32 v17, v18;
	_ =	sdelay $0x4  }
0x62: {  	s22 =	simm.s32 $0x0;
	s23 =	simm.s32 $0x200;
	[tilespmem:v18+s12+$0x0] =	vst.idx.msk $0xffff, v2  }
0x63: {  	[hbm4b:s3+s13] =	stream.strided.scatter [tilespmem:s12], [sflag:$0x1], $0x6400, s10, s13, $0x38;
	[tilespmem:$0x1D000] =	vst v63  }
.LBB2_4:
0x64: {  	p0 =	sne.s32 s23, $0x18E00;
	[tilespmem:s22+$0xA470] =	vst v0  }
0x65: {  	[tilespmem:s22+$0xA400] =	vst v0  }
0x66: {  	[tilespmem:s22+$0xA410] =	vst v0  }
.Ltmp1:
0x67: {  	[tilespmem:s22+$0xA420] =	vst v0;
	(pc) =	sbr.rel @p0 .LBB2_4-.Ltmp1, $4  }
0x68: {  	[tilespmem:s22+$0xA430] =	vst v0  }
0x69: {  	[tilespmem:s22+$0xA440] =	vst v0  }
0x6a: {  	[tilespmem:s22+$0xA450] =	vst v0  }
0x6b: {  	[tilespmem:s22+$0xA460] =	vst v0;
	s22 =	sshra.s32 s23, $0x2;
	s23 =	sadd.s32 $0x200, s23  }
0x6c: {  	[tilespmem:s22+$0xA470] =	vst v0  }
0x6d: {  	[tilespmem:s22+$0xA400] =	vst v0  }
0x6e: {  	[tilespmem:s22+$0xA410] =	vst v0  }
0x6f: {  	[tilespmem:s22+$0xA420] =	vst v0  }
0x70: {  	[tilespmem:s22+$0xA430] =	vst v0  }
0x71: {  	[tilespmem:s22+$0xA440] =	vst v0  }
0x72: {  	[tilespmem:s22+$0xA450] =	vst v0  }
0x73: {  	[tilespmem:s22+$0xA460] =	vst v0  }
0x74: {  	v18 =	vld [tilespmem:$0x400];
	_ =	sdelay $0x4  }
0x75: {  	v18 =	vshll.u32 v18, $0x7  }
0x76: {  	v18 =	vor.u32 v1, v18;
	_ =	sdelay $0x4  }
0x77: {  	[tilespmem:v18+s14+$0x0] =	vst.idx.msk $0xffff, v2  }
0x78: {  	v18 =	vld [tilespmem:$0x410];
	_ =	sdelay $0x4  }
0x79: {  	v18 =	vshll.u32 v18, $0x7  }
0x7a: {  	v18 =	vor.u32 v3, v18;
	_ =	sdelay $0x4  }
0x7b: {  	[tilespmem:v18+s14+$0x0] =	vst.idx.msk $0xffff, v2  }
0x7c: {  	v18 =	vld [tilespmem:$0x420];
	_ =	sdelay $0x4  }
0x7d: {  	v18 =	vshll.u32 v18, $0x7  }
0x7e: {  	v18 =	vor.u32 v4, v18;
	_ =	sdelay $0x4  }
0x7f: {  	[tilespmem:v18+s14+$0x0] =	vst.idx.msk $0xffff, v2  }
0x80: {  	v18 =	vld [tilespmem:$0x430];
	_ =	sdelay $0x4  }
0x81: {  	v18 =	vshll.u32 v18, $0x7  }
0x82: {  	v18 =	vor.u32 v5, v18;
	_ =	sdelay $0x4  }
0x83: {  	[tilespmem:v18+s14+$0x0] =	vst.idx.msk $0xffff, v2  }
0x84: {  	v18 =	vld [tilespmem:$0x440];
	_ =	sdelay $0x4  }
0x85: {  	v18 =	vshll.u32 v18, $0x7  }
0x86: {  	v18 =	vor.u32 v6, v18;
	_ =	sdelay $0x4  }
0x87: {  	[tilespmem:v18+s14+$0x0] =	vst.idx.msk $0xffff, v2  }
0x88: {  	v18 =	vld [tilespmem:$0x450];
	_ =	sdelay $0x4  }
0x89: {  	v18 =	vshll.u32 v18, $0x7  }
0x8a: {  	v18 =	vor.u32 v7, v18;
	_ =	sdelay $0x4  }
0x8b: {  	[tilespmem:v18+s14+$0x0] =	vst.idx.msk $0xffff, v2  }
0x8c: {  	v18 =	vld [tilespmem:$0x460];
	_ =	sdelay $0x4  }
0x8d: {  	v18 =	vshll.u32 v18, $0x7  }
0x8e: {  	v18 =	vor.u32 v8, v18;
	_ =	sdelay $0x4  }
0x8f: {  	[tilespmem:v18+s14+$0x0] =	vst.idx.msk $0xffff, v2  }
0x90: {  	v18 =	vld [tilespmem:$0x470];
	_ =	sdelay $0x4  }
0x91: {  	v18 =	vshll.u32 v18, $0x7  }
0x92: {  	v18 =	vor.u32 v9, v18;
	_ =	sdelay $0x4  }
0x93: {  	[tilespmem:v18+s14+$0x0] =	vst.idx.msk $0xffff, v2  }
0x94: {  	v18 =	vld [tilespmem:$0x480];
	_ =	sdelay $0x4  }
0x95: {  	v18 =	vshll.u32 v18, $0x7  }
0x96: {  	v18 =	vadd.s32 v10, v18;
	_ =	sdelay $0x4  }
0x97: {  	[tilespmem:v18+s14+$0x0] =	vst.idx.msk $0xffff, v2  }
0x98: {  	v18 =	vld [tilespmem:$0x490];
	_ =	sdelay $0x4  }
0x99: {  	v18 =	vshll.u32 v18, $0x7  }
0x9a: {  	v18 =	vadd.s32 v11, v18;
	_ =	sdelay $0x4  }
0x9b: {  	[tilespmem:v18+s14+$0x0] =	vst.idx.msk $0xffff, v2  }
0x9c: {  	v18 =	vld [tilespmem:$0x4A0];
	_ =	sdelay $0x4  }
0x9d: {  	v18 =	vshll.u32 v18, $0x7  }
0x9e: {  	v18 =	vadd.s32 v12, v18;
	_ =	sdelay $0x4  }
0x9f: {  	[tilespmem:v18+s14+$0x0] =	vst.idx.msk $0xffff, v2  }
0xa0: {  	v18 =	vld [tilespmem:$0x4B0];
	_ =	sdelay $0x4  }
0xa1: {  	v18 =	vshll.u32 v18, $0x7  }
0xa2: {  	v18 =	vadd.s32 v13, v18;
	_ =	sdelay $0x4  }
0xa3: {  	[tilespmem:v18+s14+$0x0] =	vst.idx.msk $0xffff, v2  }
0xa4: {  	v18 =	vld [tilespmem:$0x4C0];
	_ =	sdelay $0x4  }
0xa5: {  	v18 =	vshll.u32 v18, $0x7  }
0xa6: {  	v18 =	vadd.s32 v14, v18;
	_ =	sdelay $0x4  }
0xa7: {  	[tilespmem:v18+s14+$0x0] =	vst.idx.msk $0xffff, v2  }
0xa8: {  	v18 =	vld [tilespmem:$0x4D0];
	_ =	sdelay $0x4  }
0xa9: {  	v18 =	vshll.u32 v18, $0x7  }
0xaa: {  	v18 =	vadd.s32 v15, v18;
	_ =	sdelay $0x4  }
0xab: {  	[tilespmem:v18+s14+$0x0] =	vst.idx.msk $0xffff, v2  }
0xac: {  	v18 =	vld [tilespmem:$0x4E0];
	_ =	sdelay $0x4  }
0xad: {  	v18 =	vshll.u32 v18, $0x7  }
0xae: {  	v18 =	vadd.s32 v16, v18;
	_ =	sdelay $0x4  }
0xaf: {  	[tilespmem:v18+s14+$0x0] =	vst.idx.msk $0xffff, v2  }
0xb0: {  	v18 =	vld [tilespmem:$0x4F0];
	_ =	sdelay $0x4  }
0xb1: {  	v18 =	vshll.u32 v18, $0x7  }
0xb2: {  	v18 =	vadd.s32 v17, v18;
	_ =	sdelay $0x4  }
0xb3: {  	s22 =	simm.s32 $0x0;
	s23 =	simm.s32 $0x200;
	[tilespmem:v18+s14+$0x0] =	vst.idx.msk $0xffff, v2  }
0xb4: {  	[hbm4b:s5+s13] =	stream.strided.scatter [tilespmem:s14], [sflag:$0x2], $0x6400, s10, s13, $0x38;
	[tilespmem:$0x1D000] =	vst v63  }
.LBB2_6:
0xb5: {  	p0 =	sne.s32 s23, $0x18E00;
	[tilespmem:s22+$0x10870] =	vst v0  }
0xb6: {  	[tilespmem:s22+$0x10800] =	vst v0  }
0xb7: {  	[tilespmem:s22+$0x10810] =	vst v0  }
.Ltmp2:
0xb8: {  	[tilespmem:s22+$0x10820] =	vst v0;
	(pc) =	sbr.rel @p0 .LBB2_6-.Ltmp2, $4  }
0xb9: {  	[tilespmem:s22+$0x10830] =	vst v0  }
0xba: {  	[tilespmem:s22+$0x10840] =	vst v0  }
0xbb: {  	[tilespmem:s22+$0x10850] =	vst v0  }
0xbc: {  	[tilespmem:s22+$0x10860] =	vst v0;
	s22 =	sshra.s32 s23, $0x2;
	s23 =	sadd.s32 $0x200, s23  }
0xbd: {  	[tilespmem:s22+$0x10870] =	vst v0  }
0xbe: {  	[tilespmem:s22+$0x10800] =	vst v0  }
0xbf: {  	[tilespmem:s22+$0x10810] =	vst v0  }
0xc0: {  	[tilespmem:s22+$0x10820] =	vst v0  }
0xc1: {  	[tilespmem:s22+$0x10830] =	vst v0  }
0xc2: {  	[tilespmem:s22+$0x10840] =	vst v0  }
0xc3: {  	[tilespmem:s22+$0x10850] =	vst v0  }
0xc4: {  	[tilespmem:s22+$0x10860] =	vst v0  }
0xc5: {  	v18 =	vld [tilespmem:$0x800];
	_ =	sdelay $0x4  }
0xc6: {  	v18 =	vshll.u32 v18, $0x7  }
0xc7: {  	v18 =	vor.u32 v1, v18;
	_ =	sdelay $0x4  }
0xc8: {  	[tilespmem:v18+s15+$0x0] =	vst.idx.msk $0xffff, v2  }
0xc9: {  	v18 =	vld [tilespmem:$0x810];
	_ =	sdelay $0x4  }
0xca: {  	v18 =	vshll.u32 v18, $0x7  }
0xcb: {  	v18 =	vor.u32 v3, v18;
	_ =	sdelay $0x4  }
0xcc: {  	[tilespmem:v18+s15+$0x0] =	vst.idx.msk $0xffff, v2  }
0xcd: {  	v18 =	vld [tilespmem:$0x820];
	_ =	sdelay $0x4  }
0xce: {  	v18 =	vshll.u32 v18, $0x7  }
0xcf: {  	v18 =	vor.u32 v4, v18;
	_ =	sdelay $0x4  }
0xd0: {  	[tilespmem:v18+s15+$0x0] =	vst.idx.msk $0xffff, v2  }
0xd1: {  	v18 =	vld [tilespmem:$0x830];
	_ =	sdelay $0x4  }
0xd2: {  	v18 =	vshll.u32 v18, $0x7  }
0xd3: {  	v18 =	vor.u32 v5, v18;
	_ =	sdelay $0x4  }
0xd4: {  	[tilespmem:v18+s15+$0x0] =	vst.idx.msk $0xffff, v2  }
0xd5: {  	v18 =	vld [tilespmem:$0x840];
	_ =	sdelay $0x4  }
0xd6: {  	v18 =	vshll.u32 v18, $0x7  }
0xd7: {  	v18 =	vor.u32 v6, v18;
	_ =	sdelay $0x4  }
0xd8: {  	[tilespmem:v18+s15+$0x0] =	vst.idx.msk $0xffff, v2  }
0xd9: {  	v18 =	vld [tilespmem:$0x850];
	_ =	sdelay $0x4  }
0xda: {  	v18 =	vshll.u32 v18, $0x7  }
0xdb: {  	v18 =	vor.u32 v7, v18;
	_ =	sdelay $0x4  }
0xdc: {  	[tilespmem:v18+s15+$0x0] =	vst.idx.msk $0xffff, v2  }
0xdd: {  	v18 =	vld [tilespmem:$0x860];
	_ =	sdelay $0x4  }
0xde: {  	v18 =	vshll.u32 v18, $0x7  }
0xdf: {  	v18 =	vor.u32 v8, v18;
	_ =	sdelay $0x4  }
0xe0: {  	[tilespmem:v18+s15+$0x0] =	vst.idx.msk $0xffff, v2  }
0xe1: {  	v18 =	vld [tilespmem:$0x870];
	_ =	sdelay $0x4  }
0xe2: {  	v18 =	vshll.u32 v18, $0x7  }
0xe3: {  	v18 =	vor.u32 v9, v18;
	_ =	sdelay $0x4  }
0xe4: {  	[tilespmem:v18+s15+$0x0] =	vst.idx.msk $0xffff, v2  }
0xe5: {  	v18 =	vld [tilespmem:$0x880];
	_ =	sdelay $0x4  }
0xe6: {  	v18 =	vshll.u32 v18, $0x7  }
0xe7: {  	v18 =	vadd.s32 v10, v18;
	_ =	sdelay $0x4  }
0xe8: {  	[tilespmem:v18+s15+$0x0] =	vst.idx.msk $0xffff, v2  }
0xe9: {  	v18 =	vld [tilespmem:$0x890];
	_ =	sdelay $0x4  }
0xea: {  	v18 =	vshll.u32 v18, $0x7  }
0xeb: {  	v18 =	vadd.s32 v11, v18;
	_ =	sdelay $0x4  }
0xec: {  	[tilespmem:v18+s15+$0x0] =	vst.idx.msk $0xffff, v2  }
0xed: {  	v18 =	vld [tilespmem:$0x8A0];
	_ =	sdelay $0x4  }
0xee: {  	v18 =	vshll.u32 v18, $0x7  }
0xef: {  	v18 =	vadd.s32 v12, v18;
	_ =	sdelay $0x4  }
0xf0: {  	[tilespmem:v18+s15+$0x0] =	vst.idx.msk $0xffff, v2  }
0xf1: {  	v18 =	vld [tilespmem:$0x8B0];
	_ =	sdelay $0x4  }
0xf2: {  	v18 =	vshll.u32 v18, $0x7  }
0xf3: {  	v18 =	vadd.s32 v13, v18;
	_ =	sdelay $0x4  }
0xf4: {  	[tilespmem:v18+s15+$0x0] =	vst.idx.msk $0xffff, v2  }
0xf5: {  	v18 =	vld [tilespmem:$0x8C0];
	_ =	sdelay $0x4  }
0xf6: {  	v18 =	vshll.u32 v18, $0x7  }
0xf7: {  	v18 =	vadd.s32 v14, v18;
	_ =	sdelay $0x4  }
0xf8: {  	[tilespmem:v18+s15+$0x0] =	vst.idx.msk $0xffff, v2  }
0xf9: {  	v18 =	vld [tilespmem:$0x8D0];
	_ =	sdelay $0x4  }
0xfa: {  	v18 =	vshll.u32 v18, $0x7  }
0xfb: {  	v18 =	vadd.s32 v15, v18;
	_ =	sdelay $0x4  }
0xfc: {  	[tilespmem:v18+s15+$0x0] =	vst.idx.msk $0xffff, v2  }
0xfd: {  	v18 =	vld [tilespmem:$0x8E0];
	_ =	sdelay $0x4  }
0xfe: {  	v18 =	vshll.u32 v18, $0x7  }
0xff: {  	v18 =	vadd.s32 v16, v18;
	_ =	sdelay $0x4  }
0x100: {  	[tilespmem:v18+s15+$0x0] =	vst.idx.msk $0xffff, v2  }
0x101: {  	v18 =	vld [tilespmem:$0x8F0];
	_ =	sdelay $0x4  }
0x102: {  	v18 =	vshll.u32 v18, $0x7  }
0x103: {  	v18 =	vadd.s32 v17, v18;
	_ =	sdelay $0x4  }
0x104: {  	s22 =	simm.s32 $0x0;
	s23 =	simm.s32 $0x200;
	[tilespmem:v18+s15+$0x0] =	vst.idx.msk $0xffff, v2  }
0x105: {  	[hbm4b:s6+s13] =	stream.strided.scatter [tilespmem:s15], [sflag:$0x3], $0x6400, s10, s13, $0x38;
	[tilespmem:$0x1D000] =	vst v63  }
.LBB2_8:
0x106: {  	p0 =	sne.s32 s23, $0x18E00;
	[tilespmem:s22+$0x16C70] =	vst v0  }
0x107: {  	[tilespmem:s22+$0x16C00] =	vst v0  }
0x108: {  	[tilespmem:s22+$0x16C10] =	vst v0  }
.Ltmp3:
0x109: {  	[tilespmem:s22+$0x16C20] =	vst v0;
	(pc) =	sbr.rel @p0 .LBB2_8-.Ltmp3, $4  }
0x10a: {  	[tilespmem:s22+$0x16C30] =	vst v0  }
0x10b: {  	[tilespmem:s22+$0x16C40] =	vst v0  }
0x10c: {  	[tilespmem:s22+$0x16C50] =	vst v0  }
0x10d: {  	[tilespmem:s22+$0x16C60] =	vst v0;
	s22 =	sshra.s32 s23, $0x2;
	s23 =	sadd.s32 $0x200, s23  }
0x10e: {  	[tilespmem:s22+$0x16C70] =	vst v0  }
0x10f: {  	[tilespmem:s22+$0x16C00] =	vst v0  }
0x110: {  	[tilespmem:s22+$0x16C10] =	vst v0  }
0x111: {  	[tilespmem:s22+$0x16C20] =	vst v0  }
0x112: {  	[tilespmem:s22+$0x16C30] =	vst v0  }
0x113: {  	[tilespmem:s22+$0x16C40] =	vst v0  }
0x114: {  	[tilespmem:s22+$0x16C50] =	vst v0  }
0x115: {  	[tilespmem:s22+$0x16C60] =	vst v0  }
0x116: {  	v18 =	vld [tilespmem:$0xC00];
	_ =	sdelay $0x4  }
0x117: {  	v18 =	vshll.u32 v18, $0x7  }
0x118: {  	v18 =	vor.u32 v1, v18;
	_ =	sdelay $0x4  }
0x119: {  	[tilespmem:v18+s16+$0x0] =	vst.idx.msk $0xffff, v2  }
0x11a: {  	v18 =	vld [tilespmem:$0xC10];
	_ =	sdelay $0x4  }
0x11b: {  	v18 =	vshll.u32 v18, $0x7  }
0x11c: {  	v18 =	vor.u32 v3, v18;
	_ =	sdelay $0x4  }
0x11d: {  	[tilespmem:v18+s16+$0x0] =	vst.idx.msk $0xffff, v2  }
0x11e: {  	v18 =	vld [tilespmem:$0xC20];
	_ =	sdelay $0x4  }
0x11f: {  	v18 =	vshll.u32 v18, $0x7  }
0x120: {  	v18 =	vor.u32 v4, v18;
	_ =	sdelay $0x4  }
0x121: {  	[tilespmem:v18+s16+$0x0] =	vst.idx.msk $0xffff, v2  }
0x122: {  	v18 =	vld [tilespmem:$0xC30];
	_ =	sdelay $0x4  }
0x123: {  	v18 =	vshll.u32 v18, $0x7  }
0x124: {  	v18 =	vor.u32 v5, v18;
	_ =	sdelay $0x4  }
0x125: {  	[tilespmem:v18+s16+$0x0] =	vst.idx.msk $0xffff, v2  }
0x126: {  	v18 =	vld [tilespmem:$0xC40];
	_ =	sdelay $0x4  }
0x127: {  	v18 =	vshll.u32 v18, $0x7  }
0x128: {  	v18 =	vor.u32 v6, v18;
	_ =	sdelay $0x4  }
0x129: {  	[tilespmem:v18+s16+$0x0] =	vst.idx.msk $0xffff, v2  }
0x12a: {  	v18 =	vld [tilespmem:$0xC50];
	_ =	sdelay $0x4  }
0x12b: {  	v18 =	vshll.u32 v18, $0x7  }
0x12c: {  	v18 =	vor.u32 v7, v18;
	_ =	sdelay $0x4  }
0x12d: {  	[tilespmem:v18+s16+$0x0] =	vst.idx.msk $0xffff, v2  }
0x12e: {  	v18 =	vld [tilespmem:$0xC60];
	_ =	sdelay $0x4  }
0x12f: {  	v18 =	vshll.u32 v18, $0x7  }
0x130: {  	v18 =	vor.u32 v8, v18;
	_ =	sdelay $0x4  }
0x131: {  	[tilespmem:v18+s16+$0x0] =	vst.idx.msk $0xffff, v2  }
0x132: {  	v18 =	vld [tilespmem:$0xC70];
	_ =	sdelay $0x4  }
0x133: {  	v18 =	vshll.u32 v18, $0x7  }
0x134: {  	v18 =	vor.u32 v9, v18;
	_ =	sdelay $0x4  }
0x135: {  	[tilespmem:v18+s16+$0x0] =	vst.idx.msk $0xffff, v2  }
0x136: {  	v18 =	vld [tilespmem:$0xC80];
	_ =	sdelay $0x4  }
0x137: {  	v18 =	vshll.u32 v18, $0x7  }
0x138: {  	v18 =	vadd.s32 v10, v18;
	_ =	sdelay $0x4  }
0x139: {  	[tilespmem:v18+s16+$0x0] =	vst.idx.msk $0xffff, v2  }
0x13a: {  	v18 =	vld [tilespmem:$0xC90];
	_ =	sdelay $0x4  }
0x13b: {  	v18 =	vshll.u32 v18, $0x7  }
0x13c: {  	v18 =	vadd.s32 v11, v18;
	_ =	sdelay $0x4  }
0x13d: {  	[tilespmem:v18+s16+$0x0] =	vst.idx.msk $0xffff, v2  }
0x13e: {  	v18 =	vld [tilespmem:$0xCA0];
	_ =	sdelay $0x4  }
0x13f: {  	v18 =	vshll.u32 v18, $0x7  }
0x140: {  	v18 =	vadd.s32 v12, v18;
	_ =	sdelay $0x4  }
0x141: {  	[tilespmem:v18+s16+$0x0] =	vst.idx.msk $0xffff, v2  }
0x142: {  	v18 =	vld [tilespmem:$0xCB0];
	_ =	sdelay $0x4  }
0x143: {  	v18 =	vshll.u32 v18, $0x7  }
0x144: {  	v18 =	vadd.s32 v13, v18;
	_ =	sdelay $0x4  }
0x145: {  	[tilespmem:v18+s16+$0x0] =	vst.idx.msk $0xffff, v2  }
0x146: {  	v18 =	vld [tilespmem:$0xCC0];
	_ =	sdelay $0x4  }
0x147: {  	v18 =	vshll.u32 v18, $0x7  }
0x148: {  	v18 =	vadd.s32 v14, v18;
	_ =	sdelay $0x4  }
0x149: {  	[tilespmem:v18+s16+$0x0] =	vst.idx.msk $0xffff, v2  }
0x14a: {  	v18 =	vld [tilespmem:$0xCD0];
	_ =	sdelay $0x4  }
0x14b: {  	v18 =	vshll.u32 v18, $0x7  }
0x14c: {  	v18 =	vadd.s32 v15, v18;
	_ =	sdelay $0x4  }
0x14d: {  	[tilespmem:v18+s16+$0x0] =	vst.idx.msk $0xffff, v2  }
0x14e: {  	v18 =	vld [tilespmem:$0xCE0];
	_ =	sdelay $0x4  }
0x14f: {  	v18 =	vshll.u32 v18, $0x7  }
0x150: {  	v18 =	vadd.s32 v16, v18;
	_ =	sdelay $0x4  }
0x151: {  	[tilespmem:v18+s16+$0x0] =	vst.idx.msk $0xffff, v2  }
0x152: {  	v18 =	vld [tilespmem:$0xCF0];
	_ =	sdelay $0x4  }
0x153: {  	v18 =	vshll.u32 v18, $0x7  }
0x154: {  	v18 =	vadd.s32 v17, v18;
	_ =	sdelay $0x4  }
0x155: {  	s22 =	simm.s32 $0x400;
	s23 =	simm.s32 $0x0;
	s24 =	simm.s32 $0x100;
	[tilespmem:v18+s16+$0x0] =	vst.idx.msk $0xffff, v2  }
0x156: {  	[hbm4b:s7+s22] =	stream.strided.scatter [tilespmem:s16], [sflag:$0x4], $0x6400, s10, s22, $0x38;
	[tilespmem:$0x1D000] =	vst v63  }
.LBB2_10:
0x157: {  	_ =	swait.ge [sflag:s17], $0x6400;
	s25 =	sadd.s32 $0xFFFFFC00, s22;
	s26 =	sadd.s32 $0xFFFFFF00, s24  }
0x158: {  	[sflag:s17] =	ssyncset.done $0x0;
	s28 =	sand.u32 $0x3000, s25;
	s26 =	sand.u32 $0x300, s26  }
0x159: {  	[sflag:s17] =	ssyncadd.s32 $0xFFFF9C00;
	s25 =	sor.u32 s26, s28  }
0x15a: {  	v18 =	vld [tilespmem:s25+$0x0];
	_ =	sdelay $0x4  }
0x15b: {  	v18 =	vshll.u32 v18, $0x7  }
0x15c: {  	v18 =	vor.u32 v1, v18;
	_ =	sdelay $0x4  }
0x15d: {  	[tilespmem:v18+s12+$0x0] =	vst.idx.msk $0xffff, v0  }
0x15e: {  	v18 =	vld [tilespmem:s25+$0x10];
	_ =	sdelay $0x4  }
0x15f: {  	v18 =	vshll.u32 v18, $0x7  }
0x160: {  	v18 =	vor.u32 v3, v18;
	_ =	sdelay $0x4  }
0x161: {  	[tilespmem:v18+s12+$0x0] =	vst.idx.msk $0xffff, v0  }
0x162: {  	v18 =	vld [tilespmem:s25+$0x20];
	_ =	sdelay $0x4  }
0x163: {  	v18 =	vshll.u32 v18, $0x7  }
0x164: {  	v18 =	vor.u32 v4, v18;
	_ =	sdelay $0x4  }
0x165: {  	[tilespmem:v18+s12+$0x0] =	vst.idx.msk $0xffff, v0  }
0x166: {  	v18 =	vld [tilespmem:s25+$0x30];
	_ =	sdelay $0x4  }
0x167: {  	v18 =	vshll.u32 v18, $0x7  }
0x168: {  	v18 =	vor.u32 v5, v18;
	_ =	sdelay $0x4  }
0x169: {  	[tilespmem:v18+s12+$0x0] =	vst.idx.msk $0xffff, v0  }
0x16a: {  	v18 =	vld [tilespmem:s25+$0x40];
	_ =	sdelay $0x4  }
0x16b: {  	v18 =	vshll.u32 v18, $0x7  }
0x16c: {  	v18 =	vor.u32 v6, v18;
	_ =	sdelay $0x4  }
0x16d: {  	[tilespmem:v18+s12+$0x0] =	vst.idx.msk $0xffff, v0  }
0x16e: {  	v18 =	vld [tilespmem:s25+$0x50];
	_ =	sdelay $0x4  }
0x16f: {  	v18 =	vshll.u32 v18, $0x7  }
0x170: {  	v18 =	vor.u32 v7, v18;
	_ =	sdelay $0x4  }
0x171: {  	[tilespmem:v18+s12+$0x0] =	vst.idx.msk $0xffff, v0  }
0x172: {  	v18 =	vld [tilespmem:s25+$0x60];
	_ =	sdelay $0x4  }
0x173: {  	v18 =	vshll.u32 v18, $0x7  }
0x174: {  	v18 =	vor.u32 v8, v18;
	_ =	sdelay $0x4  }
0x175: {  	[tilespmem:v18+s12+$0x0] =	vst.idx.msk $0xffff, v0  }
0x176: {  	v18 =	vld [tilespmem:s25+$0x70];
	_ =	sdelay $0x4  }
0x177: {  	v18 =	vshll.u32 v18, $0x7  }
0x178: {  	v18 =	vor.u32 v9, v18;
	_ =	sdelay $0x3  }
0x179: {  	s29 =	sor.u32 $0x80, s26  }
0x17a: {  	s30 =	sor.u32 s29, s28;
	[tilespmem:v18+s12+$0x0] =	vst.idx.msk $0xffff, v0  }
0x17b: {  	v18 =	vld [tilespmem:s30+$0x0];
	_ =	sdelay $0x4  }
0x17c: {  	v18 =	vshll.u32 v18, $0x7  }
0x17d: {  	v18 =	vadd.s32 v10, v18;
	_ =	sdelay $0x4  }
0x17e: {  	[tilespmem:v18+s12+$0x0] =	vst.idx.msk $0xffff, v0  }
0x17f: {  	v18 =	vld [tilespmem:s30+$0x10];
	_ =	sdelay $0x4  }
0x180: {  	v18 =	vshll.u32 v18, $0x7  }
0x181: {  	v18 =	vadd.s32 v11, v18;
	_ =	sdelay $0x4  }
0x182: {  	[tilespmem:v18+s12+$0x0] =	vst.idx.msk $0xffff, v0  }
0x183: {  	v18 =	vld [tilespmem:s30+$0x20];
	_ =	sdelay $0x4  }
0x184: {  	v18 =	vshll.u32 v18, $0x7  }
0x185: {  	v18 =	vadd.s32 v12, v18;
	_ =	sdelay $0x4  }
0x186: {  	[tilespmem:v18+s12+$0x0] =	vst.idx.msk $0xffff, v0  }
0x187: {  	v18 =	vld [tilespmem:s30+$0x30];
	_ =	sdelay $0x4  }
0x188: {  	v18 =	vshll.u32 v18, $0x7  }
0x189: {  	v18 =	vadd.s32 v13, v18;
	_ =	sdelay $0x4  }
0x18a: {  	[tilespmem:v18+s12+$0x0] =	vst.idx.msk $0xffff, v0  }
0x18b: {  	v18 =	vld [tilespmem:s30+$0x40];
	_ =	sdelay $0x4  }
0x18c: {  	v18 =	vshll.u32 v18, $0x7  }
0x18d: {  	v18 =	vadd.s32 v14, v18;
	_ =	sdelay $0x4  }
0x18e: {  	[tilespmem:v18+s12+$0x0] =	vst.idx.msk $0xffff, v0  }
0x18f: {  	v18 =	vld [tilespmem:s30+$0x50];
	_ =	sdelay $0x4  }
0x190: {  	v18 =	vshll.u32 v18, $0x7  }
0x191: {  	v18 =	vadd.s32 v15, v18;
	_ =	sdelay $0x4  }
0x192: {  	[tilespmem:v18+s12+$0x0] =	vst.idx.msk $0xffff, v0  }
0x193: {  	v18 =	vld [tilespmem:s30+$0x60];
	_ =	sdelay $0x4  }
0x194: {  	v18 =	vshll.u32 v18, $0x7  }
0x195: {  	v18 =	vadd.s32 v16, v18;
	_ =	sdelay $0x4  }
0x196: {  	[tilespmem:v18+s12+$0x0] =	vst.idx.msk $0xffff, v0  }
0x197: {  	v18 =	vld [tilespmem:s30+$0x70];
	_ =	sdelay $0x4  }
0x198: {  	v18 =	vshll.u32 v18, $0x7  }
0x199: {  	v18 =	vadd.s32 v17, v18;
	_ =	sdelay $0x3  }
0x19a: {  	s31 =	sand.u32 $0x7000, s22;
	s30 =	sand.u32 $0x300, s24  }
0x19b: {  	s25 =	sor.u32 s30, s31;
	[tilespmem:v18+s12+$0x0] =	vst.idx.msk $0xffff, v0  }
0x19c: {  	v18 =	vld [tilespmem:s25+$0x0];
	_ =	sdelay $0x4  }
0x19d: {  	v18 =	vshll.u32 v18, $0x7  }
0x19e: {  	v18 =	vor.u32 v1, v18;
	_ =	sdelay $0x4  }
0x19f: {  	[tilespmem:v18+s12+$0x0] =	vst.idx.msk $0xffff, v2  }
0x1a0: {  	v18 =	vld [tilespmem:s25+$0x10];
	_ =	sdelay $0x4  }
0x1a1: {  	v18 =	vshll.u32 v18, $0x7  }
0x1a2: {  	v18 =	vor.u32 v3, v18;
	_ =	sdelay $0x4  }
0x1a3: {  	[tilespmem:v18+s12+$0x0] =	vst.idx.msk $0xffff, v2  }
0x1a4: {  	v18 =	vld [tilespmem:s25+$0x20];
	_ =	sdelay $0x4  }
0x1a5: {  	v18 =	vshll.u32 v18, $0x7  }
0x1a6: {  	v18 =	vor.u32 v4, v18;
	_ =	sdelay $0x4  }
0x1a7: {  	[tilespmem:v18+s12+$0x0] =	vst.idx.msk $0xffff, v2  }
0x1a8: {  	v18 =	vld [tilespmem:s25+$0x30];
	_ =	sdelay $0x4  }
0x1a9: {  	v18 =	vshll.u32 v18, $0x7  }
0x1aa: {  	v18 =	vor.u32 v5, v18;
	_ =	sdelay $0x4  }
0x1ab: {  	[tilespmem:v18+s12+$0x0] =	vst.idx.msk $0xffff, v2  }
0x1ac: {  	v18 =	vld [tilespmem:s25+$0x40];
	_ =	sdelay $0x4  }
0x1ad: {  	v18 =	vshll.u32 v18, $0x7  }
0x1ae: {  	v18 =	vor.u32 v6, v18;
	_ =	sdelay $0x4  }
0x1af: {  	[tilespmem:v18+s12+$0x0] =	vst.idx.msk $0xffff, v2  }
0x1b0: {  	v18 =	vld [tilespmem:s25+$0x50];
	_ =	sdelay $0x4  }
0x1b1: {  	v18 =	vshll.u32 v18, $0x7  }
0x1b2: {  	v18 =	vor.u32 v7, v18;
	_ =	sdelay $0x4  }
0x1b3: {  	[tilespmem:v18+s12+$0x0] =	vst.idx.msk $0xffff, v2  }
0x1b4: {  	v18 =	vld [tilespmem:s25+$0x60];
	_ =	sdelay $0x4  }
0x1b5: {  	v18 =	vshll.u32 v18, $0x7  }
0x1b6: {  	v18 =	vor.u32 v8, v18;
	_ =	sdelay $0x4  }
0x1b7: {  	[tilespmem:v18+s12+$0x0] =	vst.idx.msk $0xffff, v2  }
0x1b8: {  	v18 =	vld [tilespmem:s25+$0x70];
	_ =	sdelay $0x4  }
0x1b9: {  	v18 =	vshll.u32 v18, $0x7  }
0x1ba: {  	v18 =	vor.u32 v9, v18;
	_ =	sdelay $0x4  }
0x1bb: {  	[tilespmem:v18+s12+$0x0] =	vst.idx.msk $0xffff, v2  }
0x1bc: {  	v18 =	vld [tilespmem:s25+$0x80];
	_ =	sdelay $0x4  }
0x1bd: {  	v18 =	vshll.u32 v18, $0x7  }
0x1be: {  	v18 =	vadd.s32 v10, v18;
	_ =	sdelay $0x4  }
0x1bf: {  	[tilespmem:v18+s12+$0x0] =	vst.idx.msk $0xffff, v2  }
0x1c0: {  	v18 =	vld [tilespmem:s25+$0x90];
	_ =	sdelay $0x4  }
0x1c1: {  	v18 =	vshll.u32 v18, $0x7  }
0x1c2: {  	v18 =	vadd.s32 v11, v18;
	_ =	sdelay $0x4  }
0x1c3: {  	[tilespmem:v18+s12+$0x0] =	vst.idx.msk $0xffff, v2  }
0x1c4: {  	v18 =	vld [tilespmem:s25+$0xA0];
	_ =	sdelay $0x4  }
0x1c5: {  	v18 =	vshll.u32 v18, $0x7  }
0x1c6: {  	v18 =	vadd.s32 v12, v18;
	_ =	sdelay $0x4  }
0x1c7: {  	[tilespmem:v18+s12+$0x0] =	vst.idx.msk $0xffff, v2  }
0x1c8: {  	v18 =	vld [tilespmem:s25+$0xB0];
	_ =	sdelay $0x4  }
0x1c9: {  	v18 =	vshll.u32 v18, $0x7  }
0x1ca: {  	v18 =	vadd.s32 v13, v18;
	_ =	sdelay $0x4  }
0x1cb: {  	[tilespmem:v18+s12+$0x0] =	vst.idx.msk $0xffff, v2  }
0x1cc: {  	v18 =	vld [tilespmem:s25+$0xC0];
	_ =	sdelay $0x4  }
0x1cd: {  	v18 =	vshll.u32 v18, $0x7  }
0x1ce: {  	v18 =	vadd.s32 v14, v18;
	_ =	sdelay $0x4  }
0x1cf: {  	[tilespmem:v18+s12+$0x0] =	vst.idx.msk $0xffff, v2  }
0x1d0: {  	v18 =	vld [tilespmem:s25+$0xD0];
	_ =	sdelay $0x4  }
0x1d1: {  	v18 =	vshll.u32 v18, $0x7  }
0x1d2: {  	v18 =	vadd.s32 v15, v18;
	_ =	sdelay $0x4  }
0x1d3: {  	[tilespmem:v18+s12+$0x0] =	vst.idx.msk $0xffff, v2  }
0x1d4: {  	v18 =	vld [tilespmem:s25+$0xE0];
	_ =	sdelay $0x4  }
0x1d5: {  	v18 =	vshll.u32 v18, $0x7  }
0x1d6: {  	v18 =	vadd.s32 v16, v18;
	_ =	sdelay $0x4  }
0x1d7: {  	[tilespmem:v18+s12+$0x0] =	vst.idx.msk $0xffff, v2  }
0x1d8: {  	v18 =	vld [tilespmem:s25+$0xF0];
	_ =	sdelay $0x4  }
0x1d9: {  	v18 =	vshll.u32 v18, $0x7  }
0x1da: {  	v18 =	vadd.s32 v17, v18;
	_ =	sdelay $0x2  }
0x1db: {  	s0 =	rddreg [dreg:$0x3]  }
0x1dc: {  	s30 =	sadd.s32 s23, s0  }
0x1dd: {  	s31 =	sadd.s32 $0x64000, s30;
	[tilespmem:v18+s12+$0x0] =	vst.idx.msk $0xffff, v2  }
0x1de: {  	[hbm4b:s31+s13] =	stream.strided.scatter [tilespmem:s12], [sflag:$0x1], $0x6400, s10, s13, $0x38;
	[tilespmem:$0x1D000] =	vst v63  }
0x1df: {  	_ =	swait.ge [sflag:s18], $0x6400  }
0x1e0: {  	s31 =	sor.u32 $0x400, s28;
	[sflag:s18] =	ssyncset.done $0x0  }
0x1e1: {  	s0 =	sor.u32 s26, s31;
	[sflag:s18] =	ssyncadd.s32 $0xFFFF9C00  }
0x1e2: {  	v18 =	vld [tilespmem:s0+$0x0];
	_ =	sdelay $0x4  }
0x1e3: {  	v18 =	vshll.u32 v18, $0x7  }
0x1e4: {  	v18 =	vor.u32 v1, v18;
	_ =	sdelay $0x4  }
0x1e5: {  	[tilespmem:v18+s14+$0x0] =	vst.idx.msk $0xffff, v0  }
0x1e6: {  	v18 =	vld [tilespmem:s0+$0x10];
	_ =	sdelay $0x4  }
0x1e7: {  	v18 =	vshll.u32 v18, $0x7  }
0x1e8: {  	v18 =	vor.u32 v3, v18;
	_ =	sdelay $0x4  }
0x1e9: {  	[tilespmem:v18+s14+$0x0] =	vst.idx.msk $0xffff, v0  }
0x1ea: {  	v18 =	vld [tilespmem:s0+$0x20];
	_ =	sdelay $0x4  }
0x1eb: {  	v18 =	vshll.u32 v18, $0x7  }
0x1ec: {  	v18 =	vor.u32 v4, v18;
	_ =	sdelay $0x4  }
0x1ed: {  	[tilespmem:v18+s14+$0x0] =	vst.idx.msk $0xffff, v0  }
0x1ee: {  	v18 =	vld [tilespmem:s0+$0x30];
	_ =	sdelay $0x4  }
0x1ef: {  	v18 =	vshll.u32 v18, $0x7  }
0x1f0: {  	v18 =	vor.u32 v5, v18;
	_ =	sdelay $0x4  }
0x1f1: {  	[tilespmem:v18+s14+$0x0] =	vst.idx.msk $0xffff, v0  }
0x1f2: {  	v18 =	vld [tilespmem:s0+$0x40];
	_ =	sdelay $0x4  }
0x1f3: {  	v18 =	vshll.u32 v18, $0x7  }
0x1f4: {  	v18 =	vor.u32 v6, v18;
	_ =	sdelay $0x4  }
0x1f5: {  	[tilespmem:v18+s14+$0x0] =	vst.idx.msk $0xffff, v0  }
0x1f6: {  	v18 =	vld [tilespmem:s0+$0x50];
	_ =	sdelay $0x4  }
0x1f7: {  	v18 =	vshll.u32 v18, $0x7  }
0x1f8: {  	v18 =	vor.u32 v7, v18;
	_ =	sdelay $0x4  }
0x1f9: {  	[tilespmem:v18+s14+$0x0] =	vst.idx.msk $0xffff, v0  }
0x1fa: {  	v18 =	vld [tilespmem:s0+$0x60];
	_ =	sdelay $0x4  }
0x1fb: {  	v18 =	vshll.u32 v18, $0x7  }
0x1fc: {  	v18 =	vor.u32 v8, v18;
	_ =	sdelay $0x4  }
0x1fd: {  	[tilespmem:v18+s14+$0x0] =	vst.idx.msk $0xffff, v0  }
0x1fe: {  	v18 =	vld [tilespmem:s0+$0x70];
	_ =	sdelay $0x4  }
0x1ff: {  	v18 =	vshll.u32 v18, $0x7  }
0x200: {  	v18 =	vor.u32 v9, v18;
	_ =	sdelay $0x4  }
0x201: {  	s31 =	sor.u32 s29, s31;
	[tilespmem:v18+s14+$0x0] =	vst.idx.msk $0xffff, v0  }
0x202: {  	v18 =	vld [tilespmem:s31+$0x0];
	_ =	sdelay $0x4  }
0x203: {  	v18 =	vshll.u32 v18, $0x7  }
0x204: {  	v18 =	vadd.s32 v10, v18;
	_ =	sdelay $0x4  }
0x205: {  	[tilespmem:v18+s14+$0x0] =	vst.idx.msk $0xffff, v0  }
0x206: {  	v18 =	vld [tilespmem:s31+$0x10];
	_ =	sdelay $0x4  }
0x207: {  	v18 =	vshll.u32 v18, $0x7  }
0x208: {  	v18 =	vadd.s32 v11, v18;
	_ =	sdelay $0x4  }
0x209: {  	[tilespmem:v18+s14+$0x0] =	vst.idx.msk $0xffff, v0  }
0x20a: {  	v18 =	vld [tilespmem:s31+$0x20];
	_ =	sdelay $0x4  }
0x20b: {  	v18 =	vshll.u32 v18, $0x7  }
0x20c: {  	v18 =	vadd.s32 v12, v18;
	_ =	sdelay $0x4  }
0x20d: {  	[tilespmem:v18+s14+$0x0] =	vst.idx.msk $0xffff, v0  }
0x20e: {  	v18 =	vld [tilespmem:s31+$0x30];
	_ =	sdelay $0x4  }
0x20f: {  	v18 =	vshll.u32 v18, $0x7  }
0x210: {  	v18 =	vadd.s32 v13, v18;
	_ =	sdelay $0x4  }
0x211: {  	[tilespmem:v18+s14+$0x0] =	vst.idx.msk $0xffff, v0  }
0x212: {  	v18 =	vld [tilespmem:s31+$0x40];
	_ =	sdelay $0x4  }
0x213: {  	v18 =	vshll.u32 v18, $0x7  }
0x214: {  	v18 =	vadd.s32 v14, v18;
	_ =	sdelay $0x4  }
0x215: {  	[tilespmem:v18+s14+$0x0] =	vst.idx.msk $0xffff, v0  }
0x216: {  	v18 =	vld [tilespmem:s31+$0x50];
	_ =	sdelay $0x4  }
0x217: {  	v18 =	vshll.u32 v18, $0x7  }
0x218: {  	v18 =	vadd.s32 v15, v18;
	_ =	sdelay $0x4  }
0x219: {  	[tilespmem:v18+s14+$0x0] =	vst.idx.msk $0xffff, v0  }
0x21a: {  	v18 =	vld [tilespmem:s31+$0x60];
	_ =	sdelay $0x4  }
0x21b: {  	v18 =	vshll.u32 v18, $0x7  }
0x21c: {  	v18 =	vadd.s32 v16, v18;
	_ =	sdelay $0x4  }
0x21d: {  	[tilespmem:v18+s14+$0x0] =	vst.idx.msk $0xffff, v0  }
0x21e: {  	v18 =	vld [tilespmem:s31+$0x70];
	_ =	sdelay $0x4  }
0x21f: {  	v18 =	vshll.u32 v18, $0x7  }
0x220: {  	v18 =	vadd.s32 v17, v18;
	_ =	sdelay $0x4  }
0x221: {  	[tilespmem:v18+s14+$0x0] =	vst.idx.msk $0xffff, v0  }
0x222: {  	v18 =	vld [tilespmem:s25+$0x400];
	_ =	sdelay $0x4  }
0x223: {  	v18 =	vshll.u32 v18, $0x7  }
0x224: {  	v18 =	vor.u32 v1, v18;
	_ =	sdelay $0x4  }
0x225: {  	[tilespmem:v18+s14+$0x0] =	vst.idx.msk $0xffff, v2  }
0x226: {  	v18 =	vld [tilespmem:s25+$0x410];
	_ =	sdelay $0x4  }
0x227: {  	v18 =	vshll.u32 v18, $0x7  }
0x228: {  	v18 =	vor.u32 v3, v18;
	_ =	sdelay $0x4  }
0x229: {  	[tilespmem:v18+s14+$0x0] =	vst.idx.msk $0xffff, v2  }
0x22a: {  	v18 =	vld [tilespmem:s25+$0x420];
	_ =	sdelay $0x4  }
0x22b: {  	v18 =	vshll.u32 v18, $0x7  }
0x22c: {  	v18 =	vor.u32 v4, v18;
	_ =	sdelay $0x4  }
0x22d: {  	[tilespmem:v18+s14+$0x0] =	vst.idx.msk $0xffff, v2  }
0x22e: {  	v18 =	vld [tilespmem:s25+$0x430];
	_ =	sdelay $0x4  }
0x22f: {  	v18 =	vshll.u32 v18, $0x7  }
0x230: {  	v18 =	vor.u32 v5, v18;
	_ =	sdelay $0x4  }
0x231: {  	[tilespmem:v18+s14+$0x0] =	vst.idx.msk $0xffff, v2  }
0x232: {  	v18 =	vld [tilespmem:s25+$0x440];
	_ =	sdelay $0x4  }
0x233: {  	v18 =	vshll.u32 v18, $0x7  }
0x234: {  	v18 =	vor.u32 v6, v18;
	_ =	sdelay $0x4  }
0x235: {  	[tilespmem:v18+s14+$0x0] =	vst.idx.msk $0xffff, v2  }
0x236: {  	v18 =	vld [tilespmem:s25+$0x450];
	_ =	sdelay $0x4  }
0x237: {  	v18 =	vshll.u32 v18, $0x7  }
0x238: {  	v18 =	vor.u32 v7, v18;
	_ =	sdelay $0x4  }
0x239: {  	[tilespmem:v18+s14+$0x0] =	vst.idx.msk $0xffff, v2  }
0x23a: {  	v18 =	vld [tilespmem:s25+$0x460];
	_ =	sdelay $0x4  }
0x23b: {  	v18 =	vshll.u32 v18, $0x7  }
0x23c: {  	v18 =	vor.u32 v8, v18;
	_ =	sdelay $0x4  }
0x23d: {  	[tilespmem:v18+s14+$0x0] =	vst.idx.msk $0xffff, v2  }
0x23e: {  	v18 =	vld [tilespmem:s25+$0x470];
	_ =	sdelay $0x4  }
0x23f: {  	v18 =	vshll.u32 v18, $0x7  }
0x240: {  	v18 =	vor.u32 v9, v18;
	_ =	sdelay $0x4  }
0x241: {  	[tilespmem:v18+s14+$0x0] =	vst.idx.msk $0xffff, v2  }
0x242: {  	v18 =	vld [tilespmem:s25+$0x480];
	_ =	sdelay $0x4  }
0x243: {  	v18 =	vshll.u32 v18, $0x7  }
0x244: {  	v18 =	vadd.s32 v10, v18;
	_ =	sdelay $0x4  }
0x245: {  	[tilespmem:v18+s14+$0x0] =	vst.idx.msk $0xffff, v2  }
0x246: {  	v18 =	vld [tilespmem:s25+$0x490];
	_ =	sdelay $0x4  }
0x247: {  	v18 =	vshll.u32 v18, $0x7  }
0x248: {  	v18 =	vadd.s32 v11, v18;
	_ =	sdelay $0x4  }
0x249: {  	[tilespmem:v18+s14+$0x0] =	vst.idx.msk $0xffff, v2  }
0x24a: {  	v18 =	vld [tilespmem:s25+$0x4A0];
	_ =	sdelay $0x4  }
0x24b: {  	v18 =	vshll.u32 v18, $0x7  }
0x24c: {  	v18 =	vadd.s32 v12, v18;
	_ =	sdelay $0x4  }
0x24d: {  	[tilespmem:v18+s14+$0x0] =	vst.idx.msk $0xffff, v2  }
0x24e: {  	v18 =	vld [tilespmem:s25+$0x4B0];
	_ =	sdelay $0x4  }
0x24f: {  	v18 =	vshll.u32 v18, $0x7  }
0x250: {  	v18 =	vadd.s32 v13, v18;
	_ =	sdelay $0x4  }
0x251: {  	[tilespmem:v18+s14+$0x0] =	vst.idx.msk $0xffff, v2  }
0x252: {  	v18 =	vld [tilespmem:s25+$0x4C0];
	_ =	sdelay $0x4  }
0x253: {  	v18 =	vshll.u32 v18, $0x7  }
0x254: {  	v18 =	vadd.s32 v14, v18;
	_ =	sdelay $0x4  }
0x255: {  	[tilespmem:v18+s14+$0x0] =	vst.idx.msk $0xffff, v2  }
0x256: {  	v18 =	vld [tilespmem:s25+$0x4D0];
	_ =	sdelay $0x4  }
0x257: {  	v18 =	vshll.u32 v18, $0x7  }
0x258: {  	v18 =	vadd.s32 v15, v18;
	_ =	sdelay $0x4  }
0x259: {  	[tilespmem:v18+s14+$0x0] =	vst.idx.msk $0xffff, v2  }
0x25a: {  	v18 =	vld [tilespmem:s25+$0x4E0];
	_ =	sdelay $0x4  }
0x25b: {  	v18 =	vshll.u32 v18, $0x7  }
0x25c: {  	v18 =	vadd.s32 v16, v18;
	_ =	sdelay $0x4  }
0x25d: {  	[tilespmem:v18+s14+$0x0] =	vst.idx.msk $0xffff, v2  }
0x25e: {  	v18 =	vld [tilespmem:s25+$0x4F0];
	_ =	sdelay $0x4  }
0x25f: {  	v18 =	vshll.u32 v18, $0x7  }
0x260: {  	v18 =	vadd.s32 v17, v18;
	_ =	sdelay $0x4  }
0x261: {  	s31 =	sadd.s32 $0x64080, s30;
	[tilespmem:v18+s14+$0x0] =	vst.idx.msk $0xffff, v2  }
0x262: {  	[hbm4b:s31+s13] =	stream.strided.scatter [tilespmem:s14], [sflag:$0x2], $0x6400, s10, s13, $0x38;
	[tilespmem:$0x1D000] =	vst v63  }
0x263: {  	_ =	swait.ge [sflag:s19], $0x6400  }
0x264: {  	s0 =	sor.u32 $0x800, s28;
	[sflag:s19] =	ssyncset.done $0x0  }
0x265: {  	s31 =	sor.u32 s26, s0;
	[sflag:s19] =	ssyncadd.s32 $0xFFFF9C00  }
0x266: {  	v18 =	vld [tilespmem:s31+$0x0];
	_ =	sdelay $0x4  }
0x267: {  	v18 =	vshll.u32 v18, $0x7  }
0x268: {  	v18 =	vor.u32 v1, v18;
	_ =	sdelay $0x4  }
0x269: {  	[tilespmem:v18+s15+$0x0] =	vst.idx.msk $0xffff, v0  }
0x26a: {  	v18 =	vld [tilespmem:s31+$0x10];
	_ =	sdelay $0x4  }
0x26b: {  	v18 =	vshll.u32 v18, $0x7  }
0x26c: {  	v18 =	vor.u32 v3, v18;
	_ =	sdelay $0x4  }
0x26d: {  	[tilespmem:v18+s15+$0x0] =	vst.idx.msk $0xffff, v0  }
0x26e: {  	v18 =	vld [tilespmem:s31+$0x20];
	_ =	sdelay $0x4  }
0x26f: {  	v18 =	vshll.u32 v18, $0x7  }
0x270: {  	v18 =	vor.u32 v4, v18;
	_ =	sdelay $0x4  }
0x271: {  	[tilespmem:v18+s15+$0x0] =	vst.idx.msk $0xffff, v0  }
0x272: {  	v18 =	vld [tilespmem:s31+$0x30];
	_ =	sdelay $0x4  }
0x273: {  	v18 =	vshll.u32 v18, $0x7  }
0x274: {  	v18 =	vor.u32 v5, v18;
	_ =	sdelay $0x4  }
0x275: {  	[tilespmem:v18+s15+$0x0] =	vst.idx.msk $0xffff, v0  }
0x276: {  	v18 =	vld [tilespmem:s31+$0x40];
	_ =	sdelay $0x4  }
0x277: {  	v18 =	vshll.u32 v18, $0x7  }
0x278: {  	v18 =	vor.u32 v6, v18;
	_ =	sdelay $0x4  }
0x279: {  	[tilespmem:v18+s15+$0x0] =	vst.idx.msk $0xffff, v0  }
0x27a: {  	v18 =	vld [tilespmem:s31+$0x50];
	_ =	sdelay $0x4  }
0x27b: {  	v18 =	vshll.u32 v18, $0x7  }
0x27c: {  	v18 =	vor.u32 v7, v18;
	_ =	sdelay $0x4  }
0x27d: {  	[tilespmem:v18+s15+$0x0] =	vst.idx.msk $0xffff, v0  }
0x27e: {  	v18 =	vld [tilespmem:s31+$0x60];
	_ =	sdelay $0x4  }
0x27f: {  	v18 =	vshll.u32 v18, $0x7  }
0x280: {  	v18 =	vor.u32 v8, v18;
	_ =	sdelay $0x4  }
0x281: {  	[tilespmem:v18+s15+$0x0] =	vst.idx.msk $0xffff, v0  }
0x282: {  	v18 =	vld [tilespmem:s31+$0x70];
	_ =	sdelay $0x4  }
0x283: {  	v18 =	vshll.u32 v18, $0x7  }
0x284: {  	v18 =	vor.u32 v9, v18;
	_ =	sdelay $0x4  }
0x285: {  	s0 =	sor.u32 s29, s0;
	[tilespmem:v18+s15+$0x0] =	vst.idx.msk $0xffff, v0  }
0x286: {  	v18 =	vld [tilespmem:s0+$0x0];
	_ =	sdelay $0x4  }
0x287: {  	v18 =	vshll.u32 v18, $0x7  }
0x288: {  	v18 =	vadd.s32 v10, v18;
	_ =	sdelay $0x4  }
0x289: {  	[tilespmem:v18+s15+$0x0] =	vst.idx.msk $0xffff, v0  }
0x28a: {  	v18 =	vld [tilespmem:s0+$0x10];
	_ =	sdelay $0x4  }
0x28b: {  	v18 =	vshll.u32 v18, $0x7  }
0x28c: {  	v18 =	vadd.s32 v11, v18;
	_ =	sdelay $0x4  }
0x28d: {  	[tilespmem:v18+s15+$0x0] =	vst.idx.msk $0xffff, v0  }
0x28e: {  	v18 =	vld [tilespmem:s0+$0x20];
	_ =	sdelay $0x4  }
0x28f: {  	v18 =	vshll.u32 v18, $0x7  }
0x290: {  	v18 =	vadd.s32 v12, v18;
	_ =	sdelay $0x4  }
0x291: {  	[tilespmem:v18+s15+$0x0] =	vst.idx.msk $0xffff, v0  }
0x292: {  	v18 =	vld [tilespmem:s0+$0x30];
	_ =	sdelay $0x4  }
0x293: {  	v18 =	vshll.u32 v18, $0x7  }
0x294: {  	v18 =	vadd.s32 v13, v18;
	_ =	sdelay $0x4  }
0x295: {  	[tilespmem:v18+s15+$0x0] =	vst.idx.msk $0xffff, v0  }
0x296: {  	v18 =	vld [tilespmem:s0+$0x40];
	_ =	sdelay $0x4  }
0x297: {  	v18 =	vshll.u32 v18, $0x7  }
0x298: {  	v18 =	vadd.s32 v14, v18;
	_ =	sdelay $0x4  }
0x299: {  	[tilespmem:v18+s15+$0x0] =	vst.idx.msk $0xffff, v0  }
0x29a: {  	v18 =	vld [tilespmem:s0+$0x50];
	_ =	sdelay $0x4  }
0x29b: {  	v18 =	vshll.u32 v18, $0x7  }
0x29c: {  	v18 =	vadd.s32 v15, v18;
	_ =	sdelay $0x4  }
0x29d: {  	[tilespmem:v18+s15+$0x0] =	vst.idx.msk $0xffff, v0  }
0x29e: {  	v18 =	vld [tilespmem:s0+$0x60];
	_ =	sdelay $0x4  }
0x29f: {  	v18 =	vshll.u32 v18, $0x7  }
0x2a0: {  	v18 =	vadd.s32 v16, v18;
	_ =	sdelay $0x4  }
0x2a1: {  	[tilespmem:v18+s15+$0x0] =	vst.idx.msk $0xffff, v0  }
0x2a2: {  	v18 =	vld [tilespmem:s0+$0x70];
	_ =	sdelay $0x4  }
0x2a3: {  	v18 =	vshll.u32 v18, $0x7  }
0x2a4: {  	v18 =	vadd.s32 v17, v18;
	_ =	sdelay $0x4  }
0x2a5: {  	[tilespmem:v18+s15+$0x0] =	vst.idx.msk $0xffff, v0  }
0x2a6: {  	v18 =	vld [tilespmem:s25+$0x800];
	_ =	sdelay $0x4  }
0x2a7: {  	v18 =	vshll.u32 v18, $0x7  }
0x2a8: {  	v18 =	vor.u32 v1, v18;
	_ =	sdelay $0x4  }
0x2a9: {  	[tilespmem:v18+s15+$0x0] =	vst.idx.msk $0xffff, v2  }
0x2aa: {  	v18 =	vld [tilespmem:s25+$0x810];
	_ =	sdelay $0x4  }
0x2ab: {  	v18 =	vshll.u32 v18, $0x7  }
0x2ac: {  	v18 =	vor.u32 v3, v18;
	_ =	sdelay $0x4  }
0x2ad: {  	[tilespmem:v18+s15+$0x0] =	vst.idx.msk $0xffff, v2  }
0x2ae: {  	v18 =	vld [tilespmem:s25+$0x820];
	_ =	sdelay $0x4  }
0x2af: {  	v18 =	vshll.u32 v18, $0x7  }
0x2b0: {  	v18 =	vor.u32 v4, v18;
	_ =	sdelay $0x4  }
0x2b1: {  	[tilespmem:v18+s15+$0x0] =	vst.idx.msk $0xffff, v2  }
0x2b2: {  	v18 =	vld [tilespmem:s25+$0x830];
	_ =	sdelay $0x4  }
0x2b3: {  	v18 =	vshll.u32 v18, $0x7  }
0x2b4: {  	v18 =	vor.u32 v5, v18;
	_ =	sdelay $0x4  }
0x2b5: {  	[tilespmem:v18+s15+$0x0] =	vst.idx.msk $0xffff, v2  }
0x2b6: {  	v18 =	vld [tilespmem:s25+$0x840];
	_ =	sdelay $0x4  }
0x2b7: {  	v18 =	vshll.u32 v18, $0x7  }
0x2b8: {  	v18 =	vor.u32 v6, v18;
	_ =	sdelay $0x4  }
0x2b9: {  	[tilespmem:v18+s15+$0x0] =	vst.idx.msk $0xffff, v2  }
0x2ba: {  	v18 =	vld [tilespmem:s25+$0x850];
	_ =	sdelay $0x4  }
0x2bb: {  	v18 =	vshll.u32 v18, $0x7  }
0x2bc: {  	v18 =	vor.u32 v7, v18;
	_ =	sdelay $0x4  }
0x2bd: {  	[tilespmem:v18+s15+$0x0] =	vst.idx.msk $0xffff, v2  }
0x2be: {  	v18 =	vld [tilespmem:s25+$0x860];
	_ =	sdelay $0x4  }
0x2bf: {  	v18 =	vshll.u32 v18, $0x7  }
0x2c0: {  	v18 =	vor.u32 v8, v18;
	_ =	sdelay $0x4  }
0x2c1: {  	[tilespmem:v18+s15+$0x0] =	vst.idx.msk $0xffff, v2  }
0x2c2: {  	v18 =	vld [tilespmem:s25+$0x870];
	_ =	sdelay $0x4  }
0x2c3: {  	v18 =	vshll.u32 v18, $0x7  }
0x2c4: {  	v18 =	vor.u32 v9, v18;
	_ =	sdelay $0x4  }
0x2c5: {  	[tilespmem:v18+s15+$0x0] =	vst.idx.msk $0xffff, v2  }
0x2c6: {  	v18 =	vld [tilespmem:s25+$0x880];
	_ =	sdelay $0x4  }
0x2c7: {  	v18 =	vshll.u32 v18, $0x7  }
0x2c8: {  	v18 =	vadd.s32 v10, v18;
	_ =	sdelay $0x4  }
0x2c9: {  	[tilespmem:v18+s15+$0x0] =	vst.idx.msk $0xffff, v2  }
0x2ca: {  	v18 =	vld [tilespmem:s25+$0x890];
	_ =	sdelay $0x4  }
0x2cb: {  	v18 =	vshll.u32 v18, $0x7  }
0x2cc: {  	v18 =	vadd.s32 v11, v18;
	_ =	sdelay $0x4  }
0x2cd: {  	[tilespmem:v18+s15+$0x0] =	vst.idx.msk $0xffff, v2  }
0x2ce: {  	v18 =	vld [tilespmem:s25+$0x8A0];
	_ =	sdelay $0x4  }
0x2cf: {  	v18 =	vshll.u32 v18, $0x7  }
0x2d0: {  	v18 =	vadd.s32 v12, v18;
	_ =	sdelay $0x4  }
0x2d1: {  	[tilespmem:v18+s15+$0x0] =	vst.idx.msk $0xffff, v2  }
0x2d2: {  	v18 =	vld [tilespmem:s25+$0x8B0];
	_ =	sdelay $0x4  }
0x2d3: {  	v18 =	vshll.u32 v18, $0x7  }
0x2d4: {  	v18 =	vadd.s32 v13, v18;
	_ =	sdelay $0x4  }
0x2d5: {  	[tilespmem:v18+s15+$0x0] =	vst.idx.msk $0xffff, v2  }
0x2d6: {  	v18 =	vld [tilespmem:s25+$0x8C0];
	_ =	sdelay $0x4  }
0x2d7: {  	v18 =	vshll.u32 v18, $0x7  }
0x2d8: {  	v18 =	vadd.s32 v14, v18;
	_ =	sdelay $0x4  }
0x2d9: {  	[tilespmem:v18+s15+$0x0] =	vst.idx.msk $0xffff, v2  }
0x2da: {  	v18 =	vld [tilespmem:s25+$0x8D0];
	_ =	sdelay $0x4  }
0x2db: {  	v18 =	vshll.u32 v18, $0x7  }
0x2dc: {  	v18 =	vadd.s32 v15, v18;
	_ =	sdelay $0x4  }
0x2dd: {  	[tilespmem:v18+s15+$0x0] =	vst.idx.msk $0xffff, v2  }
0x2de: {  	v18 =	vld [tilespmem:s25+$0x8E0];
	_ =	sdelay $0x4  }
0x2df: {  	v18 =	vshll.u32 v18, $0x7  }
0x2e0: {  	v18 =	vadd.s32 v16, v18;
	_ =	sdelay $0x4  }
0x2e1: {  	[tilespmem:v18+s15+$0x0] =	vst.idx.msk $0xffff, v2  }
0x2e2: {  	v18 =	vld [tilespmem:s25+$0x8F0];
	_ =	sdelay $0x4  }
0x2e3: {  	v18 =	vshll.u32 v18, $0x7  }
0x2e4: {  	v18 =	vadd.s32 v17, v18;
	_ =	sdelay $0x4  }
0x2e5: {  	s31 =	sadd.s32 $0x64100, s30;
	[tilespmem:v18+s15+$0x0] =	vst.idx.msk $0xffff, v2  }
0x2e6: {  	[hbm4b:s31+s13] =	stream.strided.scatter [tilespmem:s15], [sflag:$0x3], $0x6400, s10, s13, $0x38;
	[tilespmem:$0x1D000] =	vst v63  }
0x2e7: {  	_ =	swait.ge [sflag:s20], $0x6400  }
0x2e8: {  	s28 =	sor.u32 $0xC00, s28;
	[sflag:s20] =	ssyncset.done $0x0  }
0x2e9: {  	s26 =	sor.u32 s26, s28;
	[sflag:s20] =	ssyncadd.s32 $0xFFFF9C00  }
0x2ea: {  	v18 =	vld [tilespmem:s26+$0x0];
	_ =	sdelay $0x4  }
0x2eb: {  	v18 =	vshll.u32 v18, $0x7  }
0x2ec: {  	v18 =	vor.u32 v1, v18;
	_ =	sdelay $0x4  }
0x2ed: {  	[tilespmem:v18+s16+$0x0] =	vst.idx.msk $0xffff, v0  }
0x2ee: {  	v18 =	vld [tilespmem:s26+$0x10];
	_ =	sdelay $0x4  }
0x2ef: {  	v18 =	vshll.u32 v18, $0x7  }
0x2f0: {  	v18 =	vor.u32 v3, v18;
	_ =	sdelay $0x4  }
0x2f1: {  	[tilespmem:v18+s16+$0x0] =	vst.idx.msk $0xffff, v0  }
0x2f2: {  	v18 =	vld [tilespmem:s26+$0x20];
	_ =	sdelay $0x4  }
0x2f3: {  	v18 =	vshll.u32 v18, $0x7  }
0x2f4: {  	v18 =	vor.u32 v4, v18;
	_ =	sdelay $0x4  }
0x2f5: {  	[tilespmem:v18+s16+$0x0] =	vst.idx.msk $0xffff, v0  }
0x2f6: {  	v18 =	vld [tilespmem:s26+$0x30];
	_ =	sdelay $0x4  }
0x2f7: {  	v18 =	vshll.u32 v18, $0x7  }
0x2f8: {  	v18 =	vor.u32 v5, v18;
	_ =	sdelay $0x4  }
0x2f9: {  	[tilespmem:v18+s16+$0x0] =	vst.idx.msk $0xffff, v0  }
0x2fa: {  	v18 =	vld [tilespmem:s26+$0x40];
	_ =	sdelay $0x4  }
0x2fb: {  	v18 =	vshll.u32 v18, $0x7  }
0x2fc: {  	v18 =	vor.u32 v6, v18;
	_ =	sdelay $0x4  }
0x2fd: {  	[tilespmem:v18+s16+$0x0] =	vst.idx.msk $0xffff, v0  }
0x2fe: {  	v18 =	vld [tilespmem:s26+$0x50];
	_ =	sdelay $0x4  }
0x2ff: {  	v18 =	vshll.u32 v18, $0x7  }
0x300: {  	v18 =	vor.u32 v7, v18;
	_ =	sdelay $0x4  }
0x301: {  	[tilespmem:v18+s16+$0x0] =	vst.idx.msk $0xffff, v0  }
0x302: {  	v18 =	vld [tilespmem:s26+$0x60];
	_ =	sdelay $0x4  }
0x303: {  	v18 =	vshll.u32 v18, $0x7  }
0x304: {  	v18 =	vor.u32 v8, v18;
	_ =	sdelay $0x4  }
0x305: {  	[tilespmem:v18+s16+$0x0] =	vst.idx.msk $0xffff, v0  }
0x306: {  	v18 =	vld [tilespmem:s26+$0x70];
	_ =	sdelay $0x4  }
0x307: {  	v18 =	vshll.u32 v18, $0x7  }
0x308: {  	v18 =	vor.u32 v9, v18;
	_ =	sdelay $0x4  }
0x309: {  	s0 =	sor.u32 s29, s28;
	[tilespmem:v18+s16+$0x0] =	vst.idx.msk $0xffff, v0  }
0x30a: {  	v18 =	vld [tilespmem:s0+$0x0];
	_ =	sdelay $0x4  }
0x30b: {  	v18 =	vshll.u32 v18, $0x7  }
0x30c: {  	v18 =	vadd.s32 v10, v18;
	_ =	sdelay $0x4  }
0x30d: {  	[tilespmem:v18+s16+$0x0] =	vst.idx.msk $0xffff, v0  }
0x30e: {  	v18 =	vld [tilespmem:s0+$0x10];
	_ =	sdelay $0x4  }
0x30f: {  	v18 =	vshll.u32 v18, $0x7  }
0x310: {  	v18 =	vadd.s32 v11, v18;
	_ =	sdelay $0x4  }
0x311: {  	[tilespmem:v18+s16+$0x0] =	vst.idx.msk $0xffff, v0  }
0x312: {  	v18 =	vld [tilespmem:s0+$0x20];
	_ =	sdelay $0x4  }
0x313: {  	v18 =	vshll.u32 v18, $0x7  }
0x314: {  	v18 =	vadd.s32 v12, v18;
	_ =	sdelay $0x4  }
0x315: {  	[tilespmem:v18+s16+$0x0] =	vst.idx.msk $0xffff, v0  }
0x316: {  	v18 =	vld [tilespmem:s0+$0x30];
	_ =	sdelay $0x4  }
0x317: {  	v18 =	vshll.u32 v18, $0x7  }
0x318: {  	v18 =	vadd.s32 v13, v18;
	_ =	sdelay $0x4  }
0x319: {  	[tilespmem:v18+s16+$0x0] =	vst.idx.msk $0xffff, v0  }
0x31a: {  	v18 =	vld [tilespmem:s0+$0x40];
	_ =	sdelay $0x4  }
0x31b: {  	v18 =	vshll.u32 v18, $0x7  }
0x31c: {  	v18 =	vadd.s32 v14, v18;
	_ =	sdelay $0x4  }
0x31d: {  	[tilespmem:v18+s16+$0x0] =	vst.idx.msk $0xffff, v0  }
0x31e: {  	v18 =	vld [tilespmem:s0+$0x50];
	_ =	sdelay $0x4  }
0x31f: {  	v18 =	vshll.u32 v18, $0x7  }
0x320: {  	v18 =	vadd.s32 v15, v18;
	_ =	sdelay $0x4  }
0x321: {  	[tilespmem:v18+s16+$0x0] =	vst.idx.msk $0xffff, v0  }
0x322: {  	v18 =	vld [tilespmem:s0+$0x60];
	_ =	sdelay $0x4  }
0x323: {  	v18 =	vshll.u32 v18, $0x7  }
0x324: {  	v18 =	vadd.s32 v16, v18;
	_ =	sdelay $0x4  }
0x325: {  	[tilespmem:v18+s16+$0x0] =	vst.idx.msk $0xffff, v0  }
0x326: {  	v18 =	vld [tilespmem:s0+$0x70];
	_ =	sdelay $0x4  }
0x327: {  	v18 =	vshll.u32 v18, $0x7  }
0x328: {  	v18 =	vadd.s32 v17, v18;
	_ =	sdelay $0x4  }
0x329: {  	[tilespmem:v18+s16+$0x0] =	vst.idx.msk $0xffff, v0  }
0x32a: {  	v18 =	vld [tilespmem:s25+$0xC00];
	_ =	sdelay $0x4  }
0x32b: {  	v18 =	vshll.u32 v18, $0x7  }
0x32c: {  	v18 =	vor.u32 v1, v18;
	_ =	sdelay $0x4  }
0x32d: {  	[tilespmem:v18+s16+$0x0] =	vst.idx.msk $0xffff, v2  }
0x32e: {  	v18 =	vld [tilespmem:s25+$0xC10];
	_ =	sdelay $0x4  }
0x32f: {  	v18 =	vshll.u32 v18, $0x7  }
0x330: {  	v18 =	vor.u32 v3, v18;
	_ =	sdelay $0x4  }
0x331: {  	[tilespmem:v18+s16+$0x0] =	vst.idx.msk $0xffff, v2  }
0x332: {  	v18 =	vld [tilespmem:s25+$0xC20];
	_ =	sdelay $0x4  }
0x333: {  	v18 =	vshll.u32 v18, $0x7  }
0x334: {  	v18 =	vor.u32 v4, v18;
	_ =	sdelay $0x4  }
0x335: {  	[tilespmem:v18+s16+$0x0] =	vst.idx.msk $0xffff, v2  }
0x336: {  	v18 =	vld [tilespmem:s25+$0xC30];
	_ =	sdelay $0x4  }
0x337: {  	v18 =	vshll.u32 v18, $0x7  }
0x338: {  	v18 =	vor.u32 v5, v18;
	_ =	sdelay $0x4  }
0x339: {  	[tilespmem:v18+s16+$0x0] =	vst.idx.msk $0xffff, v2  }
0x33a: {  	v18 =	vld [tilespmem:s25+$0xC40];
	_ =	sdelay $0x4  }
0x33b: {  	v18 =	vshll.u32 v18, $0x7  }
0x33c: {  	v18 =	vor.u32 v6, v18;
	_ =	sdelay $0x4  }
0x33d: {  	[tilespmem:v18+s16+$0x0] =	vst.idx.msk $0xffff, v2  }
0x33e: {  	v18 =	vld [tilespmem:s25+$0xC50];
	_ =	sdelay $0x4  }
0x33f: {  	v18 =	vshll.u32 v18, $0x7  }
0x340: {  	v18 =	vor.u32 v7, v18;
	_ =	sdelay $0x4  }
0x341: {  	[tilespmem:v18+s16+$0x0] =	vst.idx.msk $0xffff, v2  }
0x342: {  	v18 =	vld [tilespmem:s25+$0xC60];
	_ =	sdelay $0x4  }
0x343: {  	v18 =	vshll.u32 v18, $0x7  }
0x344: {  	v18 =	vor.u32 v8, v18;
	_ =	sdelay $0x4  }
0x345: {  	[tilespmem:v18+s16+$0x0] =	vst.idx.msk $0xffff, v2  }
0x346: {  	v18 =	vld [tilespmem:s25+$0xC70];
	_ =	sdelay $0x4  }
0x347: {  	v18 =	vshll.u32 v18, $0x7  }
0x348: {  	v18 =	vor.u32 v9, v18;
	_ =	sdelay $0x4  }
0x349: {  	[tilespmem:v18+s16+$0x0] =	vst.idx.msk $0xffff, v2  }
0x34a: {  	v18 =	vld [tilespmem:s25+$0xC80];
	_ =	sdelay $0x4  }
0x34b: {  	v18 =	vshll.u32 v18, $0x7  }
0x34c: {  	v18 =	vadd.s32 v10, v18;
	_ =	sdelay $0x4  }
0x34d: {  	[tilespmem:v18+s16+$0x0] =	vst.idx.msk $0xffff, v2  }
0x34e: {  	v18 =	vld [tilespmem:s25+$0xC90];
	_ =	sdelay $0x4  }
0x34f: {  	v18 =	vshll.u32 v18, $0x7  }
0x350: {  	v18 =	vadd.s32 v11, v18;
	_ =	sdelay $0x4  }
0x351: {  	[tilespmem:v18+s16+$0x0] =	vst.idx.msk $0xffff, v2  }
0x352: {  	v18 =	vld [tilespmem:s25+$0xCA0];
	_ =	sdelay $0x4  }
0x353: {  	v18 =	vshll.u32 v18, $0x7  }
0x354: {  	v18 =	vadd.s32 v12, v18;
	_ =	sdelay $0x4  }
0x355: {  	[tilespmem:v18+s16+$0x0] =	vst.idx.msk $0xffff, v2  }
0x356: {  	v18 =	vld [tilespmem:s25+$0xCB0];
	_ =	sdelay $0x4  }
0x357: {  	v18 =	vshll.u32 v18, $0x7  }
0x358: {  	v18 =	vadd.s32 v13, v18;
	_ =	sdelay $0x4  }
0x359: {  	[tilespmem:v18+s16+$0x0] =	vst.idx.msk $0xffff, v2  }
0x35a: {  	v18 =	vld [tilespmem:s25+$0xCC0];
	_ =	sdelay $0x4  }
0x35b: {  	v18 =	vshll.u32 v18, $0x7  }
0x35c: {  	v18 =	vadd.s32 v14, v18;
	_ =	sdelay $0x4  }
0x35d: {  	[tilespmem:v18+s16+$0x0] =	vst.idx.msk $0xffff, v2  }
0x35e: {  	v18 =	vld [tilespmem:s25+$0xCD0];
	_ =	sdelay $0x4  }
0x35f: {  	v18 =	vshll.u32 v18, $0x7  }
0x360: {  	v18 =	vadd.s32 v15, v18;
	_ =	sdelay $0x4  }
0x361: {  	[tilespmem:v18+s16+$0x0] =	vst.idx.msk $0xffff, v2  }
0x362: {  	v18 =	vld [tilespmem:s25+$0xCE0];
	_ =	sdelay $0x4  }
0x363: {  	v18 =	vshll.u32 v18, $0x7  }
0x364: {  	v18 =	vadd.s32 v16, v18;
	_ =	sdelay $0x4  }
0x365: {  	[tilespmem:v18+s16+$0x0] =	vst.idx.msk $0xffff, v2  }
0x366: {  	v18 =	vld [tilespmem:s25+$0xCF0];
	_ =	sdelay $0x4  }
0x367: {  	v18 =	vshll.u32 v18, $0x7  }
0x368: {  	v18 =	vadd.s32 v17, v18  }
0x369: {  	p0 =	sne.s32 s23, $0x44C000  }
.Ltmp4:
0x36a: {  	_ = 	snop;
	(pc) =	sbr.rel @p0 .LBB2_10-.Ltmp4, $4  }
0x36b: {  	_ = 	snop  }
0x36c: {  	s22 =	sadd.s32 $0x400, s22  }
0x36d: {  	s24 =	sadd.s32 $0x100, s24;
	s23 =	sadd.s32 $0x64000, s23;
	s31 =	sadd.s32 $0x64180, s30;
	[tilespmem:v18+s16+$0x0] =	vst.idx.msk $0xffff, v2  }
0x36e: {  	[hbm4b:s31+s13] =	stream.strided.scatter [tilespmem:s16], [sflag:$0x4], $0x6400, s10, s13, $0x38;
	[tilespmem:$0x1D000] =	vst v63  }
0x36f: {  	_ =	swait.ge [sflag:s17], $0x6400  }
0x370: {  	[sflag:s17] =	ssyncset.done $0x0  }
0x371: {  	[sflag:s17] =	ssyncadd.s32 $0xFFFF9C00  }
0x372: {  	_ =	swait.ge [sflag:s18], $0x6400  }
0x373: {  	[sflag:s18] =	ssyncset.done $0x0  }
0x374: {  	s21 =	sadd.s32 $0x1, s21;
	[sflag:s18] =	ssyncadd.s32 $0xFFFF9C00  }
0x375: {  	p0 =	sne.s32 s21, s8;
	_ =	swait.ge [sflag:s19], $0x6400  }
.Ltmp5:
0x376: {  	[sflag:s19] =	ssyncset.done $0x0;
	(pc) =	sbr.rel @p0 .LBB2_1-.Ltmp5, $4  }
0x377: {  	[sflag:s19] =	ssyncadd.s32 $0xFFFF9C00  }
0x378: {  	_ =	swait.ge [sflag:s20], $0x6400  }
0x379: {  	[sflag:s20] =	ssyncset.done $0x0  }
0x37a: {  	[sflag:s20] =	ssyncadd.s32 $0xFFFF9C00  }
0x37b: {  	_ =	sfence.sel $0x180000  }
0x37c: {  	[bflag:$0x0] =	sbarrier.arrive $0xFFFF  }
0x37d: {  	_ =	strace $0x90000047  }
0x37e: {  	[bflag:$0x2] =	sbarrier.arrive $0xFFFF  }
0x37f: {  	p0 =	sne.s32 s1, $0x0;
	s0 =	rddreg [dreg:$0x2]  }
0x380: {  	s0 =	sadd.s32 @!p0 $0x100000, s0  }
0x381: {  	[sflag:s0] =	ssyncadd.tile.s32 @!p0 $0x1;
	_ =	shalt  }
.Lfunc_end2:
_tile_overlayer_lowered:
.L_overlay_start_2:
0x382: {  	(tag) =	ssettag $0x2  }
0x383: {  	s0 =	rddreg [dreg:$0x0];
	s2 =	stileid.u32  }
0x384: {  	s1 =	rddreg [dreg:$0x1];
	p0 =	sne.s32 s2, $0x0  }
0x385: {  	s3 =	rddreg [dreg:$0x2];
	[bflag:$0x3] =	sbarrier.arrive $0xFFFF;
	s2 =	simm.s32 @!p0 $0x1C06  }
0x386: {  	[timem:s3], [sflag:s2] =	dma.local @!p0 [hbm:s0], s1  }
0x387: {  	s0 =	simm.s32 @!p0 $0x6  }
0x388: {  	_ =	swait.ge @!p0 [sflag:s0], s1  }
0x389: {  	s1 =	ssub.s32 @!p0 $0x0, s1;
	[sflag:s0] =	ssyncset.done @!p0 $0x0  }
0x38a: {  	[sflag:s0] =	ssyncadd.s32 @!p0 s1  }
0x38b: {  	[bflag:$0x3] =	sbarrier.arrive $0xFFFF  }
0x38c: {  	_ =	shalt  }

</sc_bundles>
